<compile_context>
chip_gen: v7x
topology: tpu7x:2x2x1
jax: 0.10.2.dev20260603
libtpu: 0.0.44.dev20260713+nightly
codegen_flags: <defaults>
</compile_context>

<pallas_src>
import functools

import jax
import jax.numpy as jnp
from jax import lax
from jax.experimental import pallas as pl
from jax.experimental.pallas import tpu as pltpu
from jax.experimental.pallas import tpu_sc as plsc

N = 10000
NPAD = 10240
E = 320000
D = 128
H = 128
G = 64
C = 32

NW = 16
K = 128
CH = 160
CHC = CH // 2
EW = CH * K
EPAD = NW * EW
NB = 5
RPT = NPAD // 16

BLK = 1024
GRID = NPAD // BLK



def _mesh():
    return plsc.VectorSubcoreMesh(core_axis_name="c", subcore_axis_name="s",
                                  num_cores=2, num_subcores=16)


_SC_PARAMS = pltpu.CompilerParams(use_tc_tiling_on_sc=False)




@functools.cache
def _build_sc_deg():
    return functools.partial(
        pl.kernel,
        out_type=jax.ShapeDtypeStruct((2, NPAD, 16), jnp.float32),
        mesh=_mesh(),
        scratch_types=[
            pltpu.VMEM((CH, K), jnp.int32),
            pltpu.VMEM((K, 16), jnp.float32),
            pltpu.VMEM_SHARED((NPAD, 16), jnp.float32),
        ],
        compiler_params=_SC_PARAMS,
    )(_sc_deg_body)


def _sc_deg(dstw, ones16, zeros16):
    return _build_sc_deg()(dstw, ones16, zeros16)


def _sc_deg_body(dst_hbm, ones_hbm, z_hbm, out_hbm, idx_v, ones_v, acc):
    core = lax.axis_index("c")
    sub = lax.axis_index("s")

    @pl.when(sub == 0)
    def _():
        pltpu.sync_copy(z_hbm, acc)

    plsc.subcore_barrier()
    pltpu.sync_copy(dst_hbm.at[sub], idx_v)
    pltpu.sync_copy(ones_hbm, ones_v)
    off = core * CHC

    def body(j, carry):
        pltpu.sync_copy(ones_v, acc.at[idx_v.at[off + j]], add=True)
        return carry

    lax.fori_loop(0, CHC, body, 0)
    plsc.subcore_barrier()
    start = sub * RPT
    pltpu.sync_copy(acc.at[pl.ds(start, RPT)], out_hbm.at[core].at[pl.ds(start, RPT)])




@functools.cache
def _build_sc_scatter():
    return functools.partial(
        pl.kernel,
        out_type=jax.ShapeDtypeStruct((2, NPAD, 64), jnp.float32),
        mesh=_mesh(),
        scratch_types=[
            pltpu.VMEM((CH, K), jnp.int32),
            pltpu.VMEM((CH, K), jnp.int32),
            [pltpu.VMEM((K, 64), jnp.float32) for _ in range(NB)],
            [pltpu.SemaphoreType.DMA for _ in range(NB)],
            [pltpu.SemaphoreType.DMA for _ in range(NB)],
            pltpu.VMEM_SHARED((NPAD, 64), jnp.float32),
        ],
        compiler_params=_SC_PARAMS,
    )(_sc_scatter_body)


def _sc_scatter(hs2, srcw, dstw, zeros64):
    return _build_sc_scatter()(hs2, srcw, dstw, zeros64)


def _sc_scatter_body(hs_hbm, src_hbm, dst_hbm, z_hbm, out_hbm,
                     sidx, didx, bufs, gsems, ssems, acc):
    core = lax.axis_index("c")
    sub = lax.axis_index("s")

    @pl.when(sub == 0)
    def _():
        pltpu.sync_copy(z_hbm, acc)

    plsc.subcore_barrier()
    pltpu.sync_copy(src_hbm.at[sub], sidx)
    pltpu.sync_copy(dst_hbm.at[sub], didx)
    table = hs_hbm.at[core]

    def _drain(buf, sem):
        pltpu.make_async_copy(z_hbm.at[pl.ds(0, K)], buf, sem).wait()

    for b in range(NB):
        pltpu.async_copy(table.at[sidx.at[b]], bufs[b], gsems[b])

    groups = CH // NB

    def body(j, carry):
        for b in range(NB):
            _drain(bufs[b], gsems[b])
            pltpu.async_copy(bufs[b], acc.at[didx.at[j * NB + b]], ssems[b],
                             add=True)
        for b in range(NB):
            _drain(bufs[b], ssems[b])

            @pl.when(j + 1 < groups)
            def _():
                pltpu.async_copy(table.at[sidx.at[(j + 1) * NB + b]],
                                 bufs[b], gsems[b])

        return carry

    lax.fori_loop(0, groups, body, 0)
    plsc.subcore_barrier()
    start = sub * RPT
    pltpu.sync_copy(acc.at[pl.ds(start, RPT)], out_hbm.at[core].at[pl.ds(start, RPT)])




def _dinv_block(dp_r):
    dp = dp_r[...]
    return lax.rsqrt(1.0 + dp[0, :, 0:1] + dp[1, :, 0:1])


def _a_block(bat_r, i):
    gids = lax.broadcasted_iota(jnp.int32, (G, BLK), 0)
    colid = lax.broadcasted_iota(jnp.int32, (G, BLK), 1) + i * BLK
    return jnp.where((bat_r[...] == gids) & (colid < N), 1.0, 0.0)


def _k0_body(x_r, w_r, dp_r, bat_r, hproj_r, hs_r, cnt_r):
    i = pl.program_id(0)
    h = jnp.dot(x_r[...], w_r[...], preferred_element_type=jnp.float32, precision=lax.Precision.HIGHEST)
    dinv = _dinv_block(dp_r)
    hproj_r[...] = h
    hs = h * dinv
    hs_r[...] = jnp.stack([hs[:, :64], hs[:, 64:]], axis=0)
    a = _a_block(bat_r, i)

    @pl.when(i == 0)
    def _():
        cnt_r[...] = jnp.zeros_like(cnt_r)

    cnt_r[...] += jnp.broadcast_to(jnp.sum(a, axis=1, keepdims=True), (G, 128))


def _tc_prep(xp, W0, degp, batp):
    return pl.pallas_call(
        _k0_body,
        grid=(GRID,),
        in_specs=[
            pl.BlockSpec((BLK, 128), lambda i: (i, 0)),
            pl.BlockSpec((128, 128), lambda i: (0, 0)),
            pl.BlockSpec((2, BLK, 16), lambda i: (0, i, 0)),
            pl.BlockSpec((1, BLK), lambda i: (0, i)),
        ],
        out_specs=[
            pl.BlockSpec((BLK, 128), lambda i: (i, 0)),
            pl.BlockSpec((2, BLK, 64), lambda i: (0, i, 0)),
            pl.BlockSpec((G, 128), lambda i: (0, 0)),
        ],
        out_shape=[
            jax.ShapeDtypeStruct((NPAD, 128), jnp.float32),
            jax.ShapeDtypeStruct((2, NPAD, 64), jnp.float32),
            jax.ShapeDtypeStruct((G, 128), jnp.float32),
        ],
    )(xp, W0, degp, batp)




def _phase0(part_r, hproj_r, dp_r, b_r, a, i, m_s, s1_s, s2_s):
    dinv = _dinv_block(dp_r)
    part = part_r[...]
    s = jnp.concatenate([part[0], part[1]], axis=1)
    m = dinv * s + dinv * dinv * hproj_r[...] + b_r[...]
    m_s[pl.ds(i * BLK, BLK), :] = m

    @pl.when(i == 0)
    def _():
        s1_s[...] = jnp.zeros_like(s1_s)
        s2_s[...] = jnp.zeros_like(s2_s)

    s1_s[...] += jnp.dot(a, m, preferred_element_type=jnp.float32, precision=lax.Precision.HIGHEST)
    s2_s[...] += jnp.dot(a, m * m, preferred_element_type=jnp.float32, precision=lax.Precision.HIGHEST)


def _phase1_norm(cnt_r, gw_r, gb_r, gm_r, a, i, m_s, s1_s, s2_s):
    cnt = jnp.maximum(cnt_r[...], 1.0)
    mean = s1_s[...] / cnt
    msq = s2_s[...] / cnt
    gm = gm_r[...]
    var = msq - mean * mean * gm * (2.0 - gm)
    istd = lax.rsqrt(var + 1e-5)
    dn = (((0,), (0,)), ((), ()))
    mg = lax.dot_general(a, mean * gm, dn, preferred_element_type=jnp.float32, precision=lax.Precision.HIGHEST)
    sb = lax.dot_general(a, istd, dn, preferred_element_type=jnp.float32, precision=lax.Precision.HIGHEST)
    m = m_s[pl.ds(i * BLK, BLK), :]
    out = (m - mg) * sb * gw_r[...] + gb_r[...]
    return jnp.maximum(out, 0.0)


_PARK = lambda j, i: i * (1 - j)
_PARK1 = lambda j, i: i * j

_CM_IN_SPECS = [
    pl.BlockSpec((2, BLK, 64), lambda j, i: (0, _PARK(j, i), 0)),
    pl.BlockSpec((BLK, 128), lambda j, i: (_PARK(j, i), 0)),
    pl.BlockSpec((2, BLK, 16), lambda j, i: (0, i, 0)),
    pl.BlockSpec((1, 128), lambda j, i: (0, 0)),
    pl.BlockSpec((1, BLK), lambda j, i: (0, i)),
    pl.BlockSpec((G, 128), lambda j, i: (0, 0)),
    pl.BlockSpec((1, 128), lambda j, i: (0, 0)),
    pl.BlockSpec((1, 128), lambda j, i: (0, 0)),
    pl.BlockSpec((1, 128), lambda j, i: (0, 0)),
]

_CM_SCRATCH = [
    pltpu.VMEM((NPAD, 128), jnp.float32),
    pltpu.VMEM((G, 128), jnp.float32),
    pltpu.VMEM((G, 128), jnp.float32),
]


def _cm_body(part_r, hproj_r, dp_r, b_r, bat_r, cnt_r, gw_r, gb_r, gm_r,
             wn_r, hpn_r, hsn_r, gsum_r, m_s, s1_s, s2_s):
    j = pl.program_id(0)
    i = pl.program_id(1)
    a = _a_block(bat_r, i)

    @pl.when(j == 0)
    def _():
        _phase0(part_r, hproj_r, dp_r, b_r, a, i, m_s, s1_s, s2_s)

    @pl.when(j == 1)
    def _():
        h = _phase1_norm(cnt_r, gw_r, gb_r, gm_r, a, i, m_s, s1_s, s2_s)

        @pl.when(i == 0)
        def _():
            gsum_r[...] = jnp.zeros_like(gsum_r)

        gsum_r[...] += jnp.dot(a, h, preferred_element_type=jnp.float32, precision=lax.Precision.HIGHEST)
        hpn = jnp.dot(h, wn_r[...], preferred_element_type=jnp.float32, precision=lax.Precision.HIGHEST)
        hpn_r[...] = hpn
        hsn = hpn * _dinv_block(dp_r)
        hsn_r[...] = jnp.stack([hsn[:, :64], hsn[:, 64:]], axis=0)


def _tc_layer(part, hproj, degp, b2d, batp, counts, gw, gb, gm, Wn):
    return pl.pallas_call(
        _cm_body,
        grid=(2, GRID),
        in_specs=_CM_IN_SPECS + [
            pl.BlockSpec((128, 128), lambda j, i: (0, 0)),
        ],
        out_specs=[
            pl.BlockSpec((BLK, 128), lambda j, i: (_PARK1(j, i), 0)),
            pl.BlockSpec((2, BLK, 64), lambda j, i: (0, _PARK1(j, i), 0)),
            pl.BlockSpec((G, 128), lambda j, i: (0, 0)),
        ],
        out_shape=[
            jax.ShapeDtypeStruct((NPAD, 128), jnp.float32),
            jax.ShapeDtypeStruct((2, NPAD, 64), jnp.float32),
            jax.ShapeDtypeStruct((G, 128), jnp.float32),
        ],
        scratch_shapes=_CM_SCRATCH,
    )(part, hproj, degp, b2d, batp, counts, gw, gb, gm, Wn)


def _cm_last_body(part_r, hproj_r, dp_r, b_r, bat_r, cnt_r, gw_r, gb_r, gm_r,
                  g1_r, g2_r, w1_r, b1_r, w2_r, b2_r,
                  h_r, z_r, m_s, s1_s, s2_s, g3_s):
    j = pl.program_id(0)
    i = pl.program_id(1)
    a = _a_block(bat_r, i)

    @pl.when(j == 0)
    def _():
        _phase0(part_r, hproj_r, dp_r, b_r, a, i, m_s, s1_s, s2_s)

    @pl.when(j == 1)
    def _():
        h = _phase1_norm(cnt_r, gw_r, gb_r, gm_r, a, i, m_s, s1_s, s2_s)
        h_r[...] = h

        @pl.when(i == 0)
        def _():
            g3_s[...] = jnp.zeros_like(g3_s)

        g3_s[...] += jnp.dot(a, h, preferred_element_type=jnp.float32, precision=lax.Precision.HIGHEST)

        @pl.when(i == GRID - 1)
        def _():
            cnt = jnp.maximum(cnt_r[...], 1.0)
            pooled = jnp.concatenate(
                [g1_r[...] / cnt, g2_r[...] / cnt, g3_s[...] / cnt], axis=1)
            z = jnp.dot(pooled, w1_r[...], preferred_element_type=jnp.float32, precision=lax.Precision.HIGHEST) + b1_r[...]
            z = jnp.maximum(z, 0.0)
            z = jnp.dot(z, w2_r[...], preferred_element_type=jnp.float32, precision=lax.Precision.HIGHEST) + b2_r[...]
            mask = lax.broadcasted_iota(jnp.int32, (G, 128), 1) < C
            z = jnp.where(mask, z, -jnp.inf)
            zmax = jnp.max(z, axis=1, keepdims=True)
            ez = jnp.where(mask, jnp.exp(z - zmax), 0.0)
            lse = jnp.log(jnp.sum(ez, axis=1, keepdims=True)) + zmax
            z_r[...] = jnp.where(mask, z - lse, 0.0)


def _tc_layer_last(part, hproj, degp, b2d, batp, counts, gw, gb, gm,
                   g1, g2, Wd1, bd1, Wd2p, bd2p):
    return pl.pallas_call(
        _cm_last_body,
        grid=(2, GRID),
        in_specs=_CM_IN_SPECS + [
            pl.BlockSpec((G, 128), lambda j, i: (0, 0)),
            pl.BlockSpec((G, 128), lambda j, i: (0, 0)),
            pl.BlockSpec((3 * H, 3 * H), lambda j, i: (0, 0)),
            pl.BlockSpec((1, 3 * H), lambda j, i: (0, 0)),
            pl.BlockSpec((3 * H, 128), lambda j, i: (0, 0)),
            pl.BlockSpec((1, 128), lambda j, i: (0, 0)),
        ],
        out_specs=[
            pl.BlockSpec((BLK, 128), lambda j, i: (_PARK1(j, i), 0)),
            pl.BlockSpec((G, 128), lambda j, i: (0, 0)),
        ],
        out_shape=[
            jax.ShapeDtypeStruct((NPAD, 128), jnp.float32),
            jax.ShapeDtypeStruct((G, 128), jnp.float32),
        ],
        scratch_shapes=_CM_SCRATCH + [pltpu.VMEM((G, 128), jnp.float32)],
    )(part, hproj, degp, b2d, batp, counts, gw, gb, gm,
      g1, g2, Wd1, bd1, Wd2p, bd2p)




def kernel(x, edge_index, batch, W0, b0, gnw0, gnb0, gnm0, W1, b1, gnw1,
           gnb1, gnm1, W2, b2, gnw2, gnb2, gnm2, Wd1, bd1, Wd2, bd2):
    f32 = jnp.float32
    xp = jnp.pad(x, ((0, NPAD - N), (0, 0)))
    pad_ids = N + jnp.arange(EPAD - E, dtype=jnp.int32) % (NPAD - N)
    srcw = jnp.concatenate(
        [edge_index[0].astype(jnp.int32), pad_ids]).reshape(NW, CH, K)
    dstw = jnp.concatenate(
        [edge_index[1].astype(jnp.int32), pad_ids]).reshape(NW, CH, K)
    batp = jnp.pad(batch.astype(jnp.int32), (0, NPAD - N)).reshape(1, NPAD)

    zeros64 = jnp.zeros((NPAD, 64), f32)
    zeros16 = jnp.zeros((NPAD, 16), f32)
    ones16 = jnp.ones((K, 16), f32)

    degp = _sc_deg(dstw, ones16, zeros16)
    hproj, hs, counts = _tc_prep(xp, W0, degp, batp)

    gsums = []
    for (b, gw, gb, gm, Wn) in ((b0, gnw0, gnb0, gnm0, W1),
                                (b1, gnw1, gnb1, gnm1, W2)):
        part = _sc_scatter(hs, srcw, dstw, zeros64)
        hproj, hs, g = _tc_layer(part, hproj, degp, b.reshape(1, 128), batp,
                                 counts, gw.reshape(1, 128),
                                 gb.reshape(1, 128), gm.reshape(1, 128), Wn)
        gsums.append(g)

    part = _sc_scatter(hs, srcw, dstw, zeros64)
    Wd2p = jnp.pad(Wd2, ((0, 0), (0, 128 - C)))
    bd2p = jnp.pad(bd2, (0, 128 - C)).reshape(1, 128)
    h_last, zp = _tc_layer_last(
        part, hproj, degp, b2.reshape(1, 128), batp, counts,
        gnw2.reshape(1, 128), gnb2.reshape(1, 128), gnm2.reshape(1, 128),
        gsums[0], gsums[1], Wd1, bd1.reshape(1, 3 * H), Wd2p, bd2p)
    return (h_last[:N], zp[:, :C])

# --- scband reference (transcript-rebuilt; emitter-appended) ---
"""Pipeline reference for scband-gcn-24000277250640 (READ-ONLY COPY).

The authoritative reference and input builder live on the scoring server;
editing this copy changes nothing except your own understanding.
"""

import jax, jax.numpy as jnp
import numpy as np

N = 10000
E = 320000
D = 128
H = 128
L = 3
G = 64
C = 32

def _segment_mean(data, seg, num):
    s = jax.ops.segment_sum(data, seg, num_segments=num)
    c = jax.ops.segment_sum(jnp.ones((data.shape[0],), dtype=data.dtype), seg, num_segments=num)
    c = jnp.clip(c, 1.0, None)
    return s / c[:, None]

def _gcn_conv(x, src, dst, W, b):
    n = x.shape[0]
    h = x @ W
    loop = jnp.arange(n)
    s = jnp.concatenate([src, loop])
    d = jnp.concatenate([dst, loop])
    deg = jax.ops.segment_sum(jnp.ones_like(d, dtype=h.dtype), d, num_segments=n)
    dinv = jnp.where(deg > 0, jax.lax.rsqrt(jnp.maximum(deg, 1e-12)), 0.0)
    norm = dinv[s] * dinv[d]
    msg = h[s] * norm[:, None]
    out = jax.ops.segment_sum(msg, d, num_segments=n)
    return out + b

def _graph_norm(x, batch, w, bias, ms, num_graphs, eps=1e-5):
    mean = _segment_mean(x, batch, num_graphs)
    out = x - mean[batch] * ms
    var = _segment_mean(out * out, batch, num_graphs)
    std = jnp.sqrt(var[batch] + eps)
    return out / std * w + bias

def setup_inputs(seed: int = 0):
    key = jax.random.key(seed)
    ks = jax.random.split(key, 24)
    inp = {}
    inp["x"] = jax.random.normal(ks[0], (N, D), dtype=jnp.float32)
    inp["edge_index"] = jax.random.randint(ks[1], (2, E), 0, N)
    inp["batch"] = jnp.sort(jax.random.randint(ks[2], (N,), 0, G))
    dims = [(D, H), (H, H), (H, H)]
    for i, (din, dout) in enumerate(dims):
        inp["W%d" % i] = jax.random.normal(ks[3 + i], (din, dout), dtype=jnp.float32) * (1.0 / np.sqrt(din))
        inp["b%d" % i] = jnp.zeros((dout,), dtype=jnp.float32)
        inp["gnw%d" % i] = jnp.ones((dout,), dtype=jnp.float32)
        inp["gnb%d" % i] = jnp.zeros((dout,), dtype=jnp.float32)
        inp["gnm%d" % i] = jnp.ones((dout,), dtype=jnp.float32)
    hd = H * L
    inp["Wd1"] = jax.random.normal(ks[10], (hd, hd), dtype=jnp.float32) * (1.0 / np.sqrt(hd))
    inp["bd1"] = jnp.zeros((hd,), dtype=jnp.float32)
    inp["Wd2"] = jax.random.normal(ks[11], (hd, C), dtype=jnp.float32) * (1.0 / np.sqrt(hd))
    inp["bd2"] = jnp.zeros((C,), dtype=jnp.float32)
    return inp

def reference(x, edge_index, batch, W0, b0, gnw0, gnb0, gnm0, W1, b1, gnw1, gnb1, gnm1, W2, b2, gnw2, gnb2, gnm2, Wd1, bd1, Wd2, bd2):
    src, dst = edge_index[0], edge_index[1]
    layers = [(W0, b0, gnw0, gnb0, gnm0), (W1, b1, gnw1, gnb1, gnm1), (W2, b2, gnw2, gnb2, gnm2)]
    h = x
    embs = []
    for (W, b, gw, gb, gm) in layers:
        h = _gcn_conv(h, src, dst, W, b)
        h = _graph_norm(h, batch, gw, gb, gm, G)
        h = jax.nn.relu(h)
        embs.append(h)
    cat = jnp.concatenate(embs, axis=1)
    pooled = _segment_mean(cat, batch, G)
    z = jax.nn.relu(pooled @ Wd1 + bd1)
    z = z @ Wd2 + bd2
    z = jax.nn.log_softmax(z, axis=1)
    return (embs[-1], z)

if __name__ == "__main__":
    import jax
    _d = setup_inputs()
    print(jax.jit(kernel)(*tuple(_d.values())))

</pallas_src>

<mosaic_0001>
#map = affine_map<(d0, d1) -> (0, 0, 0)>
#map1 = affine_map<(d0, d1) -> (0, 0)>
module attributes {stable_mosaic.version = 14 : i64} {
  func.func @_sc_scatter_body(%arg0: i32, %arg1: i32, %arg2: memref<2x10240x64xf32, #tpu.memory_space<hbm>>, %arg3: memref<16x160x128xi32, #tpu.memory_space<hbm>>, %arg4: memref<16x160x128xi32, #tpu.memory_space<hbm>>, %arg5: memref<10240x64xf32, #tpu.memory_space<hbm>>, %arg6: memref<2x10240x64xf32, #tpu.memory_space<hbm>>, %arg7: memref<160x128xi32, #tpu.memory_space<vmem>>, %arg8: memref<160x128xi32, #tpu.memory_space<vmem>>, %arg9: memref<128x64xf32, #tpu.memory_space<vmem>>, %arg10: memref<128x64xf32, #tpu.memory_space<vmem>>, %arg11: memref<128x64xf32, #tpu.memory_space<vmem>>, %arg12: memref<128x64xf32, #tpu.memory_space<vmem>>, %arg13: memref<128x64xf32, #tpu.memory_space<vmem>>, %arg14: memref<!tpu.dma_semaphore, #tpu.memory_space<semaphore_mem>>, %arg15: memref<!tpu.dma_semaphore, #tpu.memory_space<semaphore_mem>>, %arg16: memref<!tpu.dma_semaphore, #tpu.memory_space<semaphore_mem>>, %arg17: memref<!tpu.dma_semaphore, #tpu.memory_space<semaphore_mem>>, %arg18: memref<!tpu.dma_semaphore, #tpu.memory_space<semaphore_mem>>, %arg19: memref<!tpu.dma_semaphore, #tpu.memory_space<semaphore_mem>>, %arg20: memref<!tpu.dma_semaphore, #tpu.memory_space<semaphore_mem>>, %arg21: memref<!tpu.dma_semaphore, #tpu.memory_space<semaphore_mem>>, %arg22: memref<!tpu.dma_semaphore, #tpu.memory_space<semaphore_mem>>, %arg23: memref<!tpu.dma_semaphore, #tpu.memory_space<semaphore_mem>>, %arg24: memref<10240x64xf32, #tpu.memory_space<vmem_shared>>) attributes {dimension_semantics = [#tpu.dimension_semantics<core_parallel>, #tpu.dimension_semantics<subcore_parallel>], iteration_bounds = array<i64: 2, 16>, scalar_prefetch = 0 : i64, scratch_operands = 18 : i64, tpu.core_type = #tpu.core_type<sc_vector_subcore>, window_params = [{transform_indices = #map}, {transform_indices = #map}, {transform_indices = #map}, {transform_indices = #map1}, {transform_indices = #map}]} {
    %eq3A = arith.constant 0 : i32
    %eq3A_0 = arith.cmpi eq, %arg1, %eq3A : i32
    %convert_element_type3A = arith.extui %eq3A_0 : i1 to i32
    %cond3A = arith.constant 0 : i32
    %cond3A_1 = arith.cmpi ne, %convert_element_type3A, %cond3A : i32
    scf.if %cond3A_1 {
      "tpu.region"() ({
        %run_scoped3A = tpu.sem_alloc : memref<!tpu.dma_semaphore, #tpu.memory_space<semaphore_mem>>
        tpu.enqueue_dma source(%arg5 : memref<10240x64xf32, #tpu.memory_space<hbm>>) target(%arg24 : memref<10240x64xf32, #tpu.memory_space<vmem_shared>>) target_semaphore(%run_scoped3A : memref<!tpu.dma_semaphore, #tpu.memory_space<semaphore_mem>>)
        tpu.wait_dma2 semaphore(%run_scoped3A : memref<!tpu.dma_semaphore, #tpu.memory_space<semaphore_mem>>) src(%arg5 : memref<10240x64xf32, #tpu.memory_space<hbm>>) dst(%arg24 : memref<10240x64xf32, #tpu.memory_space<vmem_shared>>)
        tpu.yield
      }) : () -> ()
    } else {
    }
    %barrier3A = arith.constant 0 : index
    tpu.barrier barrier_id(%barrier3A)
    "tpu.region"() ({
      %run_scoped3A = tpu.sem_alloc : memref<!tpu.dma_semaphore, #tpu.memory_space<semaphore_mem>>
      %dma_start3A_63 = arith.constant 0 : i32
      %dma_start3A_64 = arith.constant 0 : i32
      %dma_start3A_65 = tpu.memref_slice %arg3[%arg1, %dma_start3A_63, %dma_start3A_64] : memref<16x160x128xi32, #tpu.memory_space<hbm>> -> memref<1x160x128xi32, #tpu.memory_space<hbm>>
      %dma_start3A_66 = tpu.memref_squeeze %dma_start3A_65 : memref<1x160x128xi32, #tpu.memory_space<hbm>> -> memref<160x128xi32, #tpu.memory_space<hbm>>
      %dma_start3A_67 = arith.constant 0 : i32
      %dma_start3A_68 = arith.constant 0 : i32
      %dma_start3A_69 = tpu.memref_slice %arg3[%arg1, %dma_start3A_67, %dma_start3A_68] : memref<16x160x128xi32, #tpu.memory_space<hbm>> -> memref<1x160x128xi32, #tpu.memory_space<hbm>>
      %dma_start3A_70 = tpu.memref_squeeze %dma_start3A_69 : memref<1x160x128xi32, #tpu.memory_space<hbm>> -> memref<160x128xi32, #tpu.memory_space<hbm>>
      tpu.enqueue_dma source(%dma_start3A_70 : memref<160x128xi32, #tpu.memory_space<hbm>>) target(%arg7 : memref<160x128xi32, #tpu.memory_space<vmem>>) target_semaphore(%run_scoped3A : memref<!tpu.dma_semaphore, #tpu.memory_space<semaphore_mem>>)
      %dma_wait3A = arith.constant 0 : i32
      %dma_wait3A_71 = arith.constant 0 : i32
      %dma_wait3A_72 = tpu.memref_slice %arg3[%arg1, %dma_wait3A, %dma_wait3A_71] : memref<16x160x128xi32, #tpu.memory_space<hbm>> -> memref<1x160x128xi32, #tpu.memory_space<hbm>>
      %dma_wait3A_73 = tpu.memref_squeeze %dma_wait3A_72 : memref<1x160x128xi32, #tpu.memory_space<hbm>> -> memref<160x128xi32, #tpu.memory_space<hbm>>
      %dma_wait3A_74 = arith.constant 0 : i32
      %dma_wait3A_75 = arith.constant 0 : i32
      %dma_wait3A_76 = tpu.memref_slice %arg3[%arg1, %dma_wait3A_74, %dma_wait3A_75] : memref<16x160x128xi32, #tpu.memory_space<hbm>> -> memref<1x160x128xi32, #tpu.memory_space<hbm>>
      %dma_wait3A_77 = tpu.memref_squeeze %dma_wait3A_76 : memref<1x160x128xi32, #tpu.memory_space<hbm>> -> memref<160x128xi32, #tpu.memory_space<hbm>>
      tpu.wait_dma2 semaphore(%run_scoped3A : memref<!tpu.dma_semaphore, #tpu.memory_space<semaphore_mem>>) src(%dma_wait3A_77 : memref<160x128xi32, #tpu.memory_space<hbm>>) dst(%arg7 : memref<160x128xi32, #tpu.memory_space<vmem>>)
      tpu.yield
    }) : () -> ()
    "tpu.region"() ({
      %run_scoped3A = tpu.sem_alloc : memref<!tpu.dma_semaphore, #tpu.memory_space<semaphore_mem>>
      %dma_start3A_63 = arith.constant 0 : i32
      %dma_start3A_64 = arith.constant 0 : i32
      %dma_start3A_65 = tpu.memref_slice %arg4[%arg1, %dma_start3A_63, %dma_start3A_64] : memref<16x160x128xi32, #tpu.memory_space<hbm>> -> memref<1x160x128xi32, #tpu.memory_space<hbm>>
      %dma_start3A_66 = tpu.memref_squeeze %dma_start3A_65 : memref<1x160x128xi32, #tpu.memory_space<hbm>> -> memref<160x128xi32, #tpu.memory_space<hbm>>
      %dma_start3A_67 = arith.constant 0 : i32
      %dma_start3A_68 = arith.constant 0 : i32
      %dma_start3A_69 = tpu.memref_slice %arg4[%arg1, %dma_start3A_67, %dma_start3A_68] : memref<16x160x128xi32, #tpu.memory_space<hbm>> -> memref<1x160x128xi32, #tpu.memory_space<hbm>>
      %dma_start3A_70 = tpu.memref_squeeze %dma_start3A_69 : memref<1x160x128xi32, #tpu.memory_space<hbm>> -> memref<160x128xi32, #tpu.memory_space<hbm>>
      tpu.enqueue_dma source(%dma_start3A_70 : memref<160x128xi32, #tpu.memory_space<hbm>>) target(%arg8 : memref<160x128xi32, #tpu.memory_space<vmem>>) target_semaphore(%run_scoped3A : memref<!tpu.dma_semaphore, #tpu.memory_space<semaphore_mem>>)
      %dma_wait3A = arith.constant 0 : i32
      %dma_wait3A_71 = arith.constant 0 : i32
      %dma_wait3A_72 = tpu.memref_slice %arg4[%arg1, %dma_wait3A, %dma_wait3A_71] : memref<16x160x128xi32, #tpu.memory_space<hbm>> -> memref<1x160x128xi32, #tpu.memory_space<hbm>>
      %dma_wait3A_73 = tpu.memref_squeeze %dma_wait3A_72 : memref<1x160x128xi32, #tpu.memory_space<hbm>> -> memref<160x128xi32, #tpu.memory_space<hbm>>
      %dma_wait3A_74 = arith.constant 0 : i32
      %dma_wait3A_75 = arith.constant 0 : i32
      %dma_wait3A_76 = tpu.memref_slice %arg4[%arg1, %dma_wait3A_74, %dma_wait3A_75] : memref<16x160x128xi32, #tpu.memory_space<hbm>> -> memref<1x160x128xi32, #tpu.memory_space<hbm>>
      %dma_wait3A_77 = tpu.memref_squeeze %dma_wait3A_76 : memref<1x160x128xi32, #tpu.memory_space<hbm>> -> memref<160x128xi32, #tpu.memory_space<hbm>>
      tpu.wait_dma2 semaphore(%run_scoped3A : memref<!tpu.dma_semaphore, #tpu.memory_space<semaphore_mem>>) src(%dma_wait3A_77 : memref<160x128xi32, #tpu.memory_space<hbm>>) dst(%arg8 : memref<160x128xi32, #tpu.memory_space<vmem>>)
      tpu.yield
    }) : () -> ()
    %dma_start3A = arith.constant 0 : i32
    %dma_start3A_2 = arith.constant 0 : i32
    %dma_start3A_3 = tpu.memref_slice %arg7[%dma_start3A, %dma_start3A_2] : memref<160x128xi32, #tpu.memory_space<vmem>> -> memref<1x128xi32, #tpu.memory_space<vmem>>
    %dma_start3A_4 = tpu.memref_squeeze %dma_start3A_3 : memref<1x128xi32, #tpu.memory_space<vmem>> -> memref<128xi32, #tpu.memory_space<vmem>>
    %dma_start3A_5 = arith.constant 0 : i32
    %dma_start3A_6 = arith.constant 0 : i32
    %dma_start3A_7 = tpu.memref_slice %arg2[%arg0, %dma_start3A_5, %dma_start3A_6] : memref<2x10240x64xf32, #tpu.memory_space<hbm>> -> memref<1x10240x64xf32, #tpu.memory_space<hbm>>
    %dma_start3A_8 = tpu.memref_squeeze %dma_start3A_7 : memref<1x10240x64xf32, #tpu.memory_space<hbm>> -> memref<10240x64xf32, #tpu.memory_space<hbm>>
    %dma_start3A_9 = arith.constant 0 : i32
    %dma_start3A_10 = arith.constant 0 : i32
    %dma_start3A_11 = tpu.memref_slice %dma_start3A_8[%dma_start3A_9, %dma_start3A_10] : memref<10240x64xf32, #tpu.memory_space<hbm>> -> memref<10240x64xf32, #tpu.memory_space<hbm>>
    tpu.enqueue_indirect_dma source(%dma_start3A_11 : memref<10240x64xf32, #tpu.memory_space<hbm>>) target(%arg9 : memref<128x64xf32, #tpu.memory_space<vmem>>) offsets(%dma_start3A_4 : memref<128xi32, #tpu.memory_space<vmem>>) semaphore(%arg14 : memref<!tpu.dma_semaphore, #tpu.memory_space<semaphore_mem>>)
    %dma_start3A_12 = arith.constant 1 : i32
    %dma_start3A_13 = arith.constant 0 : i32
    %dma_start3A_14 = tpu.memref_slice %arg7[%dma_start3A_12, %dma_start3A_13] : memref<160x128xi32, #tpu.memory_space<vmem>> -> memref<1x128xi32, #tpu.memory_space<vmem>>
    %dma_start3A_15 = tpu.memref_squeeze %dma_start3A_14 : memref<1x128xi32, #tpu.memory_space<vmem>> -> memref<128xi32, #tpu.memory_space<vmem>>
    %dma_start3A_16 = arith.constant 0 : i32
    %dma_start3A_17 = arith.constant 0 : i32
    %dma_start3A_18 = tpu.memref_slice %arg2[%arg0, %dma_start3A_16, %dma_start3A_17] : memref<2x10240x64xf32, #tpu.memory_space<hbm>> -> memref<1x10240x64xf32, #tpu.memory_space<hbm>>
    %dma_start3A_19 = tpu.memref_squeeze %dma_start3A_18 : memref<1x10240x64xf32, #tpu.memory_space<hbm>> -> memref<10240x64xf32, #tpu.memory_space<hbm>>
    %dma_start3A_20 = arith.constant 0 : i32
    %dma_start3A_21 = arith.constant 0 : i32
    %dma_start3A_22 = tpu.memref_slice %dma_start3A_19[%dma_start3A_20, %dma_start3A_21] : memref<10240x64xf32, #tpu.memory_space<hbm>> -> memref<10240x64xf32, #tpu.memory_space<hbm>>
    tpu.enqueue_indirect_dma source(%dma_start3A_22 : memref<10240x64xf32, #tpu.memory_space<hbm>>) target(%arg10 : memref<128x64xf32, #tpu.memory_space<vmem>>) offsets(%dma_start3A_15 : memref<128xi32, #tpu.memory_space<vmem>>) semaphore(%arg15 : memref<!tpu.dma_semaphore, #tpu.memory_space<semaphore_mem>>)
    %dma_start3A_23 = arith.constant 2 : i32
    %dma_start3A_24 = arith.constant 0 : i32
    %dma_start3A_25 = tpu.memref_slice %arg7[%dma_start3A_23, %dma_start3A_24] : memref<160x128xi32, #tpu.memory_space<vmem>> -> memref<1x128xi32, #tpu.memory_space<vmem>>
    %dma_start3A_26 = tpu.memref_squeeze %dma_start3A_25 : memref<1x128xi32, #tpu.memory_space<vmem>> -> memref<128xi32, #tpu.memory_space<vmem>>
    %dma_start3A_27 = arith.constant 0 : i32
    %dma_start3A_28 = arith.constant 0 : i32
    %dma_start3A_29 = tpu.memref_slice %arg2[%arg0, %dma_start3A_27, %dma_start3A_28] : memref<2x10240x64xf32, #tpu.memory_space<hbm>> -> memref<1x10240x64xf32, #tpu.memory_space<hbm>>
    %dma_start3A_30 = tpu.memref_squeeze %dma_start3A_29 : memref<1x10240x64xf32, #tpu.memory_space<hbm>> -> memref<10240x64xf32, #tpu.memory_space<hbm>>
    %dma_start3A_31 = arith.constant 0 : i32
    %dma_start3A_32 = arith.constant 0 : i32
    %dma_start3A_33 = tpu.memref_slice %dma_start3A_30[%dma_start3A_31, %dma_start3A_32] : memref<10240x64xf32, #tpu.memory_space<hbm>> -> memref<10240x64xf32, #tpu.memory_space<hbm>>
    tpu.enqueue_indirect_dma source(%dma_start3A_33 : memref<10240x64xf32, #tpu.memory_space<hbm>>) target(%arg11 : memref<128x64xf32, #tpu.memory_space<vmem>>) offsets(%dma_start3A_26 : memref<128xi32, #tpu.memory_space<vmem>>) semaphore(%arg16 : memref<!tpu.dma_semaphore, #tpu.memory_space<semaphore_mem>>)
    %dma_start3A_34 = arith.constant 3 : i32
    %dma_start3A_35 = arith.constant 0 : i32
    %dma_start3A_36 = tpu.memref_slice %arg7[%dma_start3A_34, %dma_start3A_35] : memref<160x128xi32, #tpu.memory_space<vmem>> -> memref<1x128xi32, #tpu.memory_space<vmem>>
    %dma_start3A_37 = tpu.memref_squeeze %dma_start3A_36 : memref<1x128xi32, #tpu.memory_space<vmem>> -> memref<128xi32, #tpu.memory_space<vmem>>
    %dma_start3A_38 = arith.constant 0 : i32
    %dma_start3A_39 = arith.constant 0 : i32
    %dma_start3A_40 = tpu.memref_slice %arg2[%arg0, %dma_start3A_38, %dma_start3A_39] : memref<2x10240x64xf32, #tpu.memory_space<hbm>> -> memref<1x10240x64xf32, #tpu.memory_space<hbm>>
    %dma_start3A_41 = tpu.memref_squeeze %dma_start3A_40 : memref<1x10240x64xf32, #tpu.memory_space<hbm>> -> memref<10240x64xf32, #tpu.memory_space<hbm>>
    %dma_start3A_42 = arith.constant 0 : i32
    %dma_start3A_43 = arith.constant 0 : i32
    %dma_start3A_44 = tpu.memref_slice %dma_start3A_41[%dma_start3A_42, %dma_start3A_43] : memref<10240x64xf32, #tpu.memory_space<hbm>> -> memref<10240x64xf32, #tpu.memory_space<hbm>>
    tpu.enqueue_indirect_dma source(%dma_start3A_44 : memref<10240x64xf32, #tpu.memory_space<hbm>>) target(%arg12 : memref<128x64xf32, #tpu.memory_space<vmem>>) offsets(%dma_start3A_37 : memref<128xi32, #tpu.memory_space<vmem>>) semaphore(%arg17 : memref<!tpu.dma_semaphore, #tpu.memory_space<semaphore_mem>>)
    %dma_start3A_45 = arith.constant 4 : i32
    %dma_start3A_46 = arith.constant 0 : i32
    %dma_start3A_47 = tpu.memref_slice %arg7[%dma_start3A_45, %dma_start3A_46] : memref<160x128xi32, #tpu.memory_space<vmem>> -> memref<1x128xi32, #tpu.memory_space<vmem>>
    %dma_start3A_48 = tpu.memref_squeeze %dma_start3A_47 : memref<1x128xi32, #tpu.memory_space<vmem>> -> memref<128xi32, #tpu.memory_space<vmem>>
    %dma_start3A_49 = arith.constant 0 : i32
    %dma_start3A_50 = arith.constant 0 : i32
    %dma_start3A_51 = tpu.memref_slice %arg2[%arg0, %dma_start3A_49, %dma_start3A_50] : memref<2x10240x64xf32, #tpu.memory_space<hbm>> -> memref<1x10240x64xf32, #tpu.memory_space<hbm>>
    %dma_start3A_52 = tpu.memref_squeeze %dma_start3A_51 : memref<1x10240x64xf32, #tpu.memory_space<hbm>> -> memref<10240x64xf32, #tpu.memory_space<hbm>>
    %dma_start3A_53 = arith.constant 0 : i32
    %dma_start3A_54 = arith.constant 0 : i32
    %dma_start3A_55 = tpu.memref_slice %dma_start3A_52[%dma_start3A_53, %dma_start3A_54] : memref<10240x64xf32, #tpu.memory_space<hbm>> -> memref<10240x64xf32, #tpu.memory_space<hbm>>
    tpu.enqueue_indirect_dma source(%dma_start3A_55 : memref<10240x64xf32, #tpu.memory_space<hbm>>) target(%arg13 : memref<128x64xf32, #tpu.memory_space<vmem>>) offsets(%dma_start3A_48 : memref<128xi32, #tpu.memory_space<vmem>>) semaphore(%arg18 : memref<!tpu.dma_semaphore, #tpu.memory_space<semaphore_mem>>)
    %scan3A = arith.constant 0 : i32
    %scan3A_56 = arith.constant 0 : i32
    %scan3A_57 = arith.constant 32 : i32
    %scan3A_58 = arith.addi %scan3A_56, %scan3A_57 : i32
    %scan3A_59 = arith.constant 1 : i32
    scf.for %scan3A_63 = %scan3A_56 to %scan3A_58 step %scan3A_59  : i32 {
      %dma_wait3A = arith.constant 0 : i32
      %dma_wait3A_64 = arith.constant 0 : i32
      %dma_wait3A_65 = tpu.memref_slice %arg5[%dma_wait3A, %dma_wait3A_64] : memref<10240x64xf32, #tpu.memory_space<hbm>> -> memref<128x64xf32, #tpu.memory_space<hbm>>
      %dma_wait3A_66 = arith.constant 0 : i32
      %dma_wait3A_67 = arith.constant 0 : i32
      %dma_wait3A_68 = tpu.memref_slice %arg5[%dma_wait3A_66, %dma_wait3A_67] : memref<10240x64xf32, #tpu.memory_space<hbm>> -> memref<128x64xf32, #tpu.memory_space<hbm>>
      tpu.wait_dma2 semaphore(%arg14 : memref<!tpu.dma_semaphore, #tpu.memory_space<semaphore_mem>>) src(%dma_wait3A_68 : memref<128x64xf32, #tpu.memory_space<hbm>>) dst(%arg9 : memref<128x64xf32, #tpu.memory_space<vmem>>)
      %mul3A_69 = arith.constant 5 : i32
      %mul3A_70 = arith.muli %scan3A_63, %mul3A_69 : i32
      %add3A = arith.constant 0 : i32
      %add3A_71 = arith.addi %mul3A_70, %add3A : i32
      %dma_start3A_72 = arith.constant 0 : i32
      %dma_start3A_73 = tpu.memref_slice %arg8[%add3A_71, %dma_start3A_72] : memref<160x128xi32, #tpu.memory_space<vmem>> -> memref<1x128xi32, #tpu.memory_space<vmem>>
      %dma_start3A_74 = tpu.memref_squeeze %dma_start3A_73 : memref<1x128xi32, #tpu.memory_space<vmem>> -> memref<128xi32, #tpu.memory_space<vmem>>
      %dma_start3A_75 = arith.constant 0 : i32
      %dma_start3A_76 = arith.constant 0 : i32
      %dma_start3A_77 = tpu.memref_slice %arg24[%dma_start3A_75, %dma_start3A_76] : memref<10240x64xf32, #tpu.memory_space<vmem_shared>> -> memref<10240x64xf32, #tpu.memory_space<vmem_shared>>
      tpu.enqueue_indirect_dma source(%arg9 : memref<128x64xf32, #tpu.memory_space<vmem>>) target(%dma_start3A_77 : memref<10240x64xf32, #tpu.memory_space<vmem_shared>>) offsets(%dma_start3A_74 : memref<128xi32, #tpu.memory_space<vmem>>) semaphore(%arg19 : memref<!tpu.dma_semaphore, #tpu.memory_space<semaphore_mem>>) {add = true}
      %dma_wait3A_78 = arith.constant 0 : i32
      %dma_wait3A_79 = arith.constant 0 : i32
      %dma_wait3A_80 = tpu.memref_slice %arg5[%dma_wait3A_78, %dma_wait3A_79] : memref<10240x64xf32, #tpu.memory_space<hbm>> -> memref<128x64xf32, #tpu.memory_space<hbm>>
      %dma_wait3A_81 = arith.constant 0 : i32
      %dma_wait3A_82 = arith.constant 0 : i32
      %dma_wait3A_83 = tpu.memref_slice %arg5[%dma_wait3A_81, %dma_wait3A_82] : memref<10240x64xf32, #tpu.memory_space<hbm>> -> memref<128x64xf32, #tpu.memory_space<hbm>>
      tpu.wait_dma2 semaphore(%arg15 : memref<!tpu.dma_semaphore, #tpu.memory_space<semaphore_mem>>) src(%dma_wait3A_83 : memref<128x64xf32, #tpu.memory_space<hbm>>) dst(%arg10 : memref<128x64xf32, #tpu.memory_space<vmem>>)
      %mul3A_84 = arith.constant 5 : i32
      %mul3A_85 = arith.muli %scan3A_63, %mul3A_84 : i32
      %add3A_86 = arith.constant 1 : i32
      %add3A_87 = arith.addi %mul3A_85, %add3A_86 : i32
      %dma_start3A_88 = arith.constant 0 : i32
      %dma_start3A_89 = tpu.memref_slice %arg8[%add3A_87, %dma_start3A_88] : memref<160x128xi32, #tpu.memory_space<vmem>> -> memref<1x128xi32, #tpu.memory_space<vmem>>
      %dma_start3A_90 = tpu.memref_squeeze %dma_start3A_89 : memref<1x128xi32, #tpu.memory_space<vmem>> -> memref<128xi32, #tpu.memory_space<vmem>>
      %dma_start3A_91 = arith.constant 0 : i32
      %dma_start3A_92 = arith.constant 0 : i32
      %dma_start3A_93 = tpu.memref_slice %arg24[%dma_start3A_91, %dma_start3A_92] : memref<10240x64xf32, #tpu.memory_space<vmem_shared>> -> memref<10240x64xf32, #tpu.memory_space<vmem_shared>>
      tpu.enqueue_indirect_dma source(%arg10 : memref<128x64xf32, #tpu.memory_space<vmem>>) target(%dma_start3A_93 : memref<10240x64xf32, #tpu.memory_space<vmem_shared>>) offsets(%dma_start3A_90 : memref<128xi32, #tpu.memory_space<vmem>>) semaphore(%arg20 : memref<!tpu.dma_semaphore, #tpu.memory_space<semaphore_mem>>) {add = true}
      %dma_wait3A_94 = arith.constant 0 : i32
      %dma_wait3A_95 = arith.constant 0 : i32
      %dma_wait3A_96 = tpu.memref_slice %arg5[%dma_wait3A_94, %dma_wait3A_95] : memref<10240x64xf32, #tpu.memory_space<hbm>> -> memref<128x64xf32, #tpu.memory_space<hbm>>
      %dma_wait3A_97 = arith.constant 0 : i32
      %dma_wait3A_98 = arith.constant 0 : i32
      %dma_wait3A_99 = tpu.memref_slice %arg5[%dma_wait3A_97, %dma_wait3A_98] : memref<10240x64xf32, #tpu.memory_space<hbm>> -> memref<128x64xf32, #tpu.memory_space<hbm>>
      tpu.wait_dma2 semaphore(%arg16 : memref<!tpu.dma_semaphore, #tpu.memory_space<semaphore_mem>>) src(%dma_wait3A_99 : memref<128x64xf32, #tpu.memory_space<hbm>>) dst(%arg11 : memref<128x64xf32, #tpu.memory_space<vmem>>)
      %mul3A_100 = arith.constant 5 : i32
      %mul3A_101 = arith.muli %scan3A_63, %mul3A_100 : i32
      %add3A_102 = arith.constant 2 : i32
      %add3A_103 = arith.addi %mul3A_101, %add3A_102 : i32
      %dma_start3A_104 = arith.constant 0 : i32
      %dma_start3A_105 = tpu.memref_slice %arg8[%add3A_103, %dma_start3A_104] : memref<160x128xi32, #tpu.memory_space<vmem>> -> memref<1x128xi32, #tpu.memory_space<vmem>>
      %dma_start3A_106 = tpu.memref_squeeze %dma_start3A_105 : memref<1x128xi32, #tpu.memory_space<vmem>> -> memref<128xi32, #tpu.memory_space<vmem>>
      %dma_start3A_107 = arith.constant 0 : i32
      %dma_start3A_108 = arith.constant 0 : i32
      %dma_start3A_109 = tpu.memref_slice %arg24[%dma_start3A_107, %dma_start3A_108] : memref<10240x64xf32, #tpu.memory_space<vmem_shared>> -> memref<10240x64xf32, #tpu.memory_space<vmem_shared>>
      tpu.enqueue_indirect_dma source(%arg11 : memref<128x64xf32, #tpu.memory_space<vmem>>) target(%dma_start3A_109 : memref<10240x64xf32, #tpu.memory_space<vmem_shared>>) offsets(%dma_start3A_106 : memref<128xi32, #tpu.memory_space<vmem>>) semaphore(%arg21 : memref<!tpu.dma_semaphore, #tpu.memory_space<semaphore_mem>>) {add = true}
      %dma_wait3A_110 = arith.constant 0 : i32
      %dma_wait3A_111 = arith.constant 0 : i32
      %dma_wait3A_112 = tpu.memref_slice %arg5[%dma_wait3A_110, %dma_wait3A_111] : memref<10240x64xf32, #tpu.memory_space<hbm>> -> memref<128x64xf32, #tpu.memory_space<hbm>>
      %dma_wait3A_113 = arith.constant 0 : i32
      %dma_wait3A_114 = arith.constant 0 : i32
      %dma_wait3A_115 = tpu.memref_slice %arg5[%dma_wait3A_113, %dma_wait3A_114] : memref<10240x64xf32, #tpu.memory_space<hbm>> -> memref<128x64xf32, #tpu.memory_space<hbm>>
      tpu.wait_dma2 semaphore(%arg17 : memref<!tpu.dma_semaphore, #tpu.memory_space<semaphore_mem>>) src(%dma_wait3A_115 : memref<128x64xf32, #tpu.memory_space<hbm>>) dst(%arg12 : memref<128x64xf32, #tpu.memory_space<vmem>>)
      %mul3A_116 = arith.constant 5 : i32
      %mul3A_117 = arith.muli %scan3A_63, %mul3A_116 : i32
      %add3A_118 = arith.constant 3 : i32
      %add3A_119 = arith.addi %mul3A_117, %add3A_118 : i32
      %dma_start3A_120 = arith.constant 0 : i32
      %dma_start3A_121 = tpu.memref_slice %arg8[%add3A_119, %dma_start3A_120] : memref<160x128xi32, #tpu.memory_space<vmem>> -> memref<1x128xi32, #tpu.memory_space<vmem>>
      %dma_start3A_122 = tpu.memref_squeeze %dma_start3A_121 : memref<1x128xi32, #tpu.memory_space<vmem>> -> memref<128xi32, #tpu.memory_space<vmem>>
      %dma_start3A_123 = arith.constant 0 : i32
      %dma_start3A_124 = arith.constant 0 : i32
      %dma_start3A_125 = tpu.memref_slice %arg24[%dma_start3A_123, %dma_start3A_124] : memref<10240x64xf32, #tpu.memory_space<vmem_shared>> -> memref<10240x64xf32, #tpu.memory_space<vmem_shared>>
      tpu.enqueue_indirect_dma source(%arg12 : memref<128x64xf32, #tpu.memory_space<vmem>>) target(%dma_start3A_125 : memref<10240x64xf32, #tpu.memory_space<vmem_shared>>) offsets(%dma_start3A_122 : memref<128xi32, #tpu.memory_space<vmem>>) semaphore(%arg22 : memref<!tpu.dma_semaphore, #tpu.memory_space<semaphore_mem>>) {add = true}
      %dma_wait3A_126 = arith.constant 0 : i32
      %dma_wait3A_127 = arith.constant 0 : i32
      %dma_wait3A_128 = tpu.memref_slice %arg5[%dma_wait3A_126, %dma_wait3A_127] : memref<10240x64xf32, #tpu.memory_space<hbm>> -> memref<128x64xf32, #tpu.memory_space<hbm>>
      %dma_wait3A_129 = arith.constant 0 : i32
      %dma_wait3A_130 = arith.constant 0 : i32
      %dma_wait3A_131 = tpu.memref_slice %arg5[%dma_wait3A_129, %dma_wait3A_130] : memref<10240x64xf32, #tpu.memory_space<hbm>> -> memref<128x64xf32, #tpu.memory_space<hbm>>
      tpu.wait_dma2 semaphore(%arg18 : memref<!tpu.dma_semaphore, #tpu.memory_space<semaphore_mem>>) src(%dma_wait3A_131 : memref<128x64xf32, #tpu.memory_space<hbm>>) dst(%arg13 : memref<128x64xf32, #tpu.memory_space<vmem>>)
      %mul3A_132 = arith.constant 5 : i32
      %mul3A_133 = arith.muli %scan3A_63, %mul3A_132 : i32
      %add3A_134 = arith.constant 4 : i32
      %add3A_135 = arith.addi %mul3A_133, %add3A_134 : i32
      %dma_start3A_136 = arith.constant 0 : i32
      %dma_start3A_137 = tpu.memref_slice %arg8[%add3A_135, %dma_start3A_136] : memref<160x128xi32, #tpu.memory_space<vmem>> -> memref<1x128xi32, #tpu.memory_space<vmem>>
      %dma_start3A_138 = tpu.memref_squeeze %dma_start3A_137 : memref<1x128xi32, #tpu.memory_space<vmem>> -> memref<128xi32, #tpu.memory_space<vmem>>
      %dma_start3A_139 = arith.constant 0 : i32
      %dma_start3A_140 = arith.constant 0 : i32
      %dma_start3A_141 = tpu.memref_slice %arg24[%dma_start3A_139, %dma_start3A_140] : memref<10240x64xf32, #tpu.memory_space<vmem_shared>> -> memref<10240x64xf32, #tpu.memory_space<vmem_shared>>
      tpu.enqueue_indirect_dma source(%arg13 : memref<128x64xf32, #tpu.memory_space<vmem>>) target(%dma_start3A_141 : memref<10240x64xf32, #tpu.memory_space<vmem_shared>>) offsets(%dma_start3A_138 : memref<128xi32, #tpu.memory_space<vmem>>) semaphore(%arg23 : memref<!tpu.dma_semaphore, #tpu.memory_space<semaphore_mem>>) {add = true}
      %dma_wait3A_142 = arith.constant 0 : i32
      %dma_wait3A_143 = arith.constant 0 : i32
      %dma_wait3A_144 = tpu.memref_slice %arg5[%dma_wait3A_142, %dma_wait3A_143] : memref<10240x64xf32, #tpu.memory_space<hbm>> -> memref<128x64xf32, #tpu.memory_space<hbm>>
      %dma_wait3A_145 = arith.constant 0 : i32
      %dma_wait3A_146 = arith.constant 0 : i32
      %dma_wait3A_147 = tpu.memref_slice %arg5[%dma_wait3A_145, %dma_wait3A_146] : memref<10240x64xf32, #tpu.memory_space<hbm>> -> memref<128x64xf32, #tpu.memory_space<hbm>>
      tpu.wait_dma2 semaphore(%arg19 : memref<!tpu.dma_semaphore, #tpu.memory_space<semaphore_mem>>) src(%dma_wait3A_147 : memref<128x64xf32, #tpu.memory_space<hbm>>) dst(%arg9 : memref<128x64xf32, #tpu.memory_space<vmem>>)
      %add3A_148 = arith.constant 1 : i32
      %add3A_149 = arith.addi %scan3A_63, %add3A_148 : i32
      %lt3A = arith.constant 32 : i32
      %lt3A_150 = arith.cmpi slt, %add3A_149, %lt3A : i32
      %convert_element_type3A_151 = arith.extui %lt3A_150 : i1 to i32
      %cond3A_152 = arith.constant 0 : i32
      %cond3A_153 = arith.cmpi ne, %convert_element_type3A_151, %cond3A_152 : i32
      scf.if %cond3A_153 {
        %add3A_206 = arith.constant 1 : i32
        %add3A_207 = arith.addi %scan3A_63, %add3A_206 : i32
        %mul3A_208 = arith.constant 5 : i32
        %mul3A_209 = arith.muli %add3A_207, %mul3A_208 : i32
        %add3A_210 = arith.constant 0 : i32
        %add3A_211 = arith.addi %mul3A_209, %add3A_210 : i32
        %dma_start3A_212 = arith.constant 0 : i32
        %dma_start3A_213 = tpu.memref_slice %arg7[%add3A_211, %dma_start3A_212] : memref<160x128xi32, #tpu.memory_space<vmem>> -> memref<1x128xi32, #tpu.memory_space<vmem>>
        %dma_start3A_214 = tpu.memref_squeeze %dma_start3A_213 : memref<1x128xi32, #tpu.memory_space<vmem>> -> memref<128xi32, #tpu.memory_space<vmem>>
        %dma_start3A_215 = arith.constant 0 : i32
        %dma_start3A_216 = arith.constant 0 : i32
        %dma_start3A_217 = tpu.memref_slice %arg2[%arg0, %dma_start3A_215, %dma_start3A_216] : memref<2x10240x64xf32, #tpu.memory_space<hbm>> -> memref<1x10240x64xf32, #tpu.memory_space<hbm>>
        %dma_start3A_218 = tpu.memref_squeeze %dma_start3A_217 : memref<1x10240x64xf32, #tpu.memory_space<hbm>> -> memref<10240x64xf32, #tpu.memory_space<hbm>>
        %dma_start3A_219 = arith.constant 0 : i32
        %dma_start3A_220 = arith.constant 0 : i32
        %dma_start3A_221 = tpu.memref_slice %dma_start3A_218[%dma_start3A_219, %dma_start3A_220] : memref<10240x64xf32, #tpu.memory_space<hbm>> -> memref<10240x64xf32, #tpu.memory_space<hbm>>
        tpu.enqueue_indirect_dma source(%dma_start3A_221 : memref<10240x64xf32, #tpu.memory_space<hbm>>) target(%arg9 : memref<128x64xf32, #tpu.memory_space<vmem>>) offsets(%dma_start3A_214 : memref<128xi32, #tpu.memory_space<vmem>>) semaphore(%arg14 : memref<!tpu.dma_semaphore, #tpu.memory_space<semaphore_mem>>)
      } else {
      }
      %dma_wait3A_154 = arith.constant 0 : i32
      %dma_wait3A_155 = arith.constant 0 : i32
      %dma_wait3A_156 = tpu.memref_slice %arg5[%dma_wait3A_154, %dma_wait3A_155] : memref<10240x64xf32, #tpu.memory_space<hbm>> -> memref<128x64xf32, #tpu.memory_space<hbm>>
      %dma_wait3A_157 = arith.constant 0 : i32
      %dma_wait3A_158 = arith.constant 0 : i32
      %dma_wait3A_159 = tpu.memref_slice %arg5[%dma_wait3A_157, %dma_wait3A_158] : memref<10240x64xf32, #tpu.memory_space<hbm>> -> memref<128x64xf32, #tpu.memory_space<hbm>>
      tpu.wait_dma2 semaphore(%arg20 : memref<!tpu.dma_semaphore, #tpu.memory_space<semaphore_mem>>) src(%dma_wait3A_159 : memref<128x64xf32, #tpu.memory_space<hbm>>) dst(%arg10 : memref<128x64xf32, #tpu.memory_space<vmem>>)
      %add3A_160 = arith.constant 1 : i32
      %add3A_161 = arith.addi %scan3A_63, %add3A_160 : i32
      %lt3A_162 = arith.constant 32 : i32
      %lt3A_163 = arith.cmpi slt, %add3A_161, %lt3A_162 : i32
      %convert_element_type3A_164 = arith.extui %lt3A_163 : i1 to i32
      %cond3A_165 = arith.constant 0 : i32
      %cond3A_166 = arith.cmpi ne, %convert_element_type3A_164, %cond3A_165 : i32
      scf.if %cond3A_166 {
        %add3A_206 = arith.constant 1 : i32
        %add3A_207 = arith.addi %scan3A_63, %add3A_206 : i32
        %mul3A_208 = arith.constant 5 : i32
        %mul3A_209 = arith.muli %add3A_207, %mul3A_208 : i32
        %add3A_210 = arith.constant 1 : i32
        %add3A_211 = arith.addi %mul3A_209, %add3A_210 : i32
        %dma_start3A_212 = arith.constant 0 : i32
        %dma_start3A_213 = tpu.memref_slice %arg7[%add3A_211, %dma_start3A_212] : memref<160x128xi32, #tpu.memory_space<vmem>> -> memref<1x128xi32, #tpu.memory_space<vmem>>
        %dma_start3A_214 = tpu.memref_squeeze %dma_start3A_213 : memref<1x128xi32, #tpu.memory_space<vmem>> -> memref<128xi32, #tpu.memory_space<vmem>>
        %dma_start3A_215 = arith.constant 0 : i32
        %dma_start3A_216 = arith.constant 0 : i32
        %dma_start3A_217 = tpu.memref_slice %arg2[%arg0, %dma_start3A_215, %dma_start3A_216] : memref<2x10240x64xf32, #tpu.memory_space<hbm>> -> memref<1x10240x64xf32, #tpu.memory_space<hbm>>
        %dma_start3A_218 = tpu.memref_squeeze %dma_start3A_217 : memref<1x10240x64xf32, #tpu.memory_space<hbm>> -> memref<10240x64xf32, #tpu.memory_space<hbm>>
        %dma_start3A_219 = arith.constant 0 : i32
        %dma_start3A_220 = arith.constant 0 : i32
        %dma_start3A_221 = tpu.memref_slice %dma_start3A_218[%dma_start3A_219, %dma_start3A_220] : memref<10240x64xf32, #tpu.memory_space<hbm>> -> memref<10240x64xf32, #tpu.memory_space<hbm>>
        tpu.enqueue_indirect_dma source(%dma_start3A_221 : memref<10240x64xf32, #tpu.memory_space<hbm>>) target(%arg10 : memref<128x64xf32, #tpu.memory_space<vmem>>) offsets(%dma_start3A_214 : memref<128xi32, #tpu.memory_space<vmem>>) semaphore(%arg15 : memref<!tpu.dma_semaphore, #tpu.memory_space<semaphore_mem>>)
      } else {
      }
      %dma_wait3A_167 = arith.constant 0 : i32
      %dma_wait3A_168 = arith.constant 0 : i32
      %dma_wait3A_169 = tpu.memref_slice %arg5[%dma_wait3A_167, %dma_wait3A_168] : memref<10240x64xf32, #tpu.memory_space<hbm>> -> memref<128x64xf32, #tpu.memory_space<hbm>>
      %dma_wait3A_170 = arith.constant 0 : i32
      %dma_wait3A_171 = arith.constant 0 : i32
      %dma_wait3A_172 = tpu.memref_slice %arg5[%dma_wait3A_170, %dma_wait3A_171] : memref<10240x64xf32, #tpu.memory_space<hbm>> -> memref<128x64xf32, #tpu.memory_space<hbm>>
      tpu.wait_dma2 semaphore(%arg21 : memref<!tpu.dma_semaphore, #tpu.memory_space<semaphore_mem>>) src(%dma_wait3A_172 : memref<128x64xf32, #tpu.memory_space<hbm>>) dst(%arg11 : memref<128x64xf32, #tpu.memory_space<vmem>>)
      %add3A_173 = arith.constant 1 : i32
      %add3A_174 = arith.addi %scan3A_63, %add3A_173 : i32
      %lt3A_175 = arith.constant 32 : i32
      %lt3A_176 = arith.cmpi slt, %add3A_174, %lt3A_175 : i32
      %convert_element_type3A_177 = arith.extui %lt3A_176 : i1 to i32
      %cond3A_178 = arith.constant 0 : i32
      %cond3A_179 = arith.cmpi ne, %convert_element_type3A_177, %cond3A_178 : i32
      scf.if %cond3A_179 {
        %add3A_206 = arith.constant 1 : i32
        %add3A_207 = arith.addi %scan3A_63, %add3A_206 : i32
        %mul3A_208 = arith.constant 5 : i32
        %mul3A_209 = arith.muli %add3A_207, %mul3A_208 : i32
        %add3A_210 = arith.constant 2 : i32
        %add3A_211 = arith.addi %mul3A_209, %add3A_210 : i32
        %dma_start3A_212 = arith.constant 0 : i32
        %dma_start3A_213 = tpu.memref_slice %arg7[%add3A_211, %dma_start3A_212] : memref<160x128xi32, #tpu.memory_space<vmem>> -> memref<1x128xi32, #tpu.memory_space<vmem>>
        %dma_start3A_214 = tpu.memref_squeeze %dma_start3A_213 : memref<1x128xi32, #tpu.memory_space<vmem>> -> memref<128xi32, #tpu.memory_space<vmem>>
        %dma_start3A_215 = arith.constant 0 : i32
        %dma_start3A_216 = arith.constant 0 : i32
        %dma_start3A_217 = tpu.memref_slice %arg2[%arg0, %dma_start3A_215, %dma_start3A_216] : memref<2x10240x64xf32, #tpu.memory_space<hbm>> -> memref<1x10240x64xf32, #tpu.memory_space<hbm>>
        %dma_start3A_218 = tpu.memref_squeeze %dma_start3A_217 : memref<1x10240x64xf32, #tpu.memory_space<hbm>> -> memref<10240x64xf32, #tpu.memory_space<hbm>>
        %dma_start3A_219 = arith.constant 0 : i32
        %dma_start3A_220 = arith.constant 0 : i32
        %dma_start3A_221 = tpu.memref_slice %dma_start3A_218[%dma_start3A_219, %dma_start3A_220] : memref<10240x64xf32, #tpu.memory_space<hbm>> -> memref<10240x64xf32, #tpu.memory_space<hbm>>
        tpu.enqueue_indirect_dma source(%dma_start3A_221 : memref<10240x64xf32, #tpu.memory_space<hbm>>) target(%arg11 : memref<128x64xf32, #tpu.memory_space<vmem>>) offsets(%dma_start3A_214 : memref<128xi32, #tpu.memory_space<vmem>>) semaphore(%arg16 : memref<!tpu.dma_semaphore, #tpu.memory_space<semaphore_mem>>)
      } else {
      }
      %dma_wait3A_180 = arith.constant 0 : i32
      %dma_wait3A_181 = arith.constant 0 : i32
      %dma_wait3A_182 = tpu.memref_slice %arg5[%dma_wait3A_180, %dma_wait3A_181] : memref<10240x64xf32, #tpu.memory_space<hbm>> -> memref<128x64xf32, #tpu.memory_space<hbm>>
      %dma_wait3A_183 = arith.constant 0 : i32
      %dma_wait3A_184 = arith.constant 0 : i32
      %dma_wait3A_185 = tpu.memref_slice %arg5[%dma_wait3A_183, %dma_wait3A_184] : memref<10240x64xf32, #tpu.memory_space<hbm>> -> memref<128x64xf32, #tpu.memory_space<hbm>>
      tpu.wait_dma2 semaphore(%arg22 : memref<!tpu.dma_semaphore, #tpu.memory_space<semaphore_mem>>) src(%dma_wait3A_185 : memref<128x64xf32, #tpu.memory_space<hbm>>) dst(%arg12 : memref<128x64xf32, #tpu.memory_space<vmem>>)
      %add3A_186 = arith.constant 1 : i32
      %add3A_187 = arith.addi %scan3A_63, %add3A_186 : i32
      %lt3A_188 = arith.constant 32 : i32
      %lt3A_189 = arith.cmpi slt, %add3A_187, %lt3A_188 : i32
      %convert_element_type3A_190 = arith.extui %lt3A_189 : i1 to i32
      %cond3A_191 = arith.constant 0 : i32
      %cond3A_192 = arith.cmpi ne, %convert_element_type3A_190, %cond3A_191 : i32
      scf.if %cond3A_192 {
        %add3A_206 = arith.constant 1 : i32
        %add3A_207 = arith.addi %scan3A_63, %add3A_206 : i32
        %mul3A_208 = arith.constant 5 : i32
        %mul3A_209 = arith.muli %add3A_207, %mul3A_208 : i32
        %add3A_210 = arith.constant 3 : i32
        %add3A_211 = arith.addi %mul3A_209, %add3A_210 : i32
        %dma_start3A_212 = arith.constant 0 : i32
        %dma_start3A_213 = tpu.memref_slice %arg7[%add3A_211, %dma_start3A_212] : memref<160x128xi32, #tpu.memory_space<vmem>> -> memref<1x128xi32, #tpu.memory_space<vmem>>
        %dma_start3A_214 = tpu.memref_squeeze %dma_start3A_213 : memref<1x128xi32, #tpu.memory_space<vmem>> -> memref<128xi32, #tpu.memory_space<vmem>>
        %dma_start3A_215 = arith.constant 0 : i32
        %dma_start3A_216 = arith.constant 0 : i32
        %dma_start3A_217 = tpu.memref_slice %arg2[%arg0, %dma_start3A_215, %dma_start3A_216] : memref<2x10240x64xf32, #tpu.memory_space<hbm>> -> memref<1x10240x64xf32, #tpu.memory_space<hbm>>
        %dma_start3A_218 = tpu.memref_squeeze %dma_start3A_217 : memref<1x10240x64xf32, #tpu.memory_space<hbm>> -> memref<10240x64xf32, #tpu.memory_space<hbm>>
        %dma_start3A_219 = arith.constant 0 : i32
        %dma_start3A_220 = arith.constant 0 : i32
        %dma_start3A_221 = tpu.memref_slice %dma_start3A_218[%dma_start3A_219, %dma_start3A_220] : memref<10240x64xf32, #tpu.memory_space<hbm>> -> memref<10240x64xf32, #tpu.memory_space<hbm>>
        tpu.enqueue_indirect_dma source(%dma_start3A_221 : memref<10240x64xf32, #tpu.memory_space<hbm>>) target(%arg12 : memref<128x64xf32, #tpu.memory_space<vmem>>) offsets(%dma_start3A_214 : memref<128xi32, #tpu.memory_space<vmem>>) semaphore(%arg17 : memref<!tpu.dma_semaphore, #tpu.memory_space<semaphore_mem>>)
      } else {
      }
      %dma_wait3A_193 = arith.constant 0 : i32
      %dma_wait3A_194 = arith.constant 0 : i32
      %dma_wait3A_195 = tpu.memref_slice %arg5[%dma_wait3A_193, %dma_wait3A_194] : memref<10240x64xf32, #tpu.memory_space<hbm>> -> memref<128x64xf32, #tpu.memory_space<hbm>>
      %dma_wait3A_196 = arith.constant 0 : i32
      %dma_wait3A_197 = arith.constant 0 : i32
      %dma_wait3A_198 = tpu.memref_slice %arg5[%dma_wait3A_196, %dma_wait3A_197] : memref<10240x64xf32, #tpu.memory_space<hbm>> -> memref<128x64xf32, #tpu.memory_space<hbm>>
      tpu.wait_dma2 semaphore(%arg23 : memref<!tpu.dma_semaphore, #tpu.memory_space<semaphore_mem>>) src(%dma_wait3A_198 : memref<128x64xf32, #tpu.memory_space<hbm>>) dst(%arg13 : memref<128x64xf32, #tpu.memory_space<vmem>>)
      %add3A_199 = arith.constant 1 : i32
      %add3A_200 = arith.addi %scan3A_63, %add3A_199 : i32
      %lt3A_201 = arith.constant 32 : i32
      %lt3A_202 = arith.cmpi slt, %add3A_200, %lt3A_201 : i32
      %convert_element_type3A_203 = arith.extui %lt3A_202 : i1 to i32
      %cond3A_204 = arith.constant 0 : i32
      %cond3A_205 = arith.cmpi ne, %convert_element_type3A_203, %cond3A_204 : i32
      scf.if %cond3A_205 {
        %add3A_206 = arith.constant 1 : i32
        %add3A_207 = arith.addi %scan3A_63, %add3A_206 : i32
        %mul3A_208 = arith.constant 5 : i32
        %mul3A_209 = arith.muli %add3A_207, %mul3A_208 : i32
        %add3A_210 = arith.constant 4 : i32
        %add3A_211 = arith.addi %mul3A_209, %add3A_210 : i32
        %dma_start3A_212 = arith.constant 0 : i32
        %dma_start3A_213 = tpu.memref_slice %arg7[%add3A_211, %dma_start3A_212] : memref<160x128xi32, #tpu.memory_space<vmem>> -> memref<1x128xi32, #tpu.memory_space<vmem>>
        %dma_start3A_214 = tpu.memref_squeeze %dma_start3A_213 : memref<1x128xi32, #tpu.memory_space<vmem>> -> memref<128xi32, #tpu.memory_space<vmem>>
        %dma_start3A_215 = arith.constant 0 : i32
        %dma_start3A_216 = arith.constant 0 : i32
        %dma_start3A_217 = tpu.memref_slice %arg2[%arg0, %dma_start3A_215, %dma_start3A_216] : memref<2x10240x64xf32, #tpu.memory_space<hbm>> -> memref<1x10240x64xf32, #tpu.memory_space<hbm>>
        %dma_start3A_218 = tpu.memref_squeeze %dma_start3A_217 : memref<1x10240x64xf32, #tpu.memory_space<hbm>> -> memref<10240x64xf32, #tpu.memory_space<hbm>>
        %dma_start3A_219 = arith.constant 0 : i32
        %dma_start3A_220 = arith.constant 0 : i32
        %dma_start3A_221 = tpu.memref_slice %dma_start3A_218[%dma_start3A_219, %dma_start3A_220] : memref<10240x64xf32, #tpu.memory_space<hbm>> -> memref<10240x64xf32, #tpu.memory_space<hbm>>
        tpu.enqueue_indirect_dma source(%dma_start3A_221 : memref<10240x64xf32, #tpu.memory_space<hbm>>) target(%arg13 : memref<128x64xf32, #tpu.memory_space<vmem>>) offsets(%dma_start3A_214 : memref<128xi32, #tpu.memory_space<vmem>>) semaphore(%arg18 : memref<!tpu.dma_semaphore, #tpu.memory_space<semaphore_mem>>)
      } else {
      }
    }
    %scan3A_60 = arith.constant 32 : i32
    %barrier3A_61 = arith.constant 0 : index
    tpu.barrier barrier_id(%barrier3A_61)
    %mul3A = arith.constant 640 : i32
    %mul3A_62 = arith.muli %arg1, %mul3A : i32
    "tpu.region"() ({
      %run_scoped3A = tpu.sem_alloc : memref<!tpu.dma_semaphore, #tpu.memory_space<semaphore_mem>>
      %dma_start3A_63 = arith.constant 0 : i32
      %dma_start3A_64 = arith.constant 0 : i32
      %dma_start3A_65 = tpu.memref_slice %arg6[%arg0, %dma_start3A_63, %dma_start3A_64] : memref<2x10240x64xf32, #tpu.memory_space<hbm>> -> memref<1x10240x64xf32, #tpu.memory_space<hbm>>
      %dma_start3A_66 = tpu.memref_squeeze %dma_start3A_65 : memref<1x10240x64xf32, #tpu.memory_space<hbm>> -> memref<10240x64xf32, #tpu.memory_space<hbm>>
      %dma_start3A_67 = arith.constant 0 : i32
      %dma_start3A_68 = tpu.memref_slice %dma_start3A_66[%mul3A_62, %dma_start3A_67] : memref<10240x64xf32, #tpu.memory_space<hbm>> -> memref<640x64xf32, #tpu.memory_space<hbm>>
      %dma_start3A_69 = arith.constant 0 : i32
      %dma_start3A_70 = tpu.memref_slice %arg24[%mul3A_62, %dma_start3A_69] : memref<10240x64xf32, #tpu.memory_space<vmem_shared>> -> memref<640x64xf32, #tpu.memory_space<vmem_shared>>
      tpu.enqueue_dma source(%dma_start3A_70 : memref<640x64xf32, #tpu.memory_space<vmem_shared>>) target(%dma_start3A_68 : memref<640x64xf32, #tpu.memory_space<hbm>>) target_semaphore(%run_scoped3A : memref<!tpu.dma_semaphore, #tpu.memory_space<semaphore_mem>>)
      %dma_wait3A = arith.constant 0 : i32
      %dma_wait3A_71 = arith.constant 0 : i32
      %dma_wait3A_72 = tpu.memref_slice %arg6[%arg0, %dma_wait3A, %dma_wait3A_71] : memref<2x10240x64xf32, #tpu.memory_space<hbm>> -> memref<1x10240x64xf32, #tpu.memory_space<hbm>>
      %dma_wait3A_73 = tpu.memref_squeeze %dma_wait3A_72 : memref<1x10240x64xf32, #tpu.memory_space<hbm>> -> memref<10240x64xf32, #tpu.memory_space<hbm>>
      %dma_wait3A_74 = arith.constant 0 : i32
      %dma_wait3A_75 = tpu.memref_slice %dma_wait3A_73[%mul3A_62, %dma_wait3A_74] : memref<10240x64xf32, #tpu.memory_space<hbm>> -> memref<640x64xf32, #tpu.memory_space<hbm>>
      %dma_wait3A_76 = arith.constant 0 : i32
      %dma_wait3A_77 = tpu.memref_slice %arg24[%mul3A_62, %dma_wait3A_76] : memref<10240x64xf32, #tpu.memory_space<vmem_shared>> -> memref<640x64xf32, #tpu.memory_space<vmem_shared>>
      tpu.wait_dma2 semaphore(%run_scoped3A : memref<!tpu.dma_semaphore, #tpu.memory_space<semaphore_mem>>) src(%dma_wait3A_77 : memref<640x64xf32, #tpu.memory_space<vmem_shared>>) dst(%dma_wait3A_75 : memref<640x64xf32, #tpu.memory_space<hbm>>)
      tpu.yield
    }) : () -> ()
    return
  }
}

#map = affine_map<(d0, d1) -> (0, 0, 0)>
#map1 = affine_map<(d0, d1) -> (0, 0)>
module attributes {stable_mosaic.version = 14 : i64} {
  func.func @_sc_scatter_body(%arg0: i32, %arg1: i32, %arg2: memref<2x10240x64xf32, #tpu.memory_space<hbm>>, %arg3: memref<16x160x128xi32, #tpu.memory_space<hbm>>, %arg4: memref<16x160x128xi32, #tpu.memory_space<hbm>>, %arg5: memref<10240x64xf32, #tpu.memory_space<hbm>>, %arg6: memref<2x10240x64xf32, #tpu.memory_space<hbm>>, %arg7: memref<160x128xi32, #tpu.memory_space<vmem>>, %arg8: memref<160x128xi32, #tpu.memory_space<vmem>>, %arg9: memref<128x64xf32, #tpu.memory_space<vmem>>, %arg10: memref<128x64xf32, #tpu.memory_space<vmem>>, %arg11: memref<128x64xf32, #tpu.memory_space<vmem>>, %arg12: memref<128x64xf32, #tpu.memory_space<vmem>>, %arg13: memref<128x64xf32, #tpu.memory_space<vmem>>, %arg14: memref<!tpu.dma_semaphore, #tpu.memory_space<semaphore_mem>>, %arg15: memref<!tpu.dma_semaphore, #tpu.memory_space<semaphore_mem>>, %arg16: memref<!tpu.dma_semaphore, #tpu.memory_space<semaphore_mem>>, %arg17: memref<!tpu.dma_semaphore, #tpu.memory_space<semaphore_mem>>, %arg18: memref<!tpu.dma_semaphore, #tpu.memory_space<semaphore_mem>>, %arg19: memref<!tpu.dma_semaphore, #tpu.memory_space<semaphore_mem>>, %arg20: memref<!tpu.dma_semaphore, #tpu.memory_space<semaphore_mem>>, %arg21: memref<!tpu.dma_semaphore, #tpu.memory_space<semaphore_mem>>, %arg22: memref<!tpu.dma_semaphore, #tpu.memory_space<semaphore_mem>>, %arg23: memref<!tpu.dma_semaphore, #tpu.memory_space<semaphore_mem>>, %arg24: memref<10240x64xf32, #tpu.memory_space<vmem_shared>>) attributes {dimension_semantics = [#tpu.dimension_semantics<core_parallel>, #tpu.dimension_semantics<subcore_parallel>], iteration_bounds = array<i64: 2, 16>, scalar_prefetch = 0 : i64, scratch_operands = 18 : i64, tpu.core_type = #tpu.core_type<sc_vector_subcore>, window_params = [{transform_indices = #map}, {transform_indices = #map}, {transform_indices = #map}, {transform_indices = #map1}, {transform_indices = #map}]} {
    %eq3A = arith.constant 0 : i32
    %eq3A_0 = arith.cmpi eq, %arg1, %eq3A : i32
    %convert_element_type3A = arith.extui %eq3A_0 : i1 to i32
    %cond3A = arith.constant 0 : i32
    %cond3A_1 = arith.cmpi ne, %convert_element_type3A, %cond3A : i32
    scf.if %cond3A_1 {
      "tpu.region"() ({
        %run_scoped3A = tpu.sem_alloc : memref<!tpu.dma_semaphore, #tpu.memory_space<semaphore_mem>>
        tpu.enqueue_dma source(%arg5 : memref<10240x64xf32, #tpu.memory_space<hbm>>) target(%arg24 : memref<10240x64xf32, #tpu.memory_space<vmem_shared>>) target_semaphore(%run_scoped3A : memref<!tpu.dma_semaphore, #tpu.memory_space<semaphore_mem>>)
        tpu.wait_dma2 semaphore(%run_scoped3A : memref<!tpu.dma_semaphore, #tpu.memory_space<semaphore_mem>>) src(%arg5 : memref<10240x64xf32, #tpu.memory_space<hbm>>) dst(%arg24 : memref<10240x64xf32, #tpu.memory_space<vmem_shared>>)
        tpu.yield
      }) : () -> ()
    } else {
    }
    %barrier3A = arith.constant 0 : index
    tpu.barrier barrier_id(%barrier3A)
    "tpu.region"() ({
      %run_scoped3A = tpu.sem_alloc : memref<!tpu.dma_semaphore, #tpu.memory_space<semaphore_mem>>
      %dma_start3A_63 = arith.constant 0 : i32
      %dma_start3A_64 = arith.constant 0 : i32
      %dma_start3A_65 = tpu.memref_slice %arg3[%arg1, %dma_start3A_63, %dma_start3A_64] : memref<16x160x128xi32, #tpu.memory_space<hbm>> -> memref<1x160x128xi32, #tpu.memory_space<hbm>>
      %dma_start3A_66 = tpu.memref_squeeze %dma_start3A_65 : memref<1x160x128xi32, #tpu.memory_space<hbm>> -> memref<160x128xi32, #tpu.memory_space<hbm>>
      %dma_start3A_67 = arith.constant 0 : i32
      %dma_start3A_68 = arith.constant 0 : i32
      %dma_start3A_69 = tpu.memref_slice %arg3[%arg1, %dma_start3A_67, %dma_start3A_68] : memref<16x160x128xi32, #tpu.memory_space<hbm>> -> memref<1x160x128xi32, #tpu.memory_space<hbm>>
      %dma_start3A_70 = tpu.memref_squeeze %dma_start3A_69 : memref<1x160x128xi32, #tpu.memory_space<hbm>> -> memref<160x128xi32, #tpu.memory_space<hbm>>
      tpu.enqueue_dma source(%dma_start3A_70 : memref<160x128xi32, #tpu.memory_space<hbm>>) target(%arg7 : memref<160x128xi32, #tpu.memory_space<vmem>>) target_semaphore(%run_scoped3A : memref<!tpu.dma_semaphore, #tpu.memory_space<semaphore_mem>>)
      %dma_wait3A = arith.constant 0 : i32
      %dma_wait3A_71 = arith.constant 0 : i32
      %dma_wait3A_72 = tpu.memref_slice %arg3[%arg1, %dma_wait3A, %dma_wait3A_71] : memref<16x160x128xi32, #tpu.memory_space<hbm>> -> memref<1x160x128xi32, #tpu.memory_space<hbm>>
      %dma_wait3A_73 = tpu.memref_squeeze %dma_wait3A_72 : memref<1x160x128xi32, #tpu.memory_space<hbm>> -> memref<160x128xi32, #tpu.memory_space<hbm>>
      %dma_wait3A_74 = arith.constant 0 : i32
      %dma_wait3A_75 = arith.constant 0 : i32
      %dma_wait3A_76 = tpu.memref_slice %arg3[%arg1, %dma_wait3A_74, %dma_wait3A_75] : memref<16x160x128xi32, #tpu.memory_space<hbm>> -> memref<1x160x128xi32, #tpu.memory_space<hbm>>
      %dma_wait3A_77 = tpu.memref_squeeze %dma_wait3A_76 : memref<1x160x128xi32, #tpu.memory_space<hbm>> -> memref<160x128xi32, #tpu.memory_space<hbm>>
      tpu.wait_dma2 semaphore(%run_scoped3A : memref<!tpu.dma_semaphore, #tpu.memory_space<semaphore_mem>>) src(%dma_wait3A_77 : memref<160x128xi32, #tpu.memory_space<hbm>>) dst(%arg7 : memref<160x128xi32, #tpu.memory_space<vmem>>)
      tpu.yield
    }) : () -> ()
    "tpu.region"() ({
      %run_scoped3A = tpu.sem_alloc : memref<!tpu.dma_semaphore, #tpu.memory_space<semaphore_mem>>
      %dma_start3A_63 = arith.constant 0 : i32
      %dma_start3A_64 = arith.constant 0 : i32
      %dma_start3A_65 = tpu.memref_slice %arg4[%arg1, %dma_start3A_63, %dma_start3A_64] : memref<16x160x128xi32, #tpu.memory_space<hbm>> -> memref<1x160x128xi32, #tpu.memory_space<hbm>>
      %dma_start3A_66 = tpu.memref_squeeze %dma_start3A_65 : memref<1x160x128xi32, #tpu.memory_space<hbm>> -> memref<160x128xi32, #tpu.memory_space<hbm>>
      %dma_start3A_67 = arith.constant 0 : i32
      %dma_start3A_68 = arith.constant 0 : i32
      %dma_start3A_69 = tpu.memref_slice %arg4[%arg1, %dma_start3A_67, %dma_start3A_68] : memref<16x160x128xi32, #tpu.memory_space<hbm>> -> memref<1x160x128xi32, #tpu.memory_space<hbm>>
      %dma_start3A_70 = tpu.memref_squeeze %dma_start3A_69 : memref<1x160x128xi32, #tpu.memory_space<hbm>> -> memref<160x128xi32, #tpu.memory_space<hbm>>
      tpu.enqueue_dma source(%dma_start3A_70 : memref<160x128xi32, #tpu.memory_space<hbm>>) target(%arg8 : memref<160x128xi32, #tpu.memory_space<vmem>>) target_semaphore(%run_scoped3A : memref<!tpu.dma_semaphore, #tpu.memory_space<semaphore_mem>>)
      %dma_wait3A = arith.constant 0 : i32
      %dma_wait3A_71 = arith.constant 0 : i32
      %dma_wait3A_72 = tpu.memref_slice %arg4[%arg1, %dma_wait3A, %dma_wait3A_71] : memref<16x160x128xi32, #tpu.memory_space<hbm>> -> memref<1x160x128xi32, #tpu.memory_space<hbm>>
      %dma_wait3A_73 = tpu.memref_squeeze %dma_wait3A_72 : memref<1x160x128xi32, #tpu.memory_space<hbm>> -> memref<160x128xi32, #tpu.memory_space<hbm>>
      %dma_wait3A_74 = arith.constant 0 : i32
      %dma_wait3A_75 = arith.constant 0 : i32
      %dma_wait3A_76 = tpu.memref_slice %arg4[%arg1, %dma_wait3A_74, %dma_wait3A_75] : memref<16x160x128xi32, #tpu.memory_space<hbm>> -> memref<1x160x128xi32, #tpu.memory_space<hbm>>
      %dma_wait3A_77 = tpu.memref_squeeze %dma_wait3A_76 : memref<1x160x128xi32, #tpu.memory_space<hbm>> -> memref<160x128xi32, #tpu.memory_space<hbm>>
      tpu.wait_dma2 semaphore(%run_scoped3A : memref<!tpu.dma_semaphore, #tpu.memory_space<semaphore_mem>>) src(%dma_wait3A_77 : memref<160x128xi32, #tpu.memory_space<hbm>>) dst(%arg8 : memref<160x128xi32, #tpu.memory_space<vmem>>)
      tpu.yield
    }) : () -> ()
    %dma_start3A = arith.constant 0 : i32
    %dma_start3A_2 = arith.constant 0 : i32
    %dma_start3A_3 = tpu.memref_slice %arg7[%dma_start3A, %dma_start3A_2] : memref<160x128xi32, #tpu.memory_space<vmem>> -> memref<1x128xi32, #tpu.memory_space<vmem>>
    %dma_start3A_4 = tpu.memref_squeeze %dma_start3A_3 : memref<1x128xi32, #tpu.memory_space<vmem>> -> memref<128xi32, #tpu.memory_space<vmem>>
    %dma_start3A_5 = arith.constant 0 : i32
    %dma_start3A_6 = arith.constant 0 : i32
    %dma_start3A_7 = tpu.memref_slice %arg2[%arg0, %dma_start3A_5, %dma_start3A_6] : memref<2x10240x64xf32, #tpu.memory_space<hbm>> -> memref<1x10240x64xf32, #tpu.memory_space<hbm>>
    %dma_start3A_8 = tpu.memref_squeeze %dma_start3A_7 : memref<1x10240x64xf32, #tpu.memory_space<hbm>> -> memref<10240x64xf32, #tpu.memory_space<hbm>>
    %dma_start3A_9 = arith.constant 0 : i32
    %dma_start3A_10 = arith.constant 0 : i32
    %dma_start3A_11 = tpu.memref_slice %dma_start3A_8[%dma_start3A_9, %dma_start3A_10] : memref<10240x64xf32, #tpu.memory_space<hbm>> -> memref<10240x64xf32, #tpu.memory_space<hbm>>
    tpu.enqueue_indirect_dma source(%dma_start3A_11 : memref<10240x64xf32, #tpu.memory_space<hbm>>) target(%arg9 : memref<128x64xf32, #tpu.memory_space<vmem>>) offsets(%dma_start3A_4 : memref<128xi32, #tpu.memory_space<vmem>>) semaphore(%arg14 : memref<!tpu.dma_semaphore, #tpu.memory_space<semaphore_mem>>)
    %dma_start3A_12 = arith.constant 1 : i32
    %dma_start3A_13 = arith.constant 0 : i32
    %dma_start3A_14 = tpu.memref_slice %arg7[%dma_start3A_12, %dma_start3A_13] : memref<160x128xi32, #tpu.memory_space<vmem>> -> memref<1x128xi32, #tpu.memory_space<vmem>>
    %dma_start3A_15 = tpu.memref_squeeze %dma_start3A_14 : memref<1x128xi32, #tpu.memory_space<vmem>> -> memref<128xi32, #tpu.memory_space<vmem>>
    %dma_start3A_16 = arith.constant 0 : i32
    %dma_start3A_17 = arith.constant 0 : i32
    %dma_start3A_18 = tpu.memref_slice %arg2[%arg0, %dma_start3A_16, %dma_start3A_17] : memref<2x10240x64xf32, #tpu.memory_space<hbm>> -> memref<1x10240x64xf32, #tpu.memory_space<hbm>>
    %dma_start3A_19 = tpu.memref_squeeze %dma_start3A_18 : memref<1x10240x64xf32, #tpu.memory_space<hbm>> -> memref<10240x64xf32, #tpu.memory_space<hbm>>
    %dma_start3A_20 = arith.constant 0 : i32
    %dma_start3A_21 = arith.constant 0 : i32
    %dma_start3A_22 = tpu.memref_slice %dma_start3A_19[%dma_start3A_20, %dma_start3A_21] : memref<10240x64xf32, #tpu.memory_space<hbm>> -> memref<10240x64xf32, #tpu.memory_space<hbm>>
    tpu.enqueue_indirect_dma source(%dma_start3A_22 : memref<10240x64xf32, #tpu.memory_space<hbm>>) target(%arg10 : memref<128x64xf32, #tpu.memory_space<vmem>>) offsets(%dma_start3A_15 : memref<128xi32, #tpu.memory_space<vmem>>) semaphore(%arg15 : memref<!tpu.dma_semaphore, #tpu.memory_space<semaphore_mem>>)
    %dma_start3A_23 = arith.constant 2 : i32
    %dma_start3A_24 = arith.constant 0 : i32
    %dma_start3A_25 = tpu.memref_slice %arg7[%dma_start3A_23, %dma_start3A_24] : memref<160x128xi32, #tpu.memory_space<vmem>> -> memref<1x128xi32, #tpu.memory_space<vmem>>
    %dma_start3A_26 = tpu.memref_squeeze %dma_start3A_25 : memref<1x128xi32, #tpu.memory_space<vmem>> -> memref<128xi32, #tpu.memory_space<vmem>>
    %dma_start3A_27 = arith.constant 0 : i32
    %dma_start3A_28 = arith.constant 0 : i32
    %dma_start3A_29 = tpu.memref_slice %arg2[%arg0, %dma_start3A_27, %dma_start3A_28] : memref<2x10240x64xf32, #tpu.memory_space<hbm>> -> memref<1x10240x64xf32, #tpu.memory_space<hbm>>
    %dma_start3A_30 = tpu.memref_squeeze %dma_start3A_29 : memref<1x10240x64xf32, #tpu.memory_space<hbm>> -> memref<10240x64xf32, #tpu.memory_space<hbm>>
    %dma_start3A_31 = arith.constant 0 : i32
    %dma_start3A_32 = arith.constant 0 : i32
    %dma_start3A_33 = tpu.memref_slice %dma_start3A_30[%dma_start3A_31, %dma_start3A_32] : memref<10240x64xf32, #tpu.memory_space<hbm>> -> memref<10240x64xf32, #tpu.memory_space<hbm>>
    tpu.enqueue_indirect_dma source(%dma_start3A_33 : memref<10240x64xf32, #tpu.memory_space<hbm>>) target(%arg11 : memref<128x64xf32, #tpu.memory_space<vmem>>) offsets(%dma_start3A_26 : memref<128xi32, #tpu.memory_space<vmem>>) semaphore(%arg16 : memref<!tpu.dma_semaphore, #tpu.memory_space<semaphore_mem>>)
    %dma_start3A_34 = arith.constant 3 : i32
    %dma_start3A_35 = arith.constant 0 : i32
    %dma_start3A_36 = tpu.memref_slice %arg7[%dma_start3A_34, %dma_start3A_35] : memref<160x128xi32, #tpu.memory_space<vmem>> -> memref<1x128xi32, #tpu.memory_space<vmem>>
    %dma_start3A_37 = tpu.memref_squeeze %dma_start3A_36 : memref<1x128xi32, #tpu.memory_space<vmem>> -> memref<128xi32, #tpu.memory_space<vmem>>
    %dma_start3A_38 = arith.constant 0 : i32
    %dma_start3A_39 = arith.constant 0 : i32
    %dma_start3A_40 = tpu.memref_slice %arg2[%arg0, %dma_start3A_38, %dma_start3A_39] : memref<2x10240x64xf32, #tpu.memory_space<hbm>> -> memref<1x10240x64xf32, #tpu.memory_space<hbm>>
    %dma_start3A_41 = tpu.memref_squeeze %dma_start3A_40 : memref<1x10240x64xf32, #tpu.memory_space<hbm>> -> memref<10240x64xf32, #tpu.memory_space<hbm>>
    %dma_start3A_42 = arith.constant 0 : i32
    %dma_start3A_43 = arith.constant 0 : i32
    %dma_start3A_44 = tpu.memref_slice %dma_start3A_41[%dma_start3A_42, %dma_start3A_43] : memref<10240x64xf32, #tpu.memory_space<hbm>> -> memref<10240x64xf32, #tpu.memory_space<hbm>>
    tpu.enqueue_indirect_dma source(%dma_start3A_44 : memref<10240x64xf32, #tpu.memory_space<hbm>>) target(%arg12 : memref<128x64xf32, #tpu.memory_space<vmem>>) offsets(%dma_start3A_37 : memref<128xi32, #tpu.memory_space<vmem>>) semaphore(%arg17 : memref<!tpu.dma_semaphore, #tpu.memory_space<semaphore_mem>>)
    %dma_start3A_45 = arith.constant 4 : i32
    %dma_start3A_46 = arith.constant 0 : i32
    %dma_start3A_47 = tpu.memref_slice %arg7[%dma_start3A_45, %dma_start3A_46] : memref<160x128xi32, #tpu.memory_space<vmem>> -> memref<1x128xi32, #tpu.memory_space<vmem>>
    %dma_start3A_48 = tpu.memref_squeeze %dma_start3A_47 : memref<1x128xi32, #tpu.memory_space<vmem>> -> memref<128xi32, #tpu.memory_space<vmem>>
    %dma_start3A_49 = arith.constant 0 : i32
    %dma_start3A_50 = arith.constant 0 : i32
    %dma_start3A_51 = tpu.memref_slice %arg2[%arg0, %dma_start3A_49, %dma_start3A_50] : memref<2x10240x64xf32, #tpu.memory_space<hbm>> -> memref<1x10240x64xf32, #tpu.memory_space<hbm>>
    %dma_start3A_52 = tpu.memref_squeeze %dma_start3A_51 : memref<1x10240x64xf32, #tpu.memory_space<hbm>> -> memref<10240x64xf32, #tpu.memory_space<hbm>>
    %dma_start3A_53 = arith.constant 0 : i32
    %dma_start3A_54 = arith.constant 0 : i32
    %dma_start3A_55 = tpu.memref_slice %dma_start3A_52[%dma_start3A_53, %dma_start3A_54] : memref<10240x64xf32, #tpu.memory_space<hbm>> -> memref<10240x64xf32, #tpu.memory_space<hbm>>
    tpu.enqueue_indirect_dma source(%dma_start3A_55 : memref<10240x64xf32, #tpu.memory_space<hbm>>) target(%arg13 : memref<128x64xf32, #tpu.memory_space<vmem>>) offsets(%dma_start3A_48 : memref<128xi32, #tpu.memory_space<vmem>>) semaphore(%arg18 : memref<!tpu.dma_semaphore, #tpu.memory_space<semaphore_mem>>)
    %scan3A = arith.constant 0 : i32
    %scan3A_56 = arith.constant 0 : i32
    %scan3A_57 = arith.constant 32 : i32
    %scan3A_58 = arith.addi %scan3A_56, %scan3A_57 : i32
    %scan3A_59 = arith.constant 1 : i32
    scf.for %scan3A_63 = %scan3A_56 to %scan3A_58 step %scan3A_59  : i32 {
      %dma_wait3A = arith.constant 0 : i32
      %dma_wait3A_64 = arith.constant 0 : i32
      %dma_wait3A_65 = tpu.memref_slice %arg5[%dma_wait3A, %dma_wait3A_64] : memref<10240x64xf32, #tpu.memory_space<hbm>> -> memref<128x64xf32, #tpu.memory_space<hbm>>
      %dma_wait3A_66 = arith.constant 0 : i32
      %dma_wait3A_67 = arith.constant 0 : i32
      %dma_wait3A_68 = tpu.memref_slice %arg5[%dma_wait3A_66, %dma_wait3A_67] : memref<10240x64xf32, #tpu.memory_space<hbm>> -> memref<128x64xf32, #tpu.memory_space<hbm>>
      tpu.wait_dma2 semaphore(%arg14 : memref<!tpu.dma_semaphore, #tpu.memory_space<semaphore_mem>>) src(%dma_wait3A_68 : memref<128x64xf32, #tpu.memory_space<hbm>>) dst(%arg9 : memref<128x64xf32, #tpu.memory_space<vmem>>)
      %mul3A_69 = arith.constant 5 : i32
      %mul3A_70 = arith.muli %scan3A_63, %mul3A_69 : i32
      %add3A = arith.constant 0 : i32
      %add3A_71 = arith.addi %mul3A_70, %add3A : i32
      %dma_start3A_72 = arith.constant 0 : i32
      %dma_start3A_73 = tpu.memref_slice %arg8[%add3A_71, %dma_start3A_72] : memref<160x128xi32, #tpu.memory_space<vmem>> -> memref<1x128xi32, #tpu.memory_space<vmem>>
      %dma_start3A_74 = tpu.memref_squeeze %dma_start3A_73 : memref<1x128xi32, #tpu.memory_space<vmem>> -> memref<128xi32, #tpu.memory_space<vmem>>
      %dma_start3A_75 = arith.constant 0 : i32
      %dma_start3A_76 = arith.constant 0 : i32
      %dma_start3A_77 = tpu.memref_slice %arg24[%dma_start3A_75, %dma_start3A_76] : memref<10240x64xf32, #tpu.memory_space<vmem_shared>> -> memref<10240x64xf32, #tpu.memory_space<vmem_shared>>
      tpu.enqueue_indirect_dma source(%arg9 : memref<128x64xf32, #tpu.memory_space<vmem>>) target(%dma_start3A_77 : memref<10240x64xf32, #tpu.memory_space<vmem_shared>>) offsets(%dma_start3A_74 : memref<128xi32, #tpu.memory_space<vmem>>) semaphore(%arg19 : memref<!tpu.dma_semaphore, #tpu.memory_space<semaphore_mem>>) {add = true}
      %dma_wait3A_78 = arith.constant 0 : i32
      %dma_wait3A_79 = arith.constant 0 : i32
      %dma_wait3A_80 = tpu.memref_slice %arg5[%dma_wait3A_78, %dma_wait3A_79] : memref<10240x64xf32, #tpu.memory_space<hbm>> -> memref<128x64xf32, #tpu.memory_space<hbm>>
      %dma_wait3A_81 = arith.constant 0 : i32
      %dma_wait3A_82 = arith.constant 0 : i32
      %dma_wait3A_83 = tpu.memref_slice %arg5[%dma_wait3A_81, %dma_wait3A_82] : memref<10240x64xf32, #tpu.memory_space<hbm>> -> memref<128x64xf32, #tpu.memory_space<hbm>>
      tpu.wait_dma2 semaphore(%arg15 : memref<!tpu.dma_semaphore, #tpu.memory_space<semaphore_mem>>) src(%dma_wait3A_83 : memref<128x64xf32, #tpu.memory_space<hbm>>) dst(%arg10 : memref<128x64xf32, #tpu.memory_space<vmem>>)
      %mul3A_84 = arith.constant 5 : i32
      %mul3A_85 = arith.muli %scan3A_63, %mul3A_84 : i32
      %add3A_86 = arith.constant 1 : i32
      %add3A_87 = arith.addi %mul3A_85, %add3A_86 : i32
      %dma_start3A_88 = arith.constant 0 : i32
      %dma_start3A_89 = tpu.memref_slice %arg8[%add3A_87, %dma_start3A_88] : memref<160x128xi32, #tpu.memory_space<vmem>> -> memref<1x128xi32, #tpu.memory_space<vmem>>
      %dma_start3A_90 = tpu.memref_squeeze %dma_start3A_89 : memref<1x128xi32, #tpu.memory_space<vmem>> -> memref<128xi32, #tpu.memory_space<vmem>>
      %dma_start3A_91 = arith.constant 0 : i32
      %dma_start3A_92 = arith.constant 0 : i32
      %dma_start3A_93 = tpu.memref_slice %arg24[%dma_start3A_91, %dma_start3A_92] : memref<10240x64xf32, #tpu.memory_space<vmem_shared>> -> memref<10240x64xf32, #tpu.memory_space<vmem_shared>>
      tpu.enqueue_indirect_dma source(%arg10 : memref<128x64xf32, #tpu.memory_space<vmem>>) target(%dma_start3A_93 : memref<10240x64xf32, #tpu.memory_space<vmem_shared>>) offsets(%dma_start3A_90 : memref<128xi32, #tpu.memory_space<vmem>>) semaphore(%arg20 : memref<!tpu.dma_semaphore, #tpu.memory_space<semaphore_mem>>) {add = true}
      %dma_wait3A_94 = arith.constant 0 : i32
      %dma_wait3A_95 = arith.constant 0 : i32
      %dma_wait3A_96 = tpu.memref_slice %arg5[%dma_wait3A_94, %dma_wait3A_95] : memref<10240x64xf32, #tpu.memory_space<hbm>> -> memref<128x64xf32, #tpu.memory_space<hbm>>
      %dma_wait3A_97 = arith.constant 0 : i32
      %dma_wait3A_98 = arith.constant 0 : i32
      %dma_wait3A_99 = tpu.memref_slice %arg5[%dma_wait3A_97, %dma_wait3A_98] : memref<10240x64xf32, #tpu.memory_space<hbm>> -> memref<128x64xf32, #tpu.memory_space<hbm>>
      tpu.wait_dma2 semaphore(%arg16 : memref<!tpu.dma_semaphore, #tpu.memory_space<semaphore_mem>>) src(%dma_wait3A_99 : memref<128x64xf32, #tpu.memory_space<hbm>>) dst(%arg11 : memref<128x64xf32, #tpu.memory_space<vmem>>)
      %mul3A_100 = arith.constant 5 : i32
      %mul3A_101 = arith.muli %scan3A_63, %mul3A_100 : i32
      %add3A_102 = arith.constant 2 : i32
      %add3A_103 = arith.addi %mul3A_101, %add3A_102 : i32
      %dma_start3A_104 = arith.constant 0 : i32
      %dma_start3A_105 = tpu.memref_slice %arg8[%add3A_103, %dma_start3A_104] : memref<160x128xi32, #tpu.memory_space<vmem>> -> memref<1x128xi32, #tpu.memory_space<vmem>>
      %dma_start3A_106 = tpu.memref_squeeze %dma_start3A_105 : memref<1x128xi32, #tpu.memory_space<vmem>> -> memref<128xi32, #tpu.memory_space<vmem>>
      %dma_start3A_107 = arith.constant 0 : i32
      %dma_start3A_108 = arith.constant 0 : i32
      %dma_start3A_109 = tpu.memref_slice %arg24[%dma_start3A_107, %dma_start3A_108] : memref<10240x64xf32, #tpu.memory_space<vmem_shared>> -> memref<10240x64xf32, #tpu.memory_space<vmem_shared>>
      tpu.enqueue_indirect_dma source(%arg11 : memref<128x64xf32, #tpu.memory_space<vmem>>) target(%dma_start3A_109 : memref<10240x64xf32, #tpu.memory_space<vmem_shared>>) offsets(%dma_start3A_106 : memref<128xi32, #tpu.memory_space<vmem>>) semaphore(%arg21 : memref<!tpu.dma_semaphore, #tpu.memory_space<semaphore_mem>>) {add = true}
      %dma_wait3A_110 = arith.constant 0 : i32
      %dma_wait3A_111 = arith.constant 0 : i32
      %dma_wait3A_112 = tpu.memref_slice %arg5[%dma_wait3A_110, %dma_wait3A_111] : memref<10240x64xf32, #tpu.memory_space<hbm>> -> memref<128x64xf32, #tpu.memory_space<hbm>>
      %dma_wait3A_113 = arith.constant 0 : i32
      %dma_wait3A_114 = arith.constant 0 : i32
      %dma_wait3A_115 = tpu.memref_slice %arg5[%dma_wait3A_113, %dma_wait3A_114] : memref<10240x64xf32, #tpu.memory_space<hbm>> -> memref<128x64xf32, #tpu.memory_space<hbm>>
      tpu.wait_dma2 semaphore(%arg17 : memref<!tpu.dma_semaphore, #tpu.memory_space<semaphore_mem>>) src(%dma_wait3A_115 : memref<128x64xf32, #tpu.memory_space<hbm>>) dst(%arg12 : memref<128x64xf32, #tpu.memory_space<vmem>>)
      %mul3A_116 = arith.constant 5 : i32
      %mul3A_117 = arith.muli %scan3A_63, %mul3A_116 : i32
      %add3A_118 = arith.constant 3 : i32
      %add3A_119 = arith.addi %mul3A_117, %add3A_118 : i32
      %dma_start3A_120 = arith.constant 0 : i32
      %dma_start3A_121 = tpu.memref_slice %arg8[%add3A_119, %dma_start3A_120] : memref<160x128xi32, #tpu.memory_space<vmem>> -> memref<1x128xi32, #tpu.memory_space<vmem>>
      %dma_start3A_122 = tpu.memref_squeeze %dma_start3A_121 : memref<1x128xi32, #tpu.memory_space<vmem>> -> memref<128xi32, #tpu.memory_space<vmem>>
      %dma_start3A_123 = arith.constant 0 : i32
      %dma_start3A_124 = arith.constant 0 : i32
      %dma_start3A_125 = tpu.memref_slice %arg24[%dma_start3A_123, %dma_start3A_124] : memref<10240x64xf32, #tpu.memory_space<vmem_shared>> -> memref<10240x64xf32, #tpu.memory_space<vmem_shared>>
      tpu.enqueue_indirect_dma source(%arg12 : memref<128x64xf32, #tpu.memory_space<vmem>>) target(%dma_start3A_125 : memref<10240x64xf32, #tpu.memory_space<vmem_shared>>) offsets(%dma_start3A_122 : memref<128xi32, #tpu.memory_space<vmem>>) semaphore(%arg22 : memref<!tpu.dma_semaphore, #tpu.memory_space<semaphore_mem>>) {add = true}
      %dma_wait3A_126 = arith.constant 0 : i32
      %dma_wait3A_127 = arith.constant 0 : i32
      %dma_wait3A_128 = tpu.memref_slice %arg5[%dma_wait3A_126, %dma_wait3A_127] : memref<10240x64xf32, #tpu.memory_space<hbm>> -> memref<128x64xf32, #tpu.memory_space<hbm>>
      %dma_wait3A_129 = arith.constant 0 : i32
      %dma_wait3A_130 = arith.constant 0 : i32
      %dma_wait3A_131 = tpu.memref_slice %arg5[%dma_wait3A_129, %dma_wait3A_130] : memref<10240x64xf32, #tpu.memory_space<hbm>> -> memref<128x64xf32, #tpu.memory_space<hbm>>
      tpu.wait_dma2 semaphore(%arg18 : memref<!tpu.dma_semaphore, #tpu.memory_space<semaphore_mem>>) src(%dma_wait3A_131 : memref<128x64xf32, #tpu.memory_space<hbm>>) dst(%arg13 : memref<128x64xf32, #tpu.memory_space<vmem>>)
      %mul3A_132 = arith.constant 5 : i32
      %mul3A_133 = arith.muli %scan3A_63, %mul3A_132 : i32
      %add3A_134 = arith.constant 4 : i32
      %add3A_135 = arith.addi %mul3A_133, %add3A_134 : i32
      %dma_start3A_136 = arith.constant 0 : i32
      %dma_start3A_137 = tpu.memref_slice %arg8[%add3A_135, %dma_start3A_136] : memref<160x128xi32, #tpu.memory_space<vmem>> -> memref<1x128xi32, #tpu.memory_space<vmem>>
      %dma_start3A_138 = tpu.memref_squeeze %dma_start3A_137 : memref<1x128xi32, #tpu.memory_space<vmem>> -> memref<128xi32, #tpu.memory_space<vmem>>
      %dma_start3A_139 = arith.constant 0 : i32
      %dma_start3A_140 = arith.constant 0 : i32
      %dma_start3A_141 = tpu.memref_slice %arg24[%dma_start3A_139, %dma_start3A_140] : memref<10240x64xf32, #tpu.memory_space<vmem_shared>> -> memref<10240x64xf32, #tpu.memory_space<vmem_shared>>
      tpu.enqueue_indirect_dma source(%arg13 : memref<128x64xf32, #tpu.memory_space<vmem>>) target(%dma_start3A_141 : memref<10240x64xf32, #tpu.memory_space<vmem_shared>>) offsets(%dma_start3A_138 : memref<128xi32, #tpu.memory_space<vmem>>) semaphore(%arg23 : memref<!tpu.dma_semaphore, #tpu.memory_space<semaphore_mem>>) {add = true}
      %dma_wait3A_142 = arith.constant 0 : i32
      %dma_wait3A_143 = arith.constant 0 : i32
      %dma_wait3A_144 = tpu.memref_slice %arg5[%dma_wait3A_142, %dma_wait3A_143] : memref<10240x64xf32, #tpu.memory_space<hbm>> -> memref<128x64xf32, #tpu.memory_space<hbm>>
      %dma_wait3A_145 = arith.constant 0 : i32
      %dma_wait3A_146 = arith.constant 0 : i32
      %dma_wait3A_147 = tpu.memref_slice %arg5[%dma_wait3A_145, %dma_wait3A_146] : memref<10240x64xf32, #tpu.memory_space<hbm>> -> memref<128x64xf32, #tpu.memory_space<hbm>>
      tpu.wait_dma2 semaphore(%arg19 : memref<!tpu.dma_semaphore, #tpu.memory_space<semaphore_mem>>) src(%dma_wait3A_147 : memref<128x64xf32, #tpu.memory_space<hbm>>) dst(%arg9 : memref<128x64xf32, #tpu.memory_space<vmem>>)
      %add3A_148 = arith.constant 1 : i32
      %add3A_149 = arith.addi %scan3A_63, %add3A_148 : i32
      %lt3A = arith.constant 32 : i32
      %lt3A_150 = arith.cmpi slt, %add3A_149, %lt3A : i32
      %convert_element_type3A_151 = arith.extui %lt3A_150 : i1 to i32
      %cond3A_152 = arith.constant 0 : i32
      %cond3A_153 = arith.cmpi ne, %convert_element_type3A_151, %cond3A_152 : i32
      scf.if %cond3A_153 {
        %add3A_206 = arith.constant 1 : i32
        %add3A_207 = arith.addi %scan3A_63, %add3A_206 : i32
        %mul3A_208 = arith.constant 5 : i32
        %mul3A_209 = arith.muli %add3A_207, %mul3A_208 : i32
        %add3A_210 = arith.constant 0 : i32
        %add3A_211 = arith.addi %mul3A_209, %add3A_210 : i32
        %dma_start3A_212 = arith.constant 0 : i32
        %dma_start3A_213 = tpu.memref_slice %arg7[%add3A_211, %dma_start3A_212] : memref<160x128xi32, #tpu.memory_space<vmem>> -> memref<1x128xi32, #tpu.memory_space<vmem>>
        %dma_start3A_214 = tpu.memref_squeeze %dma_start3A_213 : memref<1x128xi32, #tpu.memory_space<vmem>> -> memref<128xi32, #tpu.memory_space<vmem>>
        %dma_start3A_215 = arith.constant 0 : i32
        %dma_start3A_216 = arith.constant 0 : i32
        %dma_start3A_217 = tpu.memref_slice %arg2[%arg0, %dma_start3A_215, %dma_start3A_216] : memref<2x10240x64xf32, #tpu.memory_space<hbm>> -> memref<1x10240x64xf32, #tpu.memory_space<hbm>>
        %dma_start3A_218 = tpu.memref_squeeze %dma_start3A_217 : memref<1x10240x64xf32, #tpu.memory_space<hbm>> -> memref<10240x64xf32, #tpu.memory_space<hbm>>
        %dma_start3A_219 = arith.constant 0 : i32
        %dma_start3A_220 = arith.constant 0 : i32
        %dma_start3A_221 = tpu.memref_slice %dma_start3A_218[%dma_start3A_219, %dma_start3A_220] : memref<10240x64xf32, #tpu.memory_space<hbm>> -> memref<10240x64xf32, #tpu.memory_space<hbm>>
        tpu.enqueue_indirect_dma source(%dma_start3A_221 : memref<10240x64xf32, #tpu.memory_space<hbm>>) target(%arg9 : memref<128x64xf32, #tpu.memory_space<vmem>>) offsets(%dma_start3A_214 : memref<128xi32, #tpu.memory_space<vmem>>) semaphore(%arg14 : memref<!tpu.dma_semaphore, #tpu.memory_space<semaphore_mem>>)
      } else {
      }
      %dma_wait3A_154 = arith.constant 0 : i32
      %dma_wait3A_155 = arith.constant 0 : i32
      %dma_wait3A_156 = tpu.memref_slice %arg5[%dma_wait3A_154, %dma_wait3A_155] : memref<10240x64xf32, #tpu.memory_space<hbm>> -> memref<128x64xf32, #tpu.memory_space<hbm>>
      %dma_wait3A_157 = arith.constant 0 : i32
      %dma_wait3A_158 = arith.constant 0 : i32
      %dma_wait3A_159 = tpu.memref_slice %arg5[%dma_wait3A_157, %dma_wait3A_158] : memref<10240x64xf32, #tpu.memory_space<hbm>> -> memref<128x64xf32, #tpu.memory_space<hbm>>
      tpu.wait_dma2 semaphore(%arg20 : memref<!tpu.dma_semaphore, #tpu.memory_space<semaphore_mem>>) src(%dma_wait3A_159 : memref<128x64xf32, #tpu.memory_space<hbm>>) dst(%arg10 : memref<128x64xf32, #tpu.memory_space<vmem>>)
      %add3A_160 = arith.constant 1 : i32
      %add3A_161 = arith.addi %scan3A_63, %add3A_160 : i32
      %lt3A_162 = arith.constant 32 : i32
      %lt3A_163 = arith.cmpi slt, %add3A_161, %lt3A_162 : i32
      %convert_element_type3A_164 = arith.extui %lt3A_163 : i1 to i32
      %cond3A_165 = arith.constant 0 : i32
      %cond3A_166 = arith.cmpi ne, %convert_element_type3A_164, %cond3A_165 : i32
      scf.if %cond3A_166 {
        %add3A_206 = arith.constant 1 : i32
        %add3A_207 = arith.addi %scan3A_63, %add3A_206 : i32
        %mul3A_208 = arith.constant 5 : i32
        %mul3A_209 = arith.muli %add3A_207, %mul3A_208 : i32
        %add3A_210 = arith.constant 1 : i32
        %add3A_211 = arith.addi %mul3A_209, %add3A_210 : i32
        %dma_start3A_212 = arith.constant 0 : i32
        %dma_start3A_213 = tpu.memref_slice %arg7[%add3A_211, %dma_start3A_212] : memref<160x128xi32, #tpu.memory_space<vmem>> -> memref<1x128xi32, #tpu.memory_space<vmem>>
        %dma_start3A_214 = tpu.memref_squeeze %dma_start3A_213 : memref<1x128xi32, #tpu.memory_space<vmem>> -> memref<128xi32, #tpu.memory_space<vmem>>
        %dma_start3A_215 = arith.constant 0 : i32
        %dma_start3A_216 = arith.constant 0 : i32
        %dma_start3A_217 = tpu.memref_slice %arg2[%arg0, %dma_start3A_215, %dma_start3A_216] : memref<2x10240x64xf32, #tpu.memory_space<hbm>> -> memref<1x10240x64xf32, #tpu.memory_space<hbm>>
        %dma_start3A_218 = tpu.memref_squeeze %dma_start3A_217 : memref<1x10240x64xf32, #tpu.memory_space<hbm>> -> memref<10240x64xf32, #tpu.memory_space<hbm>>
        %dma_start3A_219 = arith.constant 0 : i32
        %dma_start3A_220 = arith.constant 0 : i32
        %dma_start3A_221 = tpu.memref_slice %dma_start3A_218[%dma_start3A_219, %dma_start3A_220] : memref<10240x64xf32, #tpu.memory_space<hbm>> -> memref<10240x64xf32, #tpu.memory_space<hbm>>
        tpu.enqueue_indirect_dma source(%dma_start3A_221 : memref<10240x64xf32, #tpu.memory_space<hbm>>) target(%arg10 : memref<128x64xf32, #tpu.memory_space<vmem>>) offsets(%dma_start3A_214 : memref<128xi32, #tpu.memory_space<vmem>>) semaphore(%arg15 : memref<!tpu.dma_semaphore, #tpu.memory_space<semaphore_mem>>)
      } else {
      }
      %dma_wait3A_167 = arith.constant 0 : i32
      %dma_wait3A_168 = arith.constant 0 : i32
      %dma_wait3A_169 = tpu.memref_slice %arg5[%dma_wait3A_167, %dma_wait3A_168] : memref<10240x64xf32, #tpu.memory_space<hbm>> -> memref<128x64xf32, #tpu.memory_space<hbm>>
      %dma_wait3A_170 = arith.constant 0 : i32
      %dma_wait3A_171 = arith.constant 0 : i32
      %dma_wait3A_172 = tpu.memref_slice %arg5[%dma_wait3A_170, %dma_wait3A_171] : memref<10240x64xf32, #tpu.memory_space<hbm>> -> memref<128x64xf32, #tpu.memory_space<hbm>>
      tpu.wait_dma2 semaphore(%arg21 : memref<!tpu.dma_semaphore, #tpu.memory_space<semaphore_mem>>) src(%dma_wait3A_172 : memref<128x64xf32, #tpu.memory_space<hbm>>) dst(%arg11 : memref<128x64xf32, #tpu.memory_space<vmem>>)
      %add3A_173 = arith.constant 1 : i32
      %add3A_174 = arith.addi %scan3A_63, %add3A_173 : i32
      %lt3A_175 = arith.constant 32 : i32
      %lt3A_176 = arith.cmpi slt, %add3A_174, %lt3A_175 : i32
      %convert_element_type3A_177 = arith.extui %lt3A_176 : i1 to i32
      %cond3A_178 = arith.constant 0 : i32
      %cond3A_179 = arith.cmpi ne, %convert_element_type3A_177, %cond3A_178 : i32
      scf.if %cond3A_179 {
        %add3A_206 = arith.constant 1 : i32
        %add3A_207 = arith.addi %scan3A_63, %add3A_206 : i32
        %mul3A_208 = arith.constant 5 : i32
        %mul3A_209 = arith.muli %add3A_207, %mul3A_208 : i32
        %add3A_210 = arith.constant 2 : i32
        %add3A_211 = arith.addi %mul3A_209, %add3A_210 : i32
        %dma_start3A_212 = arith.constant 0 : i32
        %dma_start3A_213 = tpu.memref_slice %arg7[%add3A_211, %dma_start3A_212] : memref<160x128xi32, #tpu.memory_space<vmem>> -> memref<1x128xi32, #tpu.memory_space<vmem>>
        %dma_start3A_214 = tpu.memref_squeeze %dma_start3A_213 : memref<1x128xi32, #tpu.memory_space<vmem>> -> memref<128xi32, #tpu.memory_space<vmem>>
        %dma_start3A_215 = arith.constant 0 : i32
        %dma_start3A_216 = arith.constant 0 : i32
        %dma_start3A_217 = tpu.memref_slice %arg2[%arg0, %dma_start3A_215, %dma_start3A_216] : memref<2x10240x64xf32, #tpu.memory_space<hbm>> -> memref<1x10240x64xf32, #tpu.memory_space<hbm>>
        %dma_start3A_218 = tpu.memref_squeeze %dma_start3A_217 : memref<1x10240x64xf32, #tpu.memory_space<hbm>> -> memref<10240x64xf32, #tpu.memory_space<hbm>>
        %dma_start3A_219 = arith.constant 0 : i32
        %dma_start3A_220 = arith.constant 0 : i32
        %dma_start3A_221 = tpu.memref_slice %dma_start3A_218[%dma_start3A_219, %dma_start3A_220] : memref<10240x64xf32, #tpu.memory_space<hbm>> -> memref<10240x64xf32, #tpu.memory_space<hbm>>
        tpu.enqueue_indirect_dma source(%dma_start3A_221 : memref<10240x64xf32, #tpu.memory_space<hbm>>) target(%arg11 : memref<128x64xf32, #tpu.memory_space<vmem>>) offsets(%dma_start3A_214 : memref<128xi32, #tpu.memory_space<vmem>>) semaphore(%arg16 : memref<!tpu.dma_semaphore, #tpu.memory_space<semaphore_mem>>)
      } else {
      }
      %dma_wait3A_180 = arith.constant 0 : i32
      %dma_wait3A_181 = arith.constant 0 : i32
      %dma_wait3A_182 = tpu.memref_slice %arg5[%dma_wait3A_180, %dma_wait3A_181] : memref<10240x64xf32, #tpu.memory_space<hbm>> -> memref<128x64xf32, #tpu.memory_space<hbm>>
      %dma_wait3A_183 = arith.constant 0 : i32
      %dma_wait3A_184 = arith.constant 0 : i32
      %dma_wait3A_185 = tpu.memref_slice %arg5[%dma_wait3A_183, %dma_wait3A_184] : memref<10240x64xf32, #tpu.memory_space<hbm>> -> memref<128x64xf32, #tpu.memory_space<hbm>>
      tpu.wait_dma2 semaphore(%arg22 : memref<!tpu.dma_semaphore, #tpu.memory_space<semaphore_mem>>) src(%dma_wait3A_185 : memref<128x64xf32, #tpu.memory_space<hbm>>) dst(%arg12 : memref<128x64xf32, #tpu.memory_space<vmem>>)
      %add3A_186 = arith.constant 1 : i32
      %add3A_187 = arith.addi %scan3A_63, %add3A_186 : i32
      %lt3A_188 = arith.constant 32 : i32
      %lt3A_189 = arith.cmpi slt, %add3A_187, %lt3A_188 : i32
      %convert_element_type3A_190 = arith.extui %lt3A_189 : i1 to i32
      %cond3A_191 = arith.constant 0 : i32
      %cond3A_192 = arith.cmpi ne, %convert_element_type3A_190, %cond3A_191 : i32
      scf.if %cond3A_192 {
        %add3A_206 = arith.constant 1 : i32
        %add3A_207 = arith.addi %scan3A_63, %add3A_206 : i32
        %mul3A_208 = arith.constant 5 : i32
        %mul3A_209 = arith.muli %add3A_207, %mul3A_208 : i32
        %add3A_210 = arith.constant 3 : i32
        %add3A_211 = arith.addi %mul3A_209, %add3A_210 : i32
        %dma_start3A_212 = arith.constant 0 : i32
        %dma_start3A_213 = tpu.memref_slice %arg7[%add3A_211, %dma_start3A_212] : memref<160x128xi32, #tpu.memory_space<vmem>> -> memref<1x128xi32, #tpu.memory_space<vmem>>
        %dma_start3A_214 = tpu.memref_squeeze %dma_start3A_213 : memref<1x128xi32, #tpu.memory_space<vmem>> -> memref<128xi32, #tpu.memory_space<vmem>>
        %dma_start3A_215 = arith.constant 0 : i32
        %dma_start3A_216 = arith.constant 0 : i32
        %dma_start3A_217 = tpu.memref_slice %arg2[%arg0, %dma_start3A_215, %dma_start3A_216] : memref<2x10240x64xf32, #tpu.memory_space<hbm>> -> memref<1x10240x64xf32, #tpu.memory_space<hbm>>
        %dma_start3A_218 = tpu.memref_squeeze %dma_start3A_217 : memref<1x10240x64xf32, #tpu.memory_space<hbm>> -> memref<10240x64xf32, #tpu.memory_space<hbm>>
        %dma_start3A_219 = arith.constant 0 : i32
        %dma_start3A_220 = arith.constant 0 : i32
        %dma_start3A_221 = tpu.memref_slice %dma_start3A_218[%dma_start3A_219, %dma_start3A_220] : memref<10240x64xf32, #tpu.memory_space<hbm>> -> memref<10240x64xf32, #tpu.memory_space<hbm>>
        tpu.enqueue_indirect_dma source(%dma_start3A_221 : memref<10240x64xf32, #tpu.memory_space<hbm>>) target(%arg12 : memref<128x64xf32, #tpu.memory_space<vmem>>) offsets(%dma_start3A_214 : memref<128xi32, #tpu.memory_space<vmem>>) semaphore(%arg17 : memref<!tpu.dma_semaphore, #tpu.memory_space<semaphore_mem>>)
      } else {
      }
      %dma_wait3A_193 = arith.constant 0 : i32
      %dma_wait3A_194 = arith.constant 0 : i32
      %dma_wait3A_195 = tpu.memref_slice %arg5[%dma_wait3A_193, %dma_wait3A_194] : memref<10240x64xf32, #tpu.memory_space<hbm>> -> memref<128x64xf32, #tpu.memory_space<hbm>>
      %dma_wait3A_196 = arith.constant 0 : i32
      %dma_wait3A_197 = arith.constant 0 : i32
      %dma_wait3A_198 = tpu.memref_slice %arg5[%dma_wait3A_196, %dma_wait3A_197] : memref<10240x64xf32, #tpu.memory_space<hbm>> -> memref<128x64xf32, #tpu.memory_space<hbm>>
      tpu.wait_dma2 semaphore(%arg23 : memref<!tpu.dma_semaphore, #tpu.memory_space<semaphore_mem>>) src(%dma_wait3A_198 : memref<128x64xf32, #tpu.memory_space<hbm>>) dst(%arg13 : memref<128x64xf32, #tpu.memory_space<vmem>>)
      %add3A_199 = arith.constant 1 : i32
      %add3A_200 = arith.addi %scan3A_63, %add3A_199 : i32
      %lt3A_201 = arith.constant 32 : i32
      %lt3A_202 = arith.cmpi slt, %add3A_200, %lt3A_201 : i32
      %convert_element_type3A_203 = arith.extui %lt3A_202 : i1 to i32
      %cond3A_204 = arith.constant 0 : i32
      %cond3A_205 = arith.cmpi ne, %convert_element_type3A_203, %cond3A_204 : i32
      scf.if %cond3A_205 {
        %add3A_206 = arith.constant 1 : i32
        %add3A_207 = arith.addi %scan3A_63, %add3A_206 : i32
        %mul3A_208 = arith.constant 5 : i32
        %mul3A_209 = arith.muli %add3A_207, %mul3A_208 : i32
        %add3A_210 = arith.constant 4 : i32
        %add3A_211 = arith.addi %mul3A_209, %add3A_210 : i32
        %dma_start3A_212 = arith.constant 0 : i32
        %dma_start3A_213 = tpu.memref_slice %arg7[%add3A_211, %dma_start3A_212] : memref<160x128xi32, #tpu.memory_space<vmem>> -> memref<1x128xi32, #tpu.memory_space<vmem>>
        %dma_start3A_214 = tpu.memref_squeeze %dma_start3A_213 : memref<1x128xi32, #tpu.memory_space<vmem>> -> memref<128xi32, #tpu.memory_space<vmem>>
        %dma_start3A_215 = arith.constant 0 : i32
        %dma_start3A_216 = arith.constant 0 : i32
        %dma_start3A_217 = tpu.memref_slice %arg2[%arg0, %dma_start3A_215, %dma_start3A_216] : memref<2x10240x64xf32, #tpu.memory_space<hbm>> -> memref<1x10240x64xf32, #tpu.memory_space<hbm>>
        %dma_start3A_218 = tpu.memref_squeeze %dma_start3A_217 : memref<1x10240x64xf32, #tpu.memory_space<hbm>> -> memref<10240x64xf32, #tpu.memory_space<hbm>>
        %dma_start3A_219 = arith.constant 0 : i32
        %dma_start3A_220 = arith.constant 0 : i32
        %dma_start3A_221 = tpu.memref_slice %dma_start3A_218[%dma_start3A_219, %dma_start3A_220] : memref<10240x64xf32, #tpu.memory_space<hbm>> -> memref<10240x64xf32, #tpu.memory_space<hbm>>
        tpu.enqueue_indirect_dma source(%dma_start3A_221 : memref<10240x64xf32, #tpu.memory_space<hbm>>) target(%arg13 : memref<128x64xf32, #tpu.memory_space<vmem>>) offsets(%dma_start3A_214 : memref<128xi32, #tpu.memory_space<vmem>>) semaphore(%arg18 : memref<!tpu.dma_semaphore, #tpu.memory_space<semaphore_mem>>)
      } else {
      }
    }
    %scan3A_60 = arith.constant 32 : i32
    %barrier3A_61 = arith.constant 0 : index
    tpu.barrier barrier_id(%barrier3A_61)
    %mul3A = arith.constant 640 : i32
    %mul3A_62 = arith.muli %arg1, %mul3A : i32
    "tpu.region"() ({
      %run_scoped3A = tpu.sem_alloc : memref<!tpu.dma_semaphore, #tpu.memory_space<semaphore_mem>>
      %dma_start3A_63 = arith.constant 0 : i32
      %dma_start3A_64 = arith.constant 0 : i32
      %dma_start3A_65 = tpu.memref_slice %arg6[%arg0, %dma_start3A_63, %dma_start3A_64] : memref<2x10240x64xf32, #tpu.memory_space<hbm>> -> memref<1x10240x64xf32, #tpu.memory_space<hbm>>
      %dma_start3A_66 = tpu.memref_squeeze %dma_start3A_65 : memref<1x10240x64xf32, #tpu.memory_space<hbm>> -> memref<10240x64xf32, #tpu.memory_space<hbm>>
      %dma_start3A_67 = arith.constant 0 : i32
      %dma_start3A_68 = tpu.memref_slice %dma_start3A_66[%mul3A_62, %dma_start3A_67] : memref<10240x64xf32, #tpu.memory_space<hbm>> -> memref<640x64xf32, #tpu.memory_space<hbm>>
      %dma_start3A_69 = arith.constant 0 : i32
      %dma_start3A_70 = tpu.memref_slice %arg24[%mul3A_62, %dma_start3A_69] : memref<10240x64xf32, #tpu.memory_space<vmem_shared>> -> memref<640x64xf32, #tpu.memory_space<vmem_shared>>
      tpu.enqueue_dma source(%dma_start3A_70 : memref<640x64xf32, #tpu.memory_space<vmem_shared>>) target(%dma_start3A_68 : memref<640x64xf32, #tpu.memory_space<hbm>>) target_semaphore(%run_scoped3A : memref<!tpu.dma_semaphore, #tpu.memory_space<semaphore_mem>>)
      %dma_wait3A = arith.constant 0 : i32
      %dma_wait3A_71 = arith.constant 0 : i32
      %dma_wait3A_72 = tpu.memref_slice %arg6[%arg0, %dma_wait3A, %dma_wait3A_71] : memref<2x10240x64xf32, #tpu.memory_space<hbm>> -> memref<1x10240x64xf32, #tpu.memory_space<hbm>>
      %dma_wait3A_73 = tpu.memref_squeeze %dma_wait3A_72 : memref<1x10240x64xf32, #tpu.memory_space<hbm>> -> memref<10240x64xf32, #tpu.memory_space<hbm>>
      %dma_wait3A_74 = arith.constant 0 : i32
      %dma_wait3A_75 = tpu.memref_slice %dma_wait3A_73[%mul3A_62, %dma_wait3A_74] : memref<10240x64xf32, #tpu.memory_space<hbm>> -> memref<640x64xf32, #tpu.memory_space<hbm>>
      %dma_wait3A_76 = arith.constant 0 : i32
      %dma_wait3A_77 = tpu.memref_slice %arg24[%mul3A_62, %dma_wait3A_76] : memref<10240x64xf32, #tpu.memory_space<vmem_shared>> -> memref<640x64xf32, #tpu.memory_space<vmem_shared>>
      tpu.wait_dma2 semaphore(%run_scoped3A : memref<!tpu.dma_semaphore, #tpu.memory_space<semaphore_mem>>) src(%dma_wait3A_77 : memref<640x64xf32, #tpu.memory_space<vmem_shared>>) dst(%dma_wait3A_75 : memref<640x64xf32, #tpu.memory_space<hbm>>)
      tpu.yield
    }) : () -> ()
    return
  }
}

#map = affine_map<(d0, d1) -> (0, 0, 0)>
#map1 = affine_map<(d0, d1) -> (0, 0)>
module attributes {stable_mosaic.version = 14 : i64} {
  func.func @_sc_deg_body(%arg0: i32, %arg1: i32, %arg2: memref<16x160x128xi32, #tpu.memory_space<hbm>>, %arg3: memref<128x16xf32, #tpu.memory_space<hbm>>, %arg4: memref<10240x16xf32, #tpu.memory_space<hbm>>, %arg5: memref<2x10240x16xf32, #tpu.memory_space<hbm>>, %arg6: memref<160x128xi32, #tpu.memory_space<vmem>>, %arg7: memref<128x16xf32, #tpu.memory_space<vmem>>, %arg8: memref<10240x16xf32, #tpu.memory_space<vmem_shared>>) attributes {dimension_semantics = [#tpu.dimension_semantics<core_parallel>, #tpu.dimension_semantics<subcore_parallel>], iteration_bounds = array<i64: 2, 16>, scalar_prefetch = 0 : i64, scratch_operands = 3 : i64, tpu.core_type = #tpu.core_type<sc_vector_subcore>, window_params = [{transform_indices = #map}, {transform_indices = #map1}, {transform_indices = #map1}, {transform_indices = #map}]} {
    %eq3A = arith.constant 0 : i32
    %eq3A_0 = arith.cmpi eq, %arg1, %eq3A : i32
    %convert_element_type3A = arith.extui %eq3A_0 : i1 to i32
    %cond3A = arith.constant 0 : i32
    %cond3A_1 = arith.cmpi ne, %convert_element_type3A, %cond3A : i32
    scf.if %cond3A_1 {
      "tpu.region"() ({
        %run_scoped3A = tpu.sem_alloc : memref<!tpu.dma_semaphore, #tpu.memory_space<semaphore_mem>>
        tpu.enqueue_dma source(%arg4 : memref<10240x16xf32, #tpu.memory_space<hbm>>) target(%arg8 : memref<10240x16xf32, #tpu.memory_space<vmem_shared>>) target_semaphore(%run_scoped3A : memref<!tpu.dma_semaphore, #tpu.memory_space<semaphore_mem>>)
        tpu.wait_dma2 semaphore(%run_scoped3A : memref<!tpu.dma_semaphore, #tpu.memory_space<semaphore_mem>>) src(%arg4 : memref<10240x16xf32, #tpu.memory_space<hbm>>) dst(%arg8 : memref<10240x16xf32, #tpu.memory_space<vmem_shared>>)
        tpu.yield
      }) : () -> ()
    } else {
    }
    %barrier3A = arith.constant 0 : index
    tpu.barrier barrier_id(%barrier3A)
    "tpu.region"() ({
      %run_scoped3A = tpu.sem_alloc : memref<!tpu.dma_semaphore, #tpu.memory_space<semaphore_mem>>
      %dma_start3A = arith.constant 0 : i32
      %dma_start3A_11 = arith.constant 0 : i32
      %dma_start3A_12 = tpu.memref_slice %arg2[%arg1, %dma_start3A, %dma_start3A_11] : memref<16x160x128xi32, #tpu.memory_space<hbm>> -> memref<1x160x128xi32, #tpu.memory_space<hbm>>
      %dma_start3A_13 = tpu.memref_squeeze %dma_start3A_12 : memref<1x160x128xi32, #tpu.memory_space<hbm>> -> memref<160x128xi32, #tpu.memory_space<hbm>>
      %dma_start3A_14 = arith.constant 0 : i32
      %dma_start3A_15 = arith.constant 0 : i32
      %dma_start3A_16 = tpu.memref_slice %arg2[%arg1, %dma_start3A_14, %dma_start3A_15] : memref<16x160x128xi32, #tpu.memory_space<hbm>> -> memref<1x160x128xi32, #tpu.memory_space<hbm>>
      %dma_start3A_17 = tpu.memref_squeeze %dma_start3A_16 : memref<1x160x128xi32, #tpu.memory_space<hbm>> -> memref<160x128xi32, #tpu.memory_space<hbm>>
      tpu.enqueue_dma source(%dma_start3A_17 : memref<160x128xi32, #tpu.memory_space<hbm>>) target(%arg6 : memref<160x128xi32, #tpu.memory_space<vmem>>) target_semaphore(%run_scoped3A : memref<!tpu.dma_semaphore, #tpu.memory_space<semaphore_mem>>)
      %dma_wait3A = arith.constant 0 : i32
      %dma_wait3A_18 = arith.constant 0 : i32
      %dma_wait3A_19 = tpu.memref_slice %arg2[%arg1, %dma_wait3A, %dma_wait3A_18] : memref<16x160x128xi32, #tpu.memory_space<hbm>> -> memref<1x160x128xi32, #tpu.memory_space<hbm>>
      %dma_wait3A_20 = tpu.memref_squeeze %dma_wait3A_19 : memref<1x160x128xi32, #tpu.memory_space<hbm>> -> memref<160x128xi32, #tpu.memory_space<hbm>>
      %dma_wait3A_21 = arith.constant 0 : i32
      %dma_wait3A_22 = arith.constant 0 : i32
      %dma_wait3A_23 = tpu.memref_slice %arg2[%arg1, %dma_wait3A_21, %dma_wait3A_22] : memref<16x160x128xi32, #tpu.memory_space<hbm>> -> memref<1x160x128xi32, #tpu.memory_space<hbm>>
      %dma_wait3A_24 = tpu.memref_squeeze %dma_wait3A_23 : memref<1x160x128xi32, #tpu.memory_space<hbm>> -> memref<160x128xi32, #tpu.memory_space<hbm>>
      tpu.wait_dma2 semaphore(%run_scoped3A : memref<!tpu.dma_semaphore, #tpu.memory_space<semaphore_mem>>) src(%dma_wait3A_24 : memref<160x128xi32, #tpu.memory_space<hbm>>) dst(%arg6 : memref<160x128xi32, #tpu.memory_space<vmem>>)
      tpu.yield
    }) : () -> ()
    "tpu.region"() ({
      %run_scoped3A = tpu.sem_alloc : memref<!tpu.dma_semaphore, #tpu.memory_space<semaphore_mem>>
      tpu.enqueue_dma source(%arg3 : memref<128x16xf32, #tpu.memory_space<hbm>>) target(%arg7 : memref<128x16xf32, #tpu.memory_space<vmem>>) target_semaphore(%run_scoped3A : memref<!tpu.dma_semaphore, #tpu.memory_space<semaphore_mem>>)
      tpu.wait_dma2 semaphore(%run_scoped3A : memref<!tpu.dma_semaphore, #tpu.memory_space<semaphore_mem>>) src(%arg3 : memref<128x16xf32, #tpu.memory_space<hbm>>) dst(%arg7 : memref<128x16xf32, #tpu.memory_space<vmem>>)
      tpu.yield
    }) : () -> ()
    %mul3A = arith.constant 80 : i32
    %mul3A_2 = arith.muli %arg0, %mul3A : i32
    %scan3A = arith.constant 0 : i32
    %scan3A_3 = arith.constant 0 : i32
    %scan3A_4 = arith.constant 80 : i32
    %scan3A_5 = arith.addi %scan3A_3, %scan3A_4 : i32
    %scan3A_6 = arith.constant 1 : i32
    scf.for %scan3A_11 = %scan3A_3 to %scan3A_5 step %scan3A_6  : i32 {
      %add3A = arith.addi %mul3A_2, %scan3A_11 : i32
      "tpu.region"() ({
        %run_scoped3A = tpu.sem_alloc : memref<!tpu.dma_semaphore, #tpu.memory_space<semaphore_mem>>
        %dma_start3A = arith.constant 0 : i32
        %dma_start3A_12 = tpu.memref_slice %arg6[%add3A, %dma_start3A] : memref<160x128xi32, #tpu.memory_space<vmem>> -> memref<1x128xi32, #tpu.memory_space<vmem>>
        %dma_start3A_13 = tpu.memref_squeeze %dma_start3A_12 : memref<1x128xi32, #tpu.memory_space<vmem>> -> memref<128xi32, #tpu.memory_space<vmem>>
        %dma_start3A_14 = arith.constant 0 : i32
        %dma_start3A_15 = arith.constant 0 : i32
        %dma_start3A_16 = tpu.memref_slice %arg8[%dma_start3A_14, %dma_start3A_15] : memref<10240x16xf32, #tpu.memory_space<vmem_shared>> -> memref<10240x16xf32, #tpu.memory_space<vmem_shared>>
        tpu.enqueue_indirect_dma source(%arg7 : memref<128x16xf32, #tpu.memory_space<vmem>>) target(%dma_start3A_16 : memref<10240x16xf32, #tpu.memory_space<vmem_shared>>) offsets(%dma_start3A_13 : memref<128xi32, #tpu.memory_space<vmem>>) semaphore(%run_scoped3A : memref<!tpu.dma_semaphore, #tpu.memory_space<semaphore_mem>>) {add = true}
        %dma_wait3A = arith.constant 0 : i32
        %dma_wait3A_17 = tpu.memref_slice %arg6[%add3A, %dma_wait3A] : memref<160x128xi32, #tpu.memory_space<vmem>> -> memref<1x128xi32, #tpu.memory_space<vmem>>
        %dma_wait3A_18 = tpu.memref_squeeze %dma_wait3A_17 : memref<1x128xi32, #tpu.memory_space<vmem>> -> memref<128xi32, #tpu.memory_space<vmem>>
        %dma_wait3A_19 = arith.constant 0 : i32
        %dma_wait3A_20 = arith.constant 0 : i32
        %dma_wait3A_21 = tpu.memref_slice %arg8[%dma_wait3A_19, %dma_wait3A_20] : memref<10240x16xf32, #tpu.memory_space<vmem_shared>> -> memref<10240x16xf32, #tpu.memory_space<vmem_shared>>
        tpu.wait_indirect_dma semaphore(%run_scoped3A : memref<!tpu.dma_semaphore, #tpu.memory_space<semaphore_mem>>) src(%arg7 : memref<128x16xf32, #tpu.memory_space<vmem>>) dst(%dma_wait3A_21 : memref<10240x16xf32, #tpu.memory_space<vmem_shared>>)
        tpu.yield
      }) : () -> ()
    }
    %scan3A_7 = arith.constant 80 : i32
    %barrier3A_8 = arith.constant 0 : index
    tpu.barrier barrier_id(%barrier3A_8)
    %mul3A_9 = arith.constant 640 : i32
    %mul3A_10 = arith.muli %arg1, %mul3A_9 : i32
    "tpu.region"() ({
      %run_scoped3A = tpu.sem_alloc : memref<!tpu.dma_semaphore, #tpu.memory_space<semaphore_mem>>
      %dma_start3A = arith.constant 0 : i32
      %dma_start3A_11 = arith.constant 0 : i32
      %dma_start3A_12 = tpu.memref_slice %arg5[%arg0, %dma_start3A, %dma_start3A_11] : memref<2x10240x16xf32, #tpu.memory_space<hbm>> -> memref<1x10240x16xf32, #tpu.memory_space<hbm>>
      %dma_start3A_13 = tpu.memref_squeeze %dma_start3A_12 : memref<1x10240x16xf32, #tpu.memory_space<hbm>> -> memref<10240x16xf32, #tpu.memory_space<hbm>>
      %dma_start3A_14 = arith.constant 0 : i32
      %dma_start3A_15 = tpu.memref_slice %dma_start3A_13[%mul3A_10, %dma_start3A_14] : memref<10240x16xf32, #tpu.memory_space<hbm>> -> memref<640x16xf32, #tpu.memory_space<hbm>>
      %dma_start3A_16 = arith.constant 0 : i32
      %dma_start3A_17 = tpu.memref_slice %arg8[%mul3A_10, %dma_start3A_16] : memref<10240x16xf32, #tpu.memory_space<vmem_shared>> -> memref<640x16xf32, #tpu.memory_space<vmem_shared>>
      tpu.enqueue_dma source(%dma_start3A_17 : memref<640x16xf32, #tpu.memory_space<vmem_shared>>) target(%dma_start3A_15 : memref<640x16xf32, #tpu.memory_space<hbm>>) target_semaphore(%run_scoped3A : memref<!tpu.dma_semaphore, #tpu.memory_space<semaphore_mem>>)
      %dma_wait3A = arith.constant 0 : i32
      %dma_wait3A_18 = arith.constant 0 : i32
      %dma_wait3A_19 = tpu.memref_slice %arg5[%arg0, %dma_wait3A, %dma_wait3A_18] : memref<2x10240x16xf32, #tpu.memory_space<hbm>> -> memref<1x10240x16xf32, #tpu.memory_space<hbm>>
      %dma_wait3A_20 = tpu.memref_squeeze %dma_wait3A_19 : memref<1x10240x16xf32, #tpu.memory_space<hbm>> -> memref<10240x16xf32, #tpu.memory_space<hbm>>
      %dma_wait3A_21 = arith.constant 0 : i32
      %dma_wait3A_22 = tpu.memref_slice %dma_wait3A_20[%mul3A_10, %dma_wait3A_21] : memref<10240x16xf32, #tpu.memory_space<hbm>> -> memref<640x16xf32, #tpu.memory_space<hbm>>
      %dma_wait3A_23 = arith.constant 0 : i32
      %dma_wait3A_24 = tpu.memref_slice %arg8[%mul3A_10, %dma_wait3A_23] : memref<10240x16xf32, #tpu.memory_space<vmem_shared>> -> memref<640x16xf32, #tpu.memory_space<vmem_shared>>
      tpu.wait_dma2 semaphore(%run_scoped3A : memref<!tpu.dma_semaphore, #tpu.memory_space<semaphore_mem>>) src(%dma_wait3A_24 : memref<640x16xf32, #tpu.memory_space<vmem_shared>>) dst(%dma_wait3A_22 : memref<640x16xf32, #tpu.memory_space<hbm>>)
      tpu.yield
    }) : () -> ()
    return
  }
}

#map = affine_map<(d0, d1) -> (0, 0, 0)>
#map1 = affine_map<(d0, d1) -> (0, 0)>
module attributes {stable_mosaic.version = 14 : i64} {
  func.func @_sc_scatter_body(%arg0: i32, %arg1: i32, %arg2: memref<2x10240x64xf32, #tpu.memory_space<hbm>>, %arg3: memref<16x160x128xi32, #tpu.memory_space<hbm>>, %arg4: memref<16x160x128xi32, #tpu.memory_space<hbm>>, %arg5: memref<10240x64xf32, #tpu.memory_space<hbm>>, %arg6: memref<2x10240x64xf32, #tpu.memory_space<hbm>>, %arg7: memref<160x128xi32, #tpu.memory_space<vmem>>, %arg8: memref<160x128xi32, #tpu.memory_space<vmem>>, %arg9: memref<128x64xf32, #tpu.memory_space<vmem>>, %arg10: memref<128x64xf32, #tpu.memory_space<vmem>>, %arg11: memref<128x64xf32, #tpu.memory_space<vmem>>, %arg12: memref<128x64xf32, #tpu.memory_space<vmem>>, %arg13: memref<128x64xf32, #tpu.memory_space<vmem>>, %arg14: memref<!tpu.dma_semaphore, #tpu.memory_space<semaphore_mem>>, %arg15: memref<!tpu.dma_semaphore, #tpu.memory_space<semaphore_mem>>, %arg16: memref<!tpu.dma_semaphore, #tpu.memory_space<semaphore_mem>>, %arg17: memref<!tpu.dma_semaphore, #tpu.memory_space<semaphore_mem>>, %arg18: memref<!tpu.dma_semaphore, #tpu.memory_space<semaphore_mem>>, %arg19: memref<!tpu.dma_semaphore, #tpu.memory_space<semaphore_mem>>, %arg20: memref<!tpu.dma_semaphore, #tpu.memory_space<semaphore_mem>>, %arg21: memref<!tpu.dma_semaphore, #tpu.memory_space<semaphore_mem>>, %arg22: memref<!tpu.dma_semaphore, #tpu.memory_space<semaphore_mem>>, %arg23: memref<!tpu.dma_semaphore, #tpu.memory_space<semaphore_mem>>, %arg24: memref<10240x64xf32, #tpu.memory_space<vmem_shared>>) attributes {dimension_semantics = [#tpu.dimension_semantics<core_parallel>, #tpu.dimension_semantics<subcore_parallel>], iteration_bounds = array<i64: 2, 16>, scalar_prefetch = 0 : i64, scratch_operands = 18 : i64, tpu.core_type = #tpu.core_type<sc_vector_subcore>, window_params = [{transform_indices = #map}, {transform_indices = #map}, {transform_indices = #map}, {transform_indices = #map1}, {transform_indices = #map}]} {
    %eq3A = arith.constant 0 : i32
    %eq3A_0 = arith.cmpi eq, %arg1, %eq3A : i32
    %convert_element_type3A = arith.extui %eq3A_0 : i1 to i32
    %cond3A = arith.constant 0 : i32
    %cond3A_1 = arith.cmpi ne, %convert_element_type3A, %cond3A : i32
    scf.if %cond3A_1 {
      "tpu.region"() ({
        %run_scoped3A = tpu.sem_alloc : memref<!tpu.dma_semaphore, #tpu.memory_space<semaphore_mem>>
        tpu.enqueue_dma source(%arg5 : memref<10240x64xf32, #tpu.memory_space<hbm>>) target(%arg24 : memref<10240x64xf32, #tpu.memory_space<vmem_shared>>) target_semaphore(%run_scoped3A : memref<!tpu.dma_semaphore, #tpu.memory_space<semaphore_mem>>)
        tpu.wait_dma2 semaphore(%run_scoped3A : memref<!tpu.dma_semaphore, #tpu.memory_space<semaphore_mem>>) src(%arg5 : memref<10240x64xf32, #tpu.memory_space<hbm>>) dst(%arg24 : memref<10240x64xf32, #tpu.memory_space<vmem_shared>>)
        tpu.yield
      }) : () -> ()
    } else {
    }
    %barrier3A = arith.constant 0 : index
    tpu.barrier barrier_id(%barrier3A)
    "tpu.region"() ({
      %run_scoped3A = tpu.sem_alloc : memref<!tpu.dma_semaphore, #tpu.memory_space<semaphore_mem>>
      %dma_start3A_63 = arith.constant 0 : i32
      %dma_start3A_64 = arith.constant 0 : i32
      %dma_start3A_65 = tpu.memref_slice %arg3[%arg1, %dma_start3A_63, %dma_start3A_64] : memref<16x160x128xi32, #tpu.memory_space<hbm>> -> memref<1x160x128xi32, #tpu.memory_space<hbm>>
      %dma_start3A_66 = tpu.memref_squeeze %dma_start3A_65 : memref<1x160x128xi32, #tpu.memory_space<hbm>> -> memref<160x128xi32, #tpu.memory_space<hbm>>
      %dma_start3A_67 = arith.constant 0 : i32
      %dma_start3A_68 = arith.constant 0 : i32
      %dma_start3A_69 = tpu.memref_slice %arg3[%arg1, %dma_start3A_67, %dma_start3A_68] : memref<16x160x128xi32, #tpu.memory_space<hbm>> -> memref<1x160x128xi32, #tpu.memory_space<hbm>>
      %dma_start3A_70 = tpu.memref_squeeze %dma_start3A_69 : memref<1x160x128xi32, #tpu.memory_space<hbm>> -> memref<160x128xi32, #tpu.memory_space<hbm>>
      tpu.enqueue_dma source(%dma_start3A_70 : memref<160x128xi32, #tpu.memory_space<hbm>>) target(%arg7 : memref<160x128xi32, #tpu.memory_space<vmem>>) target_semaphore(%run_scoped3A : memref<!tpu.dma_semaphore, #tpu.memory_space<semaphore_mem>>)
      %dma_wait3A = arith.constant 0 : i32
      %dma_wait3A_71 = arith.constant 0 : i32
      %dma_wait3A_72 = tpu.memref_slice %arg3[%arg1, %dma_wait3A, %dma_wait3A_71] : memref<16x160x128xi32, #tpu.memory_space<hbm>> -> memref<1x160x128xi32, #tpu.memory_space<hbm>>
      %dma_wait3A_73 = tpu.memref_squeeze %dma_wait3A_72 : memref<1x160x128xi32, #tpu.memory_space<hbm>> -> memref<160x128xi32, #tpu.memory_space<hbm>>
      %dma_wait3A_74 = arith.constant 0 : i32
      %dma_wait3A_75 = arith.constant 0 : i32
      %dma_wait3A_76 = tpu.memref_slice %arg3[%arg1, %dma_wait3A_74, %dma_wait3A_75] : memref<16x160x128xi32, #tpu.memory_space<hbm>> -> memref<1x160x128xi32, #tpu.memory_space<hbm>>
      %dma_wait3A_77 = tpu.memref_squeeze %dma_wait3A_76 : memref<1x160x128xi32, #tpu.memory_space<hbm>> -> memref<160x128xi32, #tpu.memory_space<hbm>>
      tpu.wait_dma2 semaphore(%run_scoped3A : memref<!tpu.dma_semaphore, #tpu.memory_space<semaphore_mem>>) src(%dma_wait3A_77 : memref<160x128xi32, #tpu.memory_space<hbm>>) dst(%arg7 : memref<160x128xi32, #tpu.memory_space<vmem>>)
      tpu.yield
    }) : () -> ()
    "tpu.region"() ({
      %run_scoped3A = tpu.sem_alloc : memref<!tpu.dma_semaphore, #tpu.memory_space<semaphore_mem>>
      %dma_start3A_63 = arith.constant 0 : i32
      %dma_start3A_64 = arith.constant 0 : i32
      %dma_start3A_65 = tpu.memref_slice %arg4[%arg1, %dma_start3A_63, %dma_start3A_64] : memref<16x160x128xi32, #tpu.memory_space<hbm>> -> memref<1x160x128xi32, #tpu.memory_space<hbm>>
      %dma_start3A_66 = tpu.memref_squeeze %dma_start3A_65 : memref<1x160x128xi32, #tpu.memory_space<hbm>> -> memref<160x128xi32, #tpu.memory_space<hbm>>
      %dma_start3A_67 = arith.constant 0 : i32
      %dma_start3A_68 = arith.constant 0 : i32
      %dma_start3A_69 = tpu.memref_slice %arg4[%arg1, %dma_start3A_67, %dma_start3A_68] : memref<16x160x128xi32, #tpu.memory_space<hbm>> -> memref<1x160x128xi32, #tpu.memory_space<hbm>>
      %dma_start3A_70 = tpu.memref_squeeze %dma_start3A_69 : memref<1x160x128xi32, #tpu.memory_space<hbm>> -> memref<160x128xi32, #tpu.memory_space<hbm>>
      tpu.enqueue_dma source(%dma_start3A_70 : memref<160x128xi32, #tpu.memory_space<hbm>>) target(%arg8 : memref<160x128xi32, #tpu.memory_space<vmem>>) target_semaphore(%run_scoped3A : memref<!tpu.dma_semaphore, #tpu.memory_space<semaphore_mem>>)
      %dma_wait3A = arith.constant 0 : i32
      %dma_wait3A_71 = arith.constant 0 : i32
      %dma_wait3A_72 = tpu.memref_slice %arg4[%arg1, %dma_wait3A, %dma_wait3A_71] : memref<16x160x128xi32, #tpu.memory_space<hbm>> -> memref<1x160x128xi32, #tpu.memory_space<hbm>>
      %dma_wait3A_73 = tpu.memref_squeeze %dma_wait3A_72 : memref<1x160x128xi32, #tpu.memory_space<hbm>> -> memref<160x128xi32, #tpu.memory_space<hbm>>
      %dma_wait3A_74 = arith.constant 0 : i32
      %dma_wait3A_75 = arith.constant 0 : i32
      %dma_wait3A_76 = tpu.memref_slice %arg4[%arg1, %dma_wait3A_74, %dma_wait3A_75] : memref<16x160x128xi32, #tpu.memory_space<hbm>> -> memref<1x160x128xi32, #tpu.memory_space<hbm>>
      %dma_wait3A_77 = tpu.memref_squeeze %dma_wait3A_76 : memref<1x160x128xi32, #tpu.memory_space<hbm>> -> memref<160x128xi32, #tpu.memory_space<hbm>>
      tpu.wait_dma2 semaphore(%run_scoped3A : memref<!tpu.dma_semaphore, #tpu.memory_space<semaphore_mem>>) src(%dma_wait3A_77 : memref<160x128xi32, #tpu.memory_space<hbm>>) dst(%arg8 : memref<160x128xi32, #tpu.memory_space<vmem>>)
      tpu.yield
    }) : () -> ()
    %dma_start3A = arith.constant 0 : i32
    %dma_start3A_2 = arith.constant 0 : i32
    %dma_start3A_3 = tpu.memref_slice %arg7[%dma_start3A, %dma_start3A_2] : memref<160x128xi32, #tpu.memory_space<vmem>> -> memref<1x128xi32, #tpu.memory_space<vmem>>
    %dma_start3A_4 = tpu.memref_squeeze %dma_start3A_3 : memref<1x128xi32, #tpu.memory_space<vmem>> -> memref<128xi32, #tpu.memory_space<vmem>>
    %dma_start3A_5 = arith.constant 0 : i32
    %dma_start3A_6 = arith.constant 0 : i32
    %dma_start3A_7 = tpu.memref_slice %arg2[%arg0, %dma_start3A_5, %dma_start3A_6] : memref<2x10240x64xf32, #tpu.memory_space<hbm>> -> memref<1x10240x64xf32, #tpu.memory_space<hbm>>
    %dma_start3A_8 = tpu.memref_squeeze %dma_start3A_7 : memref<1x10240x64xf32, #tpu.memory_space<hbm>> -> memref<10240x64xf32, #tpu.memory_space<hbm>>
    %dma_start3A_9 = arith.constant 0 : i32
    %dma_start3A_10 = arith.constant 0 : i32
    %dma_start3A_11 = tpu.memref_slice %dma_start3A_8[%dma_start3A_9, %dma_start3A_10] : memref<10240x64xf32, #tpu.memory_space<hbm>> -> memref<10240x64xf32, #tpu.memory_space<hbm>>
    tpu.enqueue_indirect_dma source(%dma_start3A_11 : memref<10240x64xf32, #tpu.memory_space<hbm>>) target(%arg9 : memref<128x64xf32, #tpu.memory_space<vmem>>) offsets(%dma_start3A_4 : memref<128xi32, #tpu.memory_space<vmem>>) semaphore(%arg14 : memref<!tpu.dma_semaphore, #tpu.memory_space<semaphore_mem>>)
    %dma_start3A_12 = arith.constant 1 : i32
    %dma_start3A_13 = arith.constant 0 : i32
    %dma_start3A_14 = tpu.memref_slice %arg7[%dma_start3A_12, %dma_start3A_13] : memref<160x128xi32, #tpu.memory_space<vmem>> -> memref<1x128xi32, #tpu.memory_space<vmem>>
    %dma_start3A_15 = tpu.memref_squeeze %dma_start3A_14 : memref<1x128xi32, #tpu.memory_space<vmem>> -> memref<128xi32, #tpu.memory_space<vmem>>
    %dma_start3A_16 = arith.constant 0 : i32
    %dma_start3A_17 = arith.constant 0 : i32
    %dma_start3A_18 = tpu.memref_slice %arg2[%arg0, %dma_start3A_16, %dma_start3A_17] : memref<2x10240x64xf32, #tpu.memory_space<hbm>> -> memref<1x10240x64xf32, #tpu.memory_space<hbm>>
    %dma_start3A_19 = tpu.memref_squeeze %dma_start3A_18 : memref<1x10240x64xf32, #tpu.memory_space<hbm>> -> memref<10240x64xf32, #tpu.memory_space<hbm>>
    %dma_start3A_20 = arith.constant 0 : i32
    %dma_start3A_21 = arith.constant 0 : i32
    %dma_start3A_22 = tpu.memref_slice %dma_start3A_19[%dma_start3A_20, %dma_start3A_21] : memref<10240x64xf32, #tpu.memory_space<hbm>> -> memref<10240x64xf32, #tpu.memory_space<hbm>>
    tpu.enqueue_indirect_dma source(%dma_start3A_22 : memref<10240x64xf32, #tpu.memory_space<hbm>>) target(%arg10 : memref<128x64xf32, #tpu.memory_space<vmem>>) offsets(%dma_start3A_15 : memref<128xi32, #tpu.memory_space<vmem>>) semaphore(%arg15 : memref<!tpu.dma_semaphore, #tpu.memory_space<semaphore_mem>>)
    %dma_start3A_23 = arith.constant 2 : i32
    %dma_start3A_24 = arith.constant 0 : i32
    %dma_start3A_25 = tpu.memref_slice %arg7[%dma_start3A_23, %dma_start3A_24] : memref<160x128xi32, #tpu.memory_space<vmem>> -> memref<1x128xi32, #tpu.memory_space<vmem>>
    %dma_start3A_26 = tpu.memref_squeeze %dma_start3A_25 : memref<1x128xi32, #tpu.memory_space<vmem>> -> memref<128xi32, #tpu.memory_space<vmem>>
    %dma_start3A_27 = arith.constant 0 : i32
    %dma_start3A_28 = arith.constant 0 : i32
    %dma_start3A_29 = tpu.memref_slice %arg2[%arg0, %dma_start3A_27, %dma_start3A_28] : memref<2x10240x64xf32, #tpu.memory_space<hbm>> -> memref<1x10240x64xf32, #tpu.memory_space<hbm>>
    %dma_start3A_30 = tpu.memref_squeeze %dma_start3A_29 : memref<1x10240x64xf32, #tpu.memory_space<hbm>> -> memref<10240x64xf32, #tpu.memory_space<hbm>>
    %dma_start3A_31 = arith.constant 0 : i32
    %dma_start3A_32 = arith.constant 0 : i32
    %dma_start3A_33 = tpu.memref_slice %dma_start3A_30[%dma_start3A_31, %dma_start3A_32] : memref<10240x64xf32, #tpu.memory_space<hbm>> -> memref<10240x64xf32, #tpu.memory_space<hbm>>
    tpu.enqueue_indirect_dma source(%dma_start3A_33 : memref<10240x64xf32, #tpu.memory_space<hbm>>) target(%arg11 : memref<128x64xf32, #tpu.memory_space<vmem>>) offsets(%dma_start3A_26 : memref<128xi32, #tpu.memory_space<vmem>>) semaphore(%arg16 : memref<!tpu.dma_semaphore, #tpu.memory_space<semaphore_mem>>)
    %dma_start3A_34 = arith.constant 3 : i32
    %dma_start3A_35 = arith.constant 0 : i32
    %dma_start3A_36 = tpu.memref_slice %arg7[%dma_start3A_34, %dma_start3A_35] : memref<160x128xi32, #tpu.memory_space<vmem>> -> memref<1x128xi32, #tpu.memory_space<vmem>>
    %dma_start3A_37 = tpu.memref_squeeze %dma_start3A_36 : memref<1x128xi32, #tpu.memory_space<vmem>> -> memref<128xi32, #tpu.memory_space<vmem>>
    %dma_start3A_38 = arith.constant 0 : i32
    %dma_start3A_39 = arith.constant 0 : i32
    %dma_start3A_40 = tpu.memref_slice %arg2[%arg0, %dma_start3A_38, %dma_start3A_39] : memref<2x10240x64xf32, #tpu.memory_space<hbm>> -> memref<1x10240x64xf32, #tpu.memory_space<hbm>>
    %dma_start3A_41 = tpu.memref_squeeze %dma_start3A_40 : memref<1x10240x64xf32, #tpu.memory_space<hbm>> -> memref<10240x64xf32, #tpu.memory_space<hbm>>
    %dma_start3A_42 = arith.constant 0 : i32
    %dma_start3A_43 = arith.constant 0 : i32
    %dma_start3A_44 = tpu.memref_slice %dma_start3A_41[%dma_start3A_42, %dma_start3A_43] : memref<10240x64xf32, #tpu.memory_space<hbm>> -> memref<10240x64xf32, #tpu.memory_space<hbm>>
    tpu.enqueue_indirect_dma source(%dma_start3A_44 : memref<10240x64xf32, #tpu.memory_space<hbm>>) target(%arg12 : memref<128x64xf32, #tpu.memory_space<vmem>>) offsets(%dma_start3A_37 : memref<128xi32, #tpu.memory_space<vmem>>) semaphore(%arg17 : memref<!tpu.dma_semaphore, #tpu.memory_space<semaphore_mem>>)
    %dma_start3A_45 = arith.constant 4 : i32
    %dma_start3A_46 = arith.constant 0 : i32
    %dma_start3A_47 = tpu.memref_slice %arg7[%dma_start3A_45, %dma_start3A_46] : memref<160x128xi32, #tpu.memory_space<vmem>> -> memref<1x128xi32, #tpu.memory_space<vmem>>
    %dma_start3A_48 = tpu.memref_squeeze %dma_start3A_47 : memref<1x128xi32, #tpu.memory_space<vmem>> -> memref<128xi32, #tpu.memory_space<vmem>>
    %dma_start3A_49 = arith.constant 0 : i32
    %dma_start3A_50 = arith.constant 0 : i32
    %dma_start3A_51 = tpu.memref_slice %arg2[%arg0, %dma_start3A_49, %dma_start3A_50] : memref<2x10240x64xf32, #tpu.memory_space<hbm>> -> memref<1x10240x64xf32, #tpu.memory_space<hbm>>
    %dma_start3A_52 = tpu.memref_squeeze %dma_start3A_51 : memref<1x10240x64xf32, #tpu.memory_space<hbm>> -> memref<10240x64xf32, #tpu.memory_space<hbm>>
    %dma_start3A_53 = arith.constant 0 : i32
    %dma_start3A_54 = arith.constant 0 : i32
    %dma_start3A_55 = tpu.memref_slice %dma_start3A_52[%dma_start3A_53, %dma_start3A_54] : memref<10240x64xf32, #tpu.memory_space<hbm>> -> memref<10240x64xf32, #tpu.memory_space<hbm>>
    tpu.enqueue_indirect_dma source(%dma_start3A_55 : memref<10240x64xf32, #tpu.memory_space<hbm>>) target(%arg13 : memref<128x64xf32, #tpu.memory_space<vmem>>) offsets(%dma_start3A_48 : memref<128xi32, #tpu.memory_space<vmem>>) semaphore(%arg18 : memref<!tpu.dma_semaphore, #tpu.memory_space<semaphore_mem>>)
    %scan3A = arith.constant 0 : i32
    %scan3A_56 = arith.constant 0 : i32
    %scan3A_57 = arith.constant 32 : i32
    %scan3A_58 = arith.addi %scan3A_56, %scan3A_57 : i32
    %scan3A_59 = arith.constant 1 : i32
    scf.for %scan3A_63 = %scan3A_56 to %scan3A_58 step %scan3A_59  : i32 {
      %dma_wait3A = arith.constant 0 : i32
      %dma_wait3A_64 = arith.constant 0 : i32
      %dma_wait3A_65 = tpu.memref_slice %arg5[%dma_wait3A, %dma_wait3A_64] : memref<10240x64xf32, #tpu.memory_space<hbm>> -> memref<128x64xf32, #tpu.memory_space<hbm>>
      %dma_wait3A_66 = arith.constant 0 : i32
      %dma_wait3A_67 = arith.constant 0 : i32
      %dma_wait3A_68 = tpu.memref_slice %arg5[%dma_wait3A_66, %dma_wait3A_67] : memref<10240x64xf32, #tpu.memory_space<hbm>> -> memref<128x64xf32, #tpu.memory_space<hbm>>
      tpu.wait_dma2 semaphore(%arg14 : memref<!tpu.dma_semaphore, #tpu.memory_space<semaphore_mem>>) src(%dma_wait3A_68 : memref<128x64xf32, #tpu.memory_space<hbm>>) dst(%arg9 : memref<128x64xf32, #tpu.memory_space<vmem>>)
      %mul3A_69 = arith.constant 5 : i32
      %mul3A_70 = arith.muli %scan3A_63, %mul3A_69 : i32
      %add3A = arith.constant 0 : i32
      %add3A_71 = arith.addi %mul3A_70, %add3A : i32
      %dma_start3A_72 = arith.constant 0 : i32
      %dma_start3A_73 = tpu.memref_slice %arg8[%add3A_71, %dma_start3A_72] : memref<160x128xi32, #tpu.memory_space<vmem>> -> memref<1x128xi32, #tpu.memory_space<vmem>>
      %dma_start3A_74 = tpu.memref_squeeze %dma_start3A_73 : memref<1x128xi32, #tpu.memory_space<vmem>> -> memref<128xi32, #tpu.memory_space<vmem>>
      %dma_start3A_75 = arith.constant 0 : i32
      %dma_start3A_76 = arith.constant 0 : i32
      %dma_start3A_77 = tpu.memref_slice %arg24[%dma_start3A_75, %dma_start3A_76] : memref<10240x64xf32, #tpu.memory_space<vmem_shared>> -> memref<10240x64xf32, #tpu.memory_space<vmem_shared>>
      tpu.enqueue_indirect_dma source(%arg9 : memref<128x64xf32, #tpu.memory_space<vmem>>) target(%dma_start3A_77 : memref<10240x64xf32, #tpu.memory_space<vmem_shared>>) offsets(%dma_start3A_74 : memref<128xi32, #tpu.memory_space<vmem>>) semaphore(%arg19 : memref<!tpu.dma_semaphore, #tpu.memory_space<semaphore_mem>>) {add = true}
      %dma_wait3A_78 = arith.constant 0 : i32
      %dma_wait3A_79 = arith.constant 0 : i32
      %dma_wait3A_80 = tpu.memref_slice %arg5[%dma_wait3A_78, %dma_wait3A_79] : memref<10240x64xf32, #tpu.memory_space<hbm>> -> memref<128x64xf32, #tpu.memory_space<hbm>>
      %dma_wait3A_81 = arith.constant 0 : i32
      %dma_wait3A_82 = arith.constant 0 : i32
      %dma_wait3A_83 = tpu.memref_slice %arg5[%dma_wait3A_81, %dma_wait3A_82] : memref<10240x64xf32, #tpu.memory_space<hbm>> -> memref<128x64xf32, #tpu.memory_space<hbm>>
      tpu.wait_dma2 semaphore(%arg15 : memref<!tpu.dma_semaphore, #tpu.memory_space<semaphore_mem>>) src(%dma_wait3A_83 : memref<128x64xf32, #tpu.memory_space<hbm>>) dst(%arg10 : memref<128x64xf32, #tpu.memory_space<vmem>>)
      %mul3A_84 = arith.constant 5 : i32
      %mul3A_85 = arith.muli %scan3A_63, %mul3A_84 : i32
      %add3A_86 = arith.constant 1 : i32
      %add3A_87 = arith.addi %mul3A_85, %add3A_86 : i32
      %dma_start3A_88 = arith.constant 0 : i32
      %dma_start3A_89 = tpu.memref_slice %arg8[%add3A_87, %dma_start3A_88] : memref<160x128xi32, #tpu.memory_space<vmem>> -> memref<1x128xi32, #tpu.memory_space<vmem>>
      %dma_start3A_90 = tpu.memref_squeeze %dma_start3A_89 : memref<1x128xi32, #tpu.memory_space<vmem>> -> memref<128xi32, #tpu.memory_space<vmem>>
      %dma_start3A_91 = arith.constant 0 : i32
      %dma_start3A_92 = arith.constant 0 : i32
      %dma_start3A_93 = tpu.memref_slice %arg24[%dma_start3A_91, %dma_start3A_92] : memref<10240x64xf32, #tpu.memory_space<vmem_shared>> -> memref<10240x64xf32, #tpu.memory_space<vmem_shared>>
      tpu.enqueue_indirect_dma source(%arg10 : memref<128x64xf32, #tpu.memory_space<vmem>>) target(%dma_start3A_93 : memref<10240x64xf32, #tpu.memory_space<vmem_shared>>) offsets(%dma_start3A_90 : memref<128xi32, #tpu.memory_space<vmem>>) semaphore(%arg20 : memref<!tpu.dma_semaphore, #tpu.memory_space<semaphore_mem>>) {add = true}
      %dma_wait3A_94 = arith.constant 0 : i32
      %dma_wait3A_95 = arith.constant 0 : i32
      %dma_wait3A_96 = tpu.memref_slice %arg5[%dma_wait3A_94, %dma_wait3A_95] : memref<10240x64xf32, #tpu.memory_space<hbm>> -> memref<128x64xf32, #tpu.memory_space<hbm>>
      %dma_wait3A_97 = arith.constant 0 : i32
      %dma_wait3A_98 = arith.constant 0 : i32
      %dma_wait3A_99 = tpu.memref_slice %arg5[%dma_wait3A_97, %dma_wait3A_98] : memref<10240x64xf32, #tpu.memory_space<hbm>> -> memref<128x64xf32, #tpu.memory_space<hbm>>
      tpu.wait_dma2 semaphore(%arg16 : memref<!tpu.dma_semaphore, #tpu.memory_space<semaphore_mem>>) src(%dma_wait3A_99 : memref<128x64xf32, #tpu.memory_space<hbm>>) dst(%arg11 : memref<128x64xf32, #tpu.memory_space<vmem>>)
      %mul3A_100 = arith.constant 5 : i32
      %mul3A_101 = arith.muli %scan3A_63, %mul3A_100 : i32
      %add3A_102 = arith.constant 2 : i32
      %add3A_103 = arith.addi %mul3A_101, %add3A_102 : i32
      %dma_start3A_104 = arith.constant 0 : i32
      %dma_start3A_105 = tpu.memref_slice %arg8[%add3A_103, %dma_start3A_104] : memref<160x128xi32, #tpu.memory_space<vmem>> -> memref<1x128xi32, #tpu.memory_space<vmem>>
      %dma_start3A_106 = tpu.memref_squeeze %dma_start3A_105 : memref<1x128xi32, #tpu.memory_space<vmem>> -> memref<128xi32, #tpu.memory_space<vmem>>
      %dma_start3A_107 = arith.constant 0 : i32
      %dma_start3A_108 = arith.constant 0 : i32
      %dma_start3A_109 = tpu.memref_slice %arg24[%dma_start3A_107, %dma_start3A_108] : memref<10240x64xf32, #tpu.memory_space<vmem_shared>> -> memref<10240x64xf32, #tpu.memory_space<vmem_shared>>
      tpu.enqueue_indirect_dma source(%arg11 : memref<128x64xf32, #tpu.memory_space<vmem>>) target(%dma_start3A_109 : memref<10240x64xf32, #tpu.memory_space<vmem_shared>>) offsets(%dma_start3A_106 : memref<128xi32, #tpu.memory_space<vmem>>) semaphore(%arg21 : memref<!tpu.dma_semaphore, #tpu.memory_space<semaphore_mem>>) {add = true}
      %dma_wait3A_110 = arith.constant 0 : i32
      %dma_wait3A_111 = arith.constant 0 : i32
      %dma_wait3A_112 = tpu.memref_slice %arg5[%dma_wait3A_110, %dma_wait3A_111] : memref<10240x64xf32, #tpu.memory_space<hbm>> -> memref<128x64xf32, #tpu.memory_space<hbm>>
      %dma_wait3A_113 = arith.constant 0 : i32
      %dma_wait3A_114 = arith.constant 0 : i32
      %dma_wait3A_115 = tpu.memref_slice %arg5[%dma_wait3A_113, %dma_wait3A_114] : memref<10240x64xf32, #tpu.memory_space<hbm>> -> memref<128x64xf32, #tpu.memory_space<hbm>>
      tpu.wait_dma2 semaphore(%arg17 : memref<!tpu.dma_semaphore, #tpu.memory_space<semaphore_mem>>) src(%dma_wait3A_115 : memref<128x64xf32, #tpu.memory_space<hbm>>) dst(%arg12 : memref<128x64xf32, #tpu.memory_space<vmem>>)
      %mul3A_116 = arith.constant 5 : i32
      %mul3A_117 = arith.muli %scan3A_63, %mul3A_116 : i32
      %add3A_118 = arith.constant 3 : i32
      %add3A_119 = arith.addi %mul3A_117, %add3A_118 : i32
      %dma_start3A_120 = arith.constant 0 : i32
      %dma_start3A_121 = tpu.memref_slice %arg8[%add3A_119, %dma_start3A_120] : memref<160x128xi32, #tpu.memory_space<vmem>> -> memref<1x128xi32, #tpu.memory_space<vmem>>
      %dma_start3A_122 = tpu.memref_squeeze %dma_start3A_121 : memref<1x128xi32, #tpu.memory_space<vmem>> -> memref<128xi32, #tpu.memory_space<vmem>>
      %dma_start3A_123 = arith.constant 0 : i32
      %dma_start3A_124 = arith.constant 0 : i32
      %dma_start3A_125 = tpu.memref_slice %arg24[%dma_start3A_123, %dma_start3A_124] : memref<10240x64xf32, #tpu.memory_space<vmem_shared>> -> memref<10240x64xf32, #tpu.memory_space<vmem_shared>>
      tpu.enqueue_indirect_dma source(%arg12 : memref<128x64xf32, #tpu.memory_space<vmem>>) target(%dma_start3A_125 : memref<10240x64xf32, #tpu.memory_space<vmem_shared>>) offsets(%dma_start3A_122 : memref<128xi32, #tpu.memory_space<vmem>>) semaphore(%arg22 : memref<!tpu.dma_semaphore, #tpu.memory_space<semaphore_mem>>) {add = true}
      %dma_wait3A_126 = arith.constant 0 : i32
      %dma_wait3A_127 = arith.constant 0 : i32
      %dma_wait3A_128 = tpu.memref_slice %arg5[%dma_wait3A_126, %dma_wait3A_127] : memref<10240x64xf32, #tpu.memory_space<hbm>> -> memref<128x64xf32, #tpu.memory_space<hbm>>
      %dma_wait3A_129 = arith.constant 0 : i32
      %dma_wait3A_130 = arith.constant 0 : i32
      %dma_wait3A_131 = tpu.memref_slice %arg5[%dma_wait3A_129, %dma_wait3A_130] : memref<10240x64xf32, #tpu.memory_space<hbm>> -> memref<128x64xf32, #tpu.memory_space<hbm>>
      tpu.wait_dma2 semaphore(%arg18 : memref<!tpu.dma_semaphore, #tpu.memory_space<semaphore_mem>>) src(%dma_wait3A_131 : memref<128x64xf32, #tpu.memory_space<hbm>>) dst(%arg13 : memref<128x64xf32, #tpu.memory_space<vmem>>)
      %mul3A_132 = arith.constant 5 : i32
      %mul3A_133 = arith.muli %scan3A_63, %mul3A_132 : i32
      %add3A_134 = arith.constant 4 : i32
      %add3A_135 = arith.addi %mul3A_133, %add3A_134 : i32
      %dma_start3A_136 = arith.constant 0 : i32
      %dma_start3A_137 = tpu.memref_slice %arg8[%add3A_135, %dma_start3A_136] : memref<160x128xi32, #tpu.memory_space<vmem>> -> memref<1x128xi32, #tpu.memory_space<vmem>>
      %dma_start3A_138 = tpu.memref_squeeze %dma_start3A_137 : memref<1x128xi32, #tpu.memory_space<vmem>> -> memref<128xi32, #tpu.memory_space<vmem>>
      %dma_start3A_139 = arith.constant 0 : i32
      %dma_start3A_140 = arith.constant 0 : i32
      %dma_start3A_141 = tpu.memref_slice %arg24[%dma_start3A_139, %dma_start3A_140] : memref<10240x64xf32, #tpu.memory_space<vmem_shared>> -> memref<10240x64xf32, #tpu.memory_space<vmem_shared>>
      tpu.enqueue_indirect_dma source(%arg13 : memref<128x64xf32, #tpu.memory_space<vmem>>) target(%dma_start3A_141 : memref<10240x64xf32, #tpu.memory_space<vmem_shared>>) offsets(%dma_start3A_138 : memref<128xi32, #tpu.memory_space<vmem>>) semaphore(%arg23 : memref<!tpu.dma_semaphore, #tpu.memory_space<semaphore_mem>>) {add = true}
      %dma_wait3A_142 = arith.constant 0 : i32
      %dma_wait3A_143 = arith.constant 0 : i32
      %dma_wait3A_144 = tpu.memref_slice %arg5[%dma_wait3A_142, %dma_wait3A_143] : memref<10240x64xf32, #tpu.memory_space<hbm>> -> memref<128x64xf32, #tpu.memory_space<hbm>>
      %dma_wait3A_145 = arith.constant 0 : i32
      %dma_wait3A_146 = arith.constant 0 : i32
      %dma_wait3A_147 = tpu.memref_slice %arg5[%dma_wait3A_145, %dma_wait3A_146] : memref<10240x64xf32, #tpu.memory_space<hbm>> -> memref<128x64xf32, #tpu.memory_space<hbm>>
      tpu.wait_dma2 semaphore(%arg19 : memref<!tpu.dma_semaphore, #tpu.memory_space<semaphore_mem>>) src(%dma_wait3A_147 : memref<128x64xf32, #tpu.memory_space<hbm>>) dst(%arg9 : memref<128x64xf32, #tpu.memory_space<vmem>>)
      %add3A_148 = arith.constant 1 : i32
      %add3A_149 = arith.addi %scan3A_63, %add3A_148 : i32
      %lt3A = arith.constant 32 : i32
      %lt3A_150 = arith.cmpi slt, %add3A_149, %lt3A : i32
      %convert_element_type3A_151 = arith.extui %lt3A_150 : i1 to i32
      %cond3A_152 = arith.constant 0 : i32
      %cond3A_153 = arith.cmpi ne, %convert_element_type3A_151, %cond3A_152 : i32
      scf.if %cond3A_153 {
        %add3A_206 = arith.constant 1 : i32
        %add3A_207 = arith.addi %scan3A_63, %add3A_206 : i32
        %mul3A_208 = arith.constant 5 : i32
        %mul3A_209 = arith.muli %add3A_207, %mul3A_208 : i32
        %add3A_210 = arith.constant 0 : i32
        %add3A_211 = arith.addi %mul3A_209, %add3A_210 : i32
        %dma_start3A_212 = arith.constant 0 : i32
        %dma_start3A_213 = tpu.memref_slice %arg7[%add3A_211, %dma_start3A_212] : memref<160x128xi32, #tpu.memory_space<vmem>> -> memref<1x128xi32, #tpu.memory_space<vmem>>
        %dma_start3A_214 = tpu.memref_squeeze %dma_start3A_213 : memref<1x128xi32, #tpu.memory_space<vmem>> -> memref<128xi32, #tpu.memory_space<vmem>>
        %dma_start3A_215 = arith.constant 0 : i32
        %dma_start3A_216 = arith.constant 0 : i32
        %dma_start3A_217 = tpu.memref_slice %arg2[%arg0, %dma_start3A_215, %dma_start3A_216] : memref<2x10240x64xf32, #tpu.memory_space<hbm>> -> memref<1x10240x64xf32, #tpu.memory_space<hbm>>
        %dma_start3A_218 = tpu.memref_squeeze %dma_start3A_217 : memref<1x10240x64xf32, #tpu.memory_space<hbm>> -> memref<10240x64xf32, #tpu.memory_space<hbm>>
        %dma_start3A_219 = arith.constant 0 : i32
        %dma_start3A_220 = arith.constant 0 : i32
        %dma_start3A_221 = tpu.memref_slice %dma_start3A_218[%dma_start3A_219, %dma_start3A_220] : memref<10240x64xf32, #tpu.memory_space<hbm>> -> memref<10240x64xf32, #tpu.memory_space<hbm>>
        tpu.enqueue_indirect_dma source(%dma_start3A_221 : memref<10240x64xf32, #tpu.memory_space<hbm>>) target(%arg9 : memref<128x64xf32, #tpu.memory_space<vmem>>) offsets(%dma_start3A_214 : memref<128xi32, #tpu.memory_space<vmem>>) semaphore(%arg14 : memref<!tpu.dma_semaphore, #tpu.memory_space<semaphore_mem>>)
      } else {
      }
      %dma_wait3A_154 = arith.constant 0 : i32
      %dma_wait3A_155 = arith.constant 0 : i32
      %dma_wait3A_156 = tpu.memref_slice %arg5[%dma_wait3A_154, %dma_wait3A_155] : memref<10240x64xf32, #tpu.memory_space<hbm>> -> memref<128x64xf32, #tpu.memory_space<hbm>>
      %dma_wait3A_157 = arith.constant 0 : i32
      %dma_wait3A_158 = arith.constant 0 : i32
      %dma_wait3A_159 = tpu.memref_slice %arg5[%dma_wait3A_157, %dma_wait3A_158] : memref<10240x64xf32, #tpu.memory_space<hbm>> -> memref<128x64xf32, #tpu.memory_space<hbm>>
      tpu.wait_dma2 semaphore(%arg20 : memref<!tpu.dma_semaphore, #tpu.memory_space<semaphore_mem>>) src(%dma_wait3A_159 : memref<128x64xf32, #tpu.memory_space<hbm>>) dst(%arg10 : memref<128x64xf32, #tpu.memory_space<vmem>>)
      %add3A_160 = arith.constant 1 : i32
      %add3A_161 = arith.addi %scan3A_63, %add3A_160 : i32
      %lt3A_162 = arith.constant 32 : i32
      %lt3A_163 = arith.cmpi slt, %add3A_161, %lt3A_162 : i32
      %convert_element_type3A_164 = arith.extui %lt3A_163 : i1 to i32
      %cond3A_165 = arith.constant 0 : i32
      %cond3A_166 = arith.cmpi ne, %convert_element_type3A_164, %cond3A_165 : i32
      scf.if %cond3A_166 {
        %add3A_206 = arith.constant 1 : i32
        %add3A_207 = arith.addi %scan3A_63, %add3A_206 : i32
        %mul3A_208 = arith.constant 5 : i32
        %mul3A_209 = arith.muli %add3A_207, %mul3A_208 : i32
        %add3A_210 = arith.constant 1 : i32
        %add3A_211 = arith.addi %mul3A_209, %add3A_210 : i32
        %dma_start3A_212 = arith.constant 0 : i32
        %dma_start3A_213 = tpu.memref_slice %arg7[%add3A_211, %dma_start3A_212] : memref<160x128xi32, #tpu.memory_space<vmem>> -> memref<1x128xi32, #tpu.memory_space<vmem>>
        %dma_start3A_214 = tpu.memref_squeeze %dma_start3A_213 : memref<1x128xi32, #tpu.memory_space<vmem>> -> memref<128xi32, #tpu.memory_space<vmem>>
        %dma_start3A_215 = arith.constant 0 : i32
        %dma_start3A_216 = arith.constant 0 : i32
        %dma_start3A_217 = tpu.memref_slice %arg2[%arg0, %dma_start3A_215, %dma_start3A_216] : memref<2x10240x64xf32, #tpu.memory_space<hbm>> -> memref<1x10240x64xf32, #tpu.memory_space<hbm>>
        %dma_start3A_218 = tpu.memref_squeeze %dma_start3A_217 : memref<1x10240x64xf32, #tpu.memory_space<hbm>> -> memref<10240x64xf32, #tpu.memory_space<hbm>>
        %dma_start3A_219 = arith.constant 0 : i32
        %dma_start3A_220 = arith.constant 0 : i32
        %dma_start3A_221 = tpu.memref_slice %dma_start3A_218[%dma_start3A_219, %dma_start3A_220] : memref<10240x64xf32, #tpu.memory_space<hbm>> -> memref<10240x64xf32, #tpu.memory_space<hbm>>
        tpu.enqueue_indirect_dma source(%dma_start3A_221 : memref<10240x64xf32, #tpu.memory_space<hbm>>) target(%arg10 : memref<128x64xf32, #tpu.memory_space<vmem>>) offsets(%dma_start3A_214 : memref<128xi32, #tpu.memory_space<vmem>>) semaphore(%arg15 : memref<!tpu.dma_semaphore, #tpu.memory_space<semaphore_mem>>)
      } else {
      }
      %dma_wait3A_167 = arith.constant 0 : i32
      %dma_wait3A_168 = arith.constant 0 : i32
      %dma_wait3A_169 = tpu.memref_slice %arg5[%dma_wait3A_167, %dma_wait3A_168] : memref<10240x64xf32, #tpu.memory_space<hbm>> -> memref<128x64xf32, #tpu.memory_space<hbm>>
      %dma_wait3A_170 = arith.constant 0 : i32
      %dma_wait3A_171 = arith.constant 0 : i32
      %dma_wait3A_172 = tpu.memref_slice %arg5[%dma_wait3A_170, %dma_wait3A_171] : memref<10240x64xf32, #tpu.memory_space<hbm>> -> memref<128x64xf32, #tpu.memory_space<hbm>>
      tpu.wait_dma2 semaphore(%arg21 : memref<!tpu.dma_semaphore, #tpu.memory_space<semaphore_mem>>) src(%dma_wait3A_172 : memref<128x64xf32, #tpu.memory_space<hbm>>) dst(%arg11 : memref<128x64xf32, #tpu.memory_space<vmem>>)
      %add3A_173 = arith.constant 1 : i32
      %add3A_174 = arith.addi %scan3A_63, %add3A_173 : i32
      %lt3A_175 = arith.constant 32 : i32
      %lt3A_176 = arith.cmpi slt, %add3A_174, %lt3A_175 : i32
      %convert_element_type3A_177 = arith.extui %lt3A_176 : i1 to i32
      %cond3A_178 = arith.constant 0 : i32
      %cond3A_179 = arith.cmpi ne, %convert_element_type3A_177, %cond3A_178 : i32
      scf.if %cond3A_179 {
        %add3A_206 = arith.constant 1 : i32
        %add3A_207 = arith.addi %scan3A_63, %add3A_206 : i32
        %mul3A_208 = arith.constant 5 : i32
        %mul3A_209 = arith.muli %add3A_207, %mul3A_208 : i32
        %add3A_210 = arith.constant 2 : i32
        %add3A_211 = arith.addi %mul3A_209, %add3A_210 : i32
        %dma_start3A_212 = arith.constant 0 : i32
        %dma_start3A_213 = tpu.memref_slice %arg7[%add3A_211, %dma_start3A_212] : memref<160x128xi32, #tpu.memory_space<vmem>> -> memref<1x128xi32, #tpu.memory_space<vmem>>
        %dma_start3A_214 = tpu.memref_squeeze %dma_start3A_213 : memref<1x128xi32, #tpu.memory_space<vmem>> -> memref<128xi32, #tpu.memory_space<vmem>>
        %dma_start3A_215 = arith.constant 0 : i32
        %dma_start3A_216 = arith.constant 0 : i32
        %dma_start3A_217 = tpu.memref_slice %arg2[%arg0, %dma_start3A_215, %dma_start3A_216] : memref<2x10240x64xf32, #tpu.memory_space<hbm>> -> memref<1x10240x64xf32, #tpu.memory_space<hbm>>
        %dma_start3A_218 = tpu.memref_squeeze %dma_start3A_217 : memref<1x10240x64xf32, #tpu.memory_space<hbm>> -> memref<10240x64xf32, #tpu.memory_space<hbm>>
        %dma_start3A_219 = arith.constant 0 : i32
        %dma_start3A_220 = arith.constant 0 : i32
        %dma_start3A_221 = tpu.memref_slice %dma_start3A_218[%dma_start3A_219, %dma_start3A_220] : memref<10240x64xf32, #tpu.memory_space<hbm>> -> memref<10240x64xf32, #tpu.memory_space<hbm>>
        tpu.enqueue_indirect_dma source(%dma_start3A_221 : memref<10240x64xf32, #tpu.memory_space<hbm>>) target(%arg11 : memref<128x64xf32, #tpu.memory_space<vmem>>) offsets(%dma_start3A_214 : memref<128xi32, #tpu.memory_space<vmem>>) semaphore(%arg16 : memref<!tpu.dma_semaphore, #tpu.memory_space<semaphore_mem>>)
      } else {
      }
      %dma_wait3A_180 = arith.constant 0 : i32
      %dma_wait3A_181 = arith.constant 0 : i32
      %dma_wait3A_182 = tpu.memref_slice %arg5[%dma_wait3A_180, %dma_wait3A_181] : memref<10240x64xf32, #tpu.memory_space<hbm>> -> memref<128x64xf32, #tpu.memory_space<hbm>>
      %dma_wait3A_183 = arith.constant 0 : i32
      %dma_wait3A_184 = arith.constant 0 : i32
      %dma_wait3A_185 = tpu.memref_slice %arg5[%dma_wait3A_183, %dma_wait3A_184] : memref<10240x64xf32, #tpu.memory_space<hbm>> -> memref<128x64xf32, #tpu.memory_space<hbm>>
      tpu.wait_dma2 semaphore(%arg22 : memref<!tpu.dma_semaphore, #tpu.memory_space<semaphore_mem>>) src(%dma_wait3A_185 : memref<128x64xf32, #tpu.memory_space<hbm>>) dst(%arg12 : memref<128x64xf32, #tpu.memory_space<vmem>>)
      %add3A_186 = arith.constant 1 : i32
      %add3A_187 = arith.addi %scan3A_63, %add3A_186 : i32
      %lt3A_188 = arith.constant 32 : i32
      %lt3A_189 = arith.cmpi slt, %add3A_187, %lt3A_188 : i32
      %convert_element_type3A_190 = arith.extui %lt3A_189 : i1 to i32
      %cond3A_191 = arith.constant 0 : i32
      %cond3A_192 = arith.cmpi ne, %convert_element_type3A_190, %cond3A_191 : i32
      scf.if %cond3A_192 {
        %add3A_206 = arith.constant 1 : i32
        %add3A_207 = arith.addi %scan3A_63, %add3A_206 : i32
        %mul3A_208 = arith.constant 5 : i32
        %mul3A_209 = arith.muli %add3A_207, %mul3A_208 : i32
        %add3A_210 = arith.constant 3 : i32
        %add3A_211 = arith.addi %mul3A_209, %add3A_210 : i32
        %dma_start3A_212 = arith.constant 0 : i32
        %dma_start3A_213 = tpu.memref_slice %arg7[%add3A_211, %dma_start3A_212] : memref<160x128xi32, #tpu.memory_space<vmem>> -> memref<1x128xi32, #tpu.memory_space<vmem>>
        %dma_start3A_214 = tpu.memref_squeeze %dma_start3A_213 : memref<1x128xi32, #tpu.memory_space<vmem>> -> memref<128xi32, #tpu.memory_space<vmem>>
        %dma_start3A_215 = arith.constant 0 : i32
        %dma_start3A_216 = arith.constant 0 : i32
        %dma_start3A_217 = tpu.memref_slice %arg2[%arg0, %dma_start3A_215, %dma_start3A_216] : memref<2x10240x64xf32, #tpu.memory_space<hbm>> -> memref<1x10240x64xf32, #tpu.memory_space<hbm>>
        %dma_start3A_218 = tpu.memref_squeeze %dma_start3A_217 : memref<1x10240x64xf32, #tpu.memory_space<hbm>> -> memref<10240x64xf32, #tpu.memory_space<hbm>>
        %dma_start3A_219 = arith.constant 0 : i32
        %dma_start3A_220 = arith.constant 0 : i32
        %dma_start3A_221 = tpu.memref_slice %dma_start3A_218[%dma_start3A_219, %dma_start3A_220] : memref<10240x64xf32, #tpu.memory_space<hbm>> -> memref<10240x64xf32, #tpu.memory_space<hbm>>
        tpu.enqueue_indirect_dma source(%dma_start3A_221 : memref<10240x64xf32, #tpu.memory_space<hbm>>) target(%arg12 : memref<128x64xf32, #tpu.memory_space<vmem>>) offsets(%dma_start3A_214 : memref<128xi32, #tpu.memory_space<vmem>>) semaphore(%arg17 : memref<!tpu.dma_semaphore, #tpu.memory_space<semaphore_mem>>)
      } else {
      }
      %dma_wait3A_193 = arith.constant 0 : i32
      %dma_wait3A_194 = arith.constant 0 : i32
      %dma_wait3A_195 = tpu.memref_slice %arg5[%dma_wait3A_193, %dma_wait3A_194] : memref<10240x64xf32, #tpu.memory_space<hbm>> -> memref<128x64xf32, #tpu.memory_space<hbm>>
      %dma_wait3A_196 = arith.constant 0 : i32
      %dma_wait3A_197 = arith.constant 0 : i32
      %dma_wait3A_198 = tpu.memref_slice %arg5[%dma_wait3A_196, %dma_wait3A_197] : memref<10240x64xf32, #tpu.memory_space<hbm>> -> memref<128x64xf32, #tpu.memory_space<hbm>>
      tpu.wait_dma2 semaphore(%arg23 : memref<!tpu.dma_semaphore, #tpu.memory_space<semaphore_mem>>) src(%dma_wait3A_198 : memref<128x64xf32, #tpu.memory_space<hbm>>) dst(%arg13 : memref<128x64xf32, #tpu.memory_space<vmem>>)
      %add3A_199 = arith.constant 1 : i32
      %add3A_200 = arith.addi %scan3A_63, %add3A_199 : i32
      %lt3A_201 = arith.constant 32 : i32
      %lt3A_202 = arith.cmpi slt, %add3A_200, %lt3A_201 : i32
      %convert_element_type3A_203 = arith.extui %lt3A_202 : i1 to i32
      %cond3A_204 = arith.constant 0 : i32
      %cond3A_205 = arith.cmpi ne, %convert_element_type3A_203, %cond3A_204 : i32
      scf.if %cond3A_205 {
        %add3A_206 = arith.constant 1 : i32
        %add3A_207 = arith.addi %scan3A_63, %add3A_206 : i32
        %mul3A_208 = arith.constant 5 : i32
        %mul3A_209 = arith.muli %add3A_207, %mul3A_208 : i32
        %add3A_210 = arith.constant 4 : i32
        %add3A_211 = arith.addi %mul3A_209, %add3A_210 : i32
        %dma_start3A_212 = arith.constant 0 : i32
        %dma_start3A_213 = tpu.memref_slice %arg7[%add3A_211, %dma_start3A_212] : memref<160x128xi32, #tpu.memory_space<vmem>> -> memref<1x128xi32, #tpu.memory_space<vmem>>
        %dma_start3A_214 = tpu.memref_squeeze %dma_start3A_213 : memref<1x128xi32, #tpu.memory_space<vmem>> -> memref<128xi32, #tpu.memory_space<vmem>>
        %dma_start3A_215 = arith.constant 0 : i32
        %dma_start3A_216 = arith.constant 0 : i32
        %dma_start3A_217 = tpu.memref_slice %arg2[%arg0, %dma_start3A_215, %dma_start3A_216] : memref<2x10240x64xf32, #tpu.memory_space<hbm>> -> memref<1x10240x64xf32, #tpu.memory_space<hbm>>
        %dma_start3A_218 = tpu.memref_squeeze %dma_start3A_217 : memref<1x10240x64xf32, #tpu.memory_space<hbm>> -> memref<10240x64xf32, #tpu.memory_space<hbm>>
        %dma_start3A_219 = arith.constant 0 : i32
        %dma_start3A_220 = arith.constant 0 : i32
        %dma_start3A_221 = tpu.memref_slice %dma_start3A_218[%dma_start3A_219, %dma_start3A_220] : memref<10240x64xf32, #tpu.memory_space<hbm>> -> memref<10240x64xf32, #tpu.memory_space<hbm>>
        tpu.enqueue_indirect_dma source(%dma_start3A_221 : memref<10240x64xf32, #tpu.memory_space<hbm>>) target(%arg13 : memref<128x64xf32, #tpu.memory_space<vmem>>) offsets(%dma_start3A_214 : memref<128xi32, #tpu.memory_space<vmem>>) semaphore(%arg18 : memref<!tpu.dma_semaphore, #tpu.memory_space<semaphore_mem>>)
      } else {
      }
    }
    %scan3A_60 = arith.constant 32 : i32
    %barrier3A_61 = arith.constant 0 : index
    tpu.barrier barrier_id(%barrier3A_61)
    %mul3A = arith.constant 640 : i32
    %mul3A_62 = arith.muli %arg1, %mul3A : i32
    "tpu.region"() ({
      %run_scoped3A = tpu.sem_alloc : memref<!tpu.dma_semaphore, #tpu.memory_space<semaphore_mem>>
      %dma_start3A_63 = arith.constant 0 : i32
      %dma_start3A_64 = arith.constant 0 : i32
      %dma_start3A_65 = tpu.memref_slice %arg6[%arg0, %dma_start3A_63, %dma_start3A_64] : memref<2x10240x64xf32, #tpu.memory_space<hbm>> -> memref<1x10240x64xf32, #tpu.memory_space<hbm>>
      %dma_start3A_66 = tpu.memref_squeeze %dma_start3A_65 : memref<1x10240x64xf32, #tpu.memory_space<hbm>> -> memref<10240x64xf32, #tpu.memory_space<hbm>>
      %dma_start3A_67 = arith.constant 0 : i32
      %dma_start3A_68 = tpu.memref_slice %dma_start3A_66[%mul3A_62, %dma_start3A_67] : memref<10240x64xf32, #tpu.memory_space<hbm>> -> memref<640x64xf32, #tpu.memory_space<hbm>>
      %dma_start3A_69 = arith.constant 0 : i32
      %dma_start3A_70 = tpu.memref_slice %arg24[%mul3A_62, %dma_start3A_69] : memref<10240x64xf32, #tpu.memory_space<vmem_shared>> -> memref<640x64xf32, #tpu.memory_space<vmem_shared>>
      tpu.enqueue_dma source(%dma_start3A_70 : memref<640x64xf32, #tpu.memory_space<vmem_shared>>) target(%dma_start3A_68 : memref<640x64xf32, #tpu.memory_space<hbm>>) target_semaphore(%run_scoped3A : memref<!tpu.dma_semaphore, #tpu.memory_space<semaphore_mem>>)
      %dma_wait3A = arith.constant 0 : i32
      %dma_wait3A_71 = arith.constant 0 : i32
      %dma_wait3A_72 = tpu.memref_slice %arg6[%arg0, %dma_wait3A, %dma_wait3A_71] : memref<2x10240x64xf32, #tpu.memory_space<hbm>> -> memref<1x10240x64xf32, #tpu.memory_space<hbm>>
      %dma_wait3A_73 = tpu.memref_squeeze %dma_wait3A_72 : memref<1x10240x64xf32, #tpu.memory_space<hbm>> -> memref<10240x64xf32, #tpu.memory_space<hbm>>
      %dma_wait3A_74 = arith.constant 0 : i32
      %dma_wait3A_75 = tpu.memref_slice %dma_wait3A_73[%mul3A_62, %dma_wait3A_74] : memref<10240x64xf32, #tpu.memory_space<hbm>> -> memref<640x64xf32, #tpu.memory_space<hbm>>
      %dma_wait3A_76 = arith.constant 0 : i32
      %dma_wait3A_77 = tpu.memref_slice %arg24[%mul3A_62, %dma_wait3A_76] : memref<10240x64xf32, #tpu.memory_space<vmem_shared>> -> memref<640x64xf32, #tpu.memory_space<vmem_shared>>
      tpu.wait_dma2 semaphore(%run_scoped3A : memref<!tpu.dma_semaphore, #tpu.memory_space<semaphore_mem>>) src(%dma_wait3A_77 : memref<640x64xf32, #tpu.memory_space<vmem_shared>>) dst(%dma_wait3A_75 : memref<640x64xf32, #tpu.memory_space<hbm>>)
      tpu.yield
    }) : () -> ()
    return
  }
}

module attributes {stable_mosaic.version = 14 : i64} {
  func.func @_k0_body(%arg0: i32, %arg1: memref<1024x128xf32, #tpu.memory_space<vmem>>, %arg2: memref<128x128xf32, #tpu.memory_space<vmem>>, %arg3: memref<2x1024x16xf32, #tpu.memory_space<vmem>>, %arg4: memref<1x1024xi32, #tpu.memory_space<vmem>>, %arg5: memref<1024x128xf32, #tpu.memory_space<vmem>>, %arg6: memref<2x1024x64xf32, #tpu.memory_space<vmem>>, %arg7: memref<64x128xf32, #tpu.memory_space<vmem>>) attributes {dimension_semantics = [#tpu.dimension_semantics<arbitrary>], iteration_bounds = array<i64: 10>, scalar_prefetch = 0 : i64, scratch_operands = 0 : i64, tpu.core_type = #tpu.core_type<tc>, window_params = [{transform_indices = @transform_0, window_bounds = array<i64: 1024, 128>}, {pipeline_mode = #tpu.pipeline_mode<synchronous>, transform_indices = @transform_1, window_bounds = array<i64: 128, 128>}, {transform_indices = @transform_2, window_bounds = array<i64: 2, 1024, 16>}, {transform_indices = @transform_3, window_bounds = array<i64: 1, 1024>}, {transform_indices = @transform_4, window_bounds = array<i64: 1024, 128>}, {transform_indices = @transform_5, window_bounds = array<i64: 2, 1024, 64>}, {pipeline_mode = #tpu.pipeline_mode<synchronous>, transform_indices = @transform_6, window_bounds = array<i64: 64, 128>}]} {
    %get3A = arith.constant 0 : index
    %get3A_0 = arith.constant 0 : index
    %get3A_1 = vector.load %arg1[%get3A, %get3A_0] : memref<1024x128xf32, #tpu.memory_space<vmem>>, vector<1024x128xf32>
    %get3A_2 = arith.constant 0 : index
    %get3A_3 = arith.constant 0 : index
    %get3A_4 = vector.load %arg2[%get3A_2, %get3A_3] : memref<128x128xf32, #tpu.memory_space<vmem>>, vector<128x128xf32>
    %dot_general3A = arith.constant dense<0.000000e+00> : vector<1024x128xf32>
    %dot_general3A_5 = tpu.matmul %get3A_1, %get3A_4, %dot_general3A {dimension_numbers = #tpu.dot_dimension_numbers<[1], [0], [0], [1], [0, 0, 1, 1], [], []>, precision = #tpu.contract_precision<fp32>, transpose_lhs_hint = false} : vector<1024x128xf32>, vector<128x128xf32>, vector<1024x128xf32> -> vector<1024x128xf32>
    %get3A_6 = arith.constant 0 : index
    %get3A_7 = arith.constant 0 : index
    %get3A_8 = arith.constant 0 : index
    %get3A_9 = vector.load %arg3[%get3A_6, %get3A_7, %get3A_8] : memref<2x1024x16xf32, #tpu.memory_space<vmem>>, vector<2x1024x16xf32>
    %slice3A = vector.extract_strided_slice %get3A_9 {offsets = [0, 0, 0], sizes = [1, 1024, 1], strides = [1, 1, 1]} : vector<2x1024x16xf32> to vector<1x1024x1xf32>
    %squeeze3A = vector.shape_cast %slice3A : vector<1x1024x1xf32> to vector<1024x1xf32>
    %add3A = arith.constant 1.000000e+00 : f32
    %add3A_10 = vector.broadcast %add3A : f32 to vector<1024x1xf32>
    %add3A_11 = arith.addf %add3A_10, %squeeze3A : vector<1024x1xf32>
    %slice3A_12 = vector.extract_strided_slice %get3A_9 {offsets = [1, 0, 0], sizes = [1, 1024, 1], strides = [1, 1, 1]} : vector<2x1024x16xf32> to vector<1x1024x1xf32>
    %squeeze3A_13 = vector.shape_cast %slice3A_12 : vector<1x1024x1xf32> to vector<1024x1xf32>
    %add3A_14 = arith.addf %add3A_11, %squeeze3A_13 : vector<1024x1xf32>
    %rsqrt3A = math.rsqrt %add3A_14 : vector<1024x1xf32>
    %swap3A = arith.constant 0 : index
    %swap3A_15 = arith.constant 0 : index
    %swap3A_16 = vector.load %arg5[%swap3A, %swap3A_15] : memref<1024x128xf32, #tpu.memory_space<vmem>>, vector<1024x128xf32>
    tpu.vector_store %arg5[%swap3A, %swap3A_15], %dot_general3A_5 {strides = array<i32>} : memref<1024x128xf32, #tpu.memory_space<vmem>>, vector<1024x128xf32>,
    %mul3A = vector.broadcast %rsqrt3A : vector<1024x1xf32> to vector<1024x128xf32>
    %mul3A_17 = arith.mulf %dot_general3A_5, %mul3A : vector<1024x128xf32>
    %slice3A_18 = vector.extract_strided_slice %mul3A_17 {offsets = [0, 0], sizes = [1024, 64], strides = [1, 1]} : vector<1024x128xf32> to vector<1024x64xf32>
    %slice3A_19 = vector.extract_strided_slice %mul3A_17 {offsets = [0, 64], sizes = [1024, 64], strides = [1, 1]} : vector<1024x128xf32> to vector<1024x64xf32>
    %stack3A = vector.shape_cast %slice3A_18 : vector<1024x64xf32> to vector<1x1024x64xf32>
    %stack3A_20 = vector.shape_cast %slice3A_19 : vector<1024x64xf32> to vector<1x1024x64xf32>
    %stack3A_21 = tpu.concatenate %stack3A, %stack3A_20 in 0 : vector<1x1024x64xf32>, vector<1x1024x64xf32> -> vector<2x1024x64xf32>
    %swap3A_22 = arith.constant 0 : index
    %swap3A_23 = arith.constant 0 : index
    %swap3A_24 = arith.constant 0 : index
    %swap3A_25 = vector.load %arg6[%swap3A_22, %swap3A_23, %swap3A_24] : memref<2x1024x64xf32, #tpu.memory_space<vmem>>, vector<2x1024x64xf32>
    tpu.vector_store %arg6[%swap3A_22, %swap3A_23, %swap3A_24], %stack3A_21 {strides = array<i32>} : memref<2x1024x64xf32, #tpu.memory_space<vmem>>, vector<2x1024x64xf32>,
    %iota3A = tpu.iota {dimensions = array<i32: 0>} : vector<64x1024xi32>
    %iota3A_26 = tpu.iota {dimensions = array<i32: 1>} : vector<64x1024xi32>
    %mul3A_27 = arith.constant 1024 : i32
    %mul3A_28 = arith.muli %arg0, %mul3A_27 : i32
    %add3A_29 = vector.broadcast %mul3A_28 : i32 to vector<64x1024xi32>
    %add3A_30 = arith.addi %iota3A_26, %add3A_29 : vector<64x1024xi32>
    %get3A_31 = arith.constant 0 : index
    %get3A_32 = arith.constant 0 : index
    %get3A_33 = vector.load %arg4[%get3A_31, %get3A_32] : memref<1x1024xi32, #tpu.memory_space<vmem>>, vector<1x1024xi32>
    %eq3A = vector.broadcast %get3A_33 : vector<1x1024xi32> to vector<64x1024xi32>
    %eq3A_34 = arith.cmpi eq, %eq3A, %iota3A : vector<64x1024xi32>
    %lt3A = arith.constant 10000 : i32
    %lt3A_35 = vector.broadcast %lt3A : i32 to vector<64x1024xi32>
    %lt3A_36 = arith.cmpi slt, %add3A_30, %lt3A_35 : vector<64x1024xi32>
    %and3A = arith.andi %eq3A_34, %lt3A_36 : vector<64x1024xi1>
    %jit3A = arith.constant 1.000000e+00 : f32
    %jit3A_37 = arith.constant 0.000000e+00 : f32
    %broadcast_in_dim3A = vector.broadcast %jit3A : f32 to vector<64x1024xf32>
    %broadcast_in_dim3A_38 = vector.broadcast %jit3A_37 : f32 to vector<64x1024xf32>
    %select_n3A = arith.select %and3A, %broadcast_in_dim3A, %broadcast_in_dim3A_38 : vector<64x1024xi1>, vector<64x1024xf32>
    %eq3A_39 = arith.constant 0 : i32
    %eq3A_40 = arith.cmpi eq, %arg0, %eq3A_39 : i32
    %convert_element_type3A = arith.extui %eq3A_40 : i1 to i32
    %cond3A = arith.constant 0 : i32
    %cond3A_41 = arith.cmpi ne, %convert_element_type3A, %cond3A : i32
    scf.if %cond3A_41 {
      %broadcast_in_dim3A_53 = arith.constant 0.000000e+00 : f32
      %broadcast_in_dim3A_54 = vector.broadcast %broadcast_in_dim3A_53 : f32 to vector<64x128xf32>
      %swap3A_55 = arith.constant 0 : index
      %swap3A_56 = arith.constant 0 : index
      %swap3A_57 = vector.load %arg7[%swap3A_55, %swap3A_56] : memref<64x128xf32, #tpu.memory_space<vmem>>, vector<64x128xf32>
      tpu.vector_store %arg7[%swap3A_55, %swap3A_56], %broadcast_in_dim3A_54 {strides = array<i32>} : memref<64x128xf32, #tpu.memory_space<vmem>>, vector<64x128xf32>,
    } else {
    }
    %get3A_42 = arith.constant 0 : index
    %get3A_43 = arith.constant 0 : index
    %get3A_44 = vector.load %arg7[%get3A_42, %get3A_43] : memref<64x128xf32, #tpu.memory_space<vmem>>, vector<64x128xf32>
    %reduce_sum3A = arith.constant dense<0.000000e+00> : vector<64xf32>
    %reduce_sum3A_45 = vector.multi_reduction <add>, %select_n3A, %reduce_sum3A [1] : vector<64x1024xf32> to vector<64xf32>
    %broadcast_in_dim3A_46 = vector.shape_cast %reduce_sum3A_45 : vector<64xf32> to vector<64x1xf32>
    %broadcast_in_dim3A_47 = vector.shape_cast %broadcast_in_dim3A_46 : vector<64x1xf32> to vector<64x1xf32>
    %broadcast_in_dim3A_48 = vector.broadcast %broadcast_in_dim3A_47 : vector<64x1xf32> to vector<64x128xf32>
    %add3A_49 = arith.addf %get3A_44, %broadcast_in_dim3A_48 : vector<64x128xf32>
    %swap3A_50 = arith.constant 0 : index
    %swap3A_51 = arith.constant 0 : index
    %swap3A_52 = vector.load %arg7[%swap3A_50, %swap3A_51] : memref<64x128xf32, #tpu.memory_space<vmem>>, vector<64x128xf32>
    tpu.vector_store %arg7[%swap3A_50, %swap3A_51], %add3A_49 {strides = array<i32>} : memref<64x128xf32, #tpu.memory_space<vmem>>, vector<64x128xf32>,
    return
  }
  func.func @transform_0(%arg0: i32) -> (i32, i32) {
    %c0_i32 = arith.constant 0 : i32
    %c0_i32_0 = arith.constant 0 : i32
    return %arg0, %c0_i32 : i32, i32
  }
  func.func @transform_1(%arg0: i32) -> (i32, i32) {
    %c0_i32 = arith.constant 0 : i32
    %c0_i32_0 = arith.constant 0 : i32
    %c0_i32_1 = arith.constant 0 : i32
    return %c0_i32, %c0_i32_0 : i32, i32
  }
  func.func @transform_2(%arg0: i32) -> (i32, i32, i32) {
    %c0_i32 = arith.constant 0 : i32
    %c0_i32_0 = arith.constant 0 : i32
    %c0_i32_1 = arith.constant 0 : i32
    return %c0_i32, %arg0, %c0_i32_0 : i32, i32, i32
  }
  func.func @transform_3(%arg0: i32) -> (i32, i32) {
    %c0_i32 = arith.constant 0 : i32
    %c0_i32_0 = arith.constant 0 : i32
    return %c0_i32, %arg0 : i32, i32
  }
  func.func @transform_4(%arg0: i32) -> (i32, i32) {
    %c0_i32 = arith.constant 0 : i32
    %c0_i32_0 = arith.constant 0 : i32
    return %arg0, %c0_i32 : i32, i32
  }
  func.func @transform_5(%arg0: i32) -> (i32, i32, i32) {
    %c0_i32 = arith.constant 0 : i32
    %c0_i32_0 = arith.constant 0 : i32
    %c0_i32_1 = arith.constant 0 : i32
    return %c0_i32, %arg0, %c0_i32_0 : i32, i32, i32
  }
  func.func @transform_6(%arg0: i32) -> (i32, i32) {
    %c0_i32 = arith.constant 0 : i32
    %c0_i32_0 = arith.constant 0 : i32
    %c0_i32_1 = arith.constant 0 : i32
    return %c0_i32, %c0_i32_0 : i32, i32
  }
}

module attributes {stable_mosaic.version = 14 : i64} {
  func.func @_cm_body(%arg0: i32, %arg1: i32, %arg2: memref<2x1024x64xf32, #tpu.memory_space<vmem>>, %arg3: memref<1024x128xf32, #tpu.memory_space<vmem>>, %arg4: memref<2x1024x16xf32, #tpu.memory_space<vmem>>, %arg5: memref<1x128xf32, #tpu.memory_space<vmem>>, %arg6: memref<1x1024xi32, #tpu.memory_space<vmem>>, %arg7: memref<64x128xf32, #tpu.memory_space<vmem>>, %arg8: memref<1x128xf32, #tpu.memory_space<vmem>>, %arg9: memref<1x128xf32, #tpu.memory_space<vmem>>, %arg10: memref<1x128xf32, #tpu.memory_space<vmem>>, %arg11: memref<128x128xf32, #tpu.memory_space<vmem>>, %arg12: memref<1024x128xf32, #tpu.memory_space<vmem>>, %arg13: memref<2x1024x64xf32, #tpu.memory_space<vmem>>, %arg14: memref<64x128xf32, #tpu.memory_space<vmem>>, %arg15: memref<10240x128xf32, #tpu.memory_space<vmem>>, %arg16: memref<64x128xf32, #tpu.memory_space<vmem>>, %arg17: memref<64x128xf32, #tpu.memory_space<vmem>>) attributes {dimension_semantics = [#tpu.dimension_semantics<arbitrary>, #tpu.dimension_semantics<arbitrary>], iteration_bounds = array<i64: 2, 10>, scalar_prefetch = 0 : i64, scratch_operands = 3 : i64, tpu.core_type = #tpu.core_type<tc>, window_params = [{transform_indices = @transform_0, window_bounds = array<i64: 2, 1024, 64>}, {transform_indices = @transform_1, window_bounds = array<i64: 1024, 128>}, {transform_indices = @transform_2, window_bounds = array<i64: 2, 1024, 16>}, {pipeline_mode = #tpu.pipeline_mode<synchronous>, transform_indices = @transform_3, window_bounds = array<i64: 1, 128>}, {transform_indices = @transform_4, window_bounds = array<i64: 1, 1024>}, {pipeline_mode = #tpu.pipeline_mode<synchronous>, transform_indices = @transform_5, window_bounds = array<i64: 64, 128>}, {pipeline_mode = #tpu.pipeline_mode<synchronous>, transform_indices = @transform_6, window_bounds = array<i64: 1, 128>}, {pipeline_mode = #tpu.pipeline_mode<synchronous>, transform_indices = @transform_7, window_bounds = array<i64: 1, 128>}, {pipeline_mode = #tpu.pipeline_mode<synchronous>, transform_indices = @transform_8, window_bounds = array<i64: 1, 128>}, {pipeline_mode = #tpu.pipeline_mode<synchronous>, transform_indices = @transform_9, window_bounds = array<i64: 128, 128>}, {transform_indices = @transform_10, window_bounds = array<i64: 1024, 128>}, {transform_indices = @transform_11, window_bounds = array<i64: 2, 1024, 64>}, {pipeline_mode = #tpu.pipeline_mode<synchronous>, transform_indices = @transform_12, window_bounds = array<i64: 64, 128>}]} {
    %iota3A = tpu.iota {dimensions = array<i32: 0>} : vector<64x1024xi32>
    %iota3A_0 = tpu.iota {dimensions = array<i32: 1>} : vector<64x1024xi32>
    %mul3A = arith.constant 1024 : i32
    %mul3A_1 = arith.muli %arg1, %mul3A : i32
    %add3A = vector.broadcast %mul3A_1 : i32 to vector<64x1024xi32>
    %add3A_2 = arith.addi %iota3A_0, %add3A : vector<64x1024xi32>
    %get3A = arith.constant 0 : index
    %get3A_3 = arith.constant 0 : index
    %get3A_4 = vector.load %arg6[%get3A, %get3A_3] : memref<1x1024xi32, #tpu.memory_space<vmem>>, vector<1x1024xi32>
    %eq3A = vector.broadcast %get3A_4 : vector<1x1024xi32> to vector<64x1024xi32>
    %eq3A_5 = arith.cmpi eq, %eq3A, %iota3A : vector<64x1024xi32>
    %lt3A = arith.constant 10000 : i32
    %lt3A_6 = vector.broadcast %lt3A : i32 to vector<64x1024xi32>
    %lt3A_7 = arith.cmpi slt, %add3A_2, %lt3A_6 : vector<64x1024xi32>
    %and3A = arith.andi %eq3A_5, %lt3A_7 : vector<64x1024xi1>
    %jit3A = arith.constant 1.000000e+00 : f32
    %jit3A_8 = arith.constant 0.000000e+00 : f32
    %broadcast_in_dim3A = vector.broadcast %jit3A : f32 to vector<64x1024xf32>
    %broadcast_in_dim3A_9 = vector.broadcast %jit3A_8 : f32 to vector<64x1024xf32>
    %select_n3A = arith.select %and3A, %broadcast_in_dim3A, %broadcast_in_dim3A_9 : vector<64x1024xi1>, vector<64x1024xf32>
    %eq3A_10 = arith.constant 0 : i32
    %eq3A_11 = arith.cmpi eq, %arg0, %eq3A_10 : i32
    %convert_element_type3A = arith.extui %eq3A_11 : i1 to i32
    %cond3A = arith.constant 0 : i32
    %cond3A_12 = arith.cmpi ne, %convert_element_type3A, %cond3A : i32
    scf.if %cond3A_12 {
      %get3A_18 = arith.constant 0 : index
      %get3A_19 = arith.constant 0 : index
      %get3A_20 = arith.constant 0 : index
      %get3A_21 = vector.load %arg4[%get3A_18, %get3A_19, %get3A_20] : memref<2x1024x16xf32, #tpu.memory_space<vmem>>, vector<2x1024x16xf32>
      %slice3A = vector.extract_strided_slice %get3A_21 {offsets = [0, 0, 0], sizes = [1, 1024, 1], strides = [1, 1, 1]} : vector<2x1024x16xf32> to vector<1x1024x1xf32>
      %squeeze3A = vector.shape_cast %slice3A : vector<1x1024x1xf32> to vector<1024x1xf32>
      %add3A_22 = arith.constant 1.000000e+00 : f32
      %add3A_23 = vector.broadcast %add3A_22 : f32 to vector<1024x1xf32>
      %add3A_24 = arith.addf %add3A_23, %squeeze3A : vector<1024x1xf32>
      %slice3A_25 = vector.extract_strided_slice %get3A_21 {offsets = [1, 0, 0], sizes = [1, 1024, 1], strides = [1, 1, 1]} : vector<2x1024x16xf32> to vector<1x1024x1xf32>
      %squeeze3A_26 = vector.shape_cast %slice3A_25 : vector<1x1024x1xf32> to vector<1024x1xf32>
      %add3A_27 = arith.addf %add3A_24, %squeeze3A_26 : vector<1024x1xf32>
      %rsqrt3A = math.rsqrt %add3A_27 : vector<1024x1xf32>
      %get3A_28 = arith.constant 0 : index
      %get3A_29 = arith.constant 0 : index
      %get3A_30 = arith.constant 0 : index
      %get3A_31 = vector.load %arg2[%get3A_28, %get3A_29, %get3A_30] : memref<2x1024x64xf32, #tpu.memory_space<vmem>>, vector<2x1024x64xf32>
      %slice3A_32 = vector.extract_strided_slice %get3A_31 {offsets = [0, 0, 0], sizes = [1, 1024, 64], strides = [1, 1, 1]} : vector<2x1024x64xf32> to vector<1x1024x64xf32>
      %squeeze3A_33 = vector.shape_cast %slice3A_32 : vector<1x1024x64xf32> to vector<1024x64xf32>
      %slice3A_34 = vector.extract_strided_slice %get3A_31 {offsets = [1, 0, 0], sizes = [1, 1024, 64], strides = [1, 1, 1]} : vector<2x1024x64xf32> to vector<1x1024x64xf32>
      %squeeze3A_35 = vector.shape_cast %slice3A_34 : vector<1x1024x64xf32> to vector<1024x64xf32>
      %concatenate3A = tpu.concatenate %squeeze3A_33, %squeeze3A_35 in 1 : vector<1024x64xf32>, vector<1024x64xf32> -> vector<1024x128xf32>
      %mul3A_36 = vector.broadcast %rsqrt3A : vector<1024x1xf32> to vector<1024x128xf32>
      %mul3A_37 = arith.mulf %mul3A_36, %concatenate3A : vector<1024x128xf32>
      %mul3A_38 = arith.mulf %rsqrt3A, %rsqrt3A : vector<1024x1xf32>
      %get3A_39 = arith.constant 0 : index
      %get3A_40 = arith.constant 0 : index
      %get3A_41 = vector.load %arg3[%get3A_39, %get3A_40] : memref<1024x128xf32, #tpu.memory_space<vmem>>, vector<1024x128xf32>
      %mul3A_42 = vector.broadcast %mul3A_38 : vector<1024x1xf32> to vector<1024x128xf32>
      %mul3A_43 = arith.mulf %mul3A_42, %get3A_41 : vector<1024x128xf32>
      %add3A_44 = arith.addf %mul3A_37, %mul3A_43 : vector<1024x128xf32>
      %get3A_45 = arith.constant 0 : index
      %get3A_46 = arith.constant 0 : index
      %get3A_47 = vector.load %arg5[%get3A_45, %get3A_46] : memref<1x128xf32, #tpu.memory_space<vmem>>, vector<1x128xf32>
      %add3A_48 = vector.broadcast %get3A_47 : vector<1x128xf32> to vector<1024x128xf32>
      %add3A_49 = arith.addf %add3A_44, %add3A_48 : vector<1024x128xf32>
      %mul3A_50 = arith.constant 1024 : i32
      %mul3A_51 = arith.muli %arg1, %mul3A_50 : i32
      %swap3A = arith.index_cast %mul3A_51 : i32 to index
      %swap3A_52 = arith.constant 0 : index
      %swap3A_53 = vector.load %arg15[%swap3A, %swap3A_52] : memref<10240x128xf32, #tpu.memory_space<vmem>>, vector<1024x128xf32>
      tpu.vector_store %arg15[%swap3A, %swap3A_52], %add3A_49 {strides = array<i32>} : memref<10240x128xf32, #tpu.memory_space<vmem>>, vector<1024x128xf32>,
      %eq3A_54 = arith.constant 0 : i32
      %eq3A_55 = arith.cmpi eq, %arg1, %eq3A_54 : i32
      %convert_element_type3A_56 = arith.extui %eq3A_55 : i1 to i32
      %cond3A_57 = arith.constant 0 : i32
      %cond3A_58 = arith.cmpi ne, %convert_element_type3A_56, %cond3A_57 : i32
      scf.if %cond3A_58 {
        %broadcast_in_dim3A_77 = arith.constant 0.000000e+00 : f32
        %broadcast_in_dim3A_78 = vector.broadcast %broadcast_in_dim3A_77 : f32 to vector<64x128xf32>
        %swap3A_79 = arith.constant 0 : index
        %swap3A_80 = arith.constant 0 : index
        %swap3A_81 = vector.load %arg16[%swap3A_79, %swap3A_80] : memref<64x128xf32, #tpu.memory_space<vmem>>, vector<64x128xf32>
        tpu.vector_store %arg16[%swap3A_79, %swap3A_80], %broadcast_in_dim3A_78 {strides = array<i32>} : memref<64x128xf32, #tpu.memory_space<vmem>>, vector<64x128xf32>,
        %broadcast_in_dim3A_82 = arith.constant 0.000000e+00 : f32
        %broadcast_in_dim3A_83 = vector.broadcast %broadcast_in_dim3A_82 : f32 to vector<64x128xf32>
        %swap3A_84 = arith.constant 0 : index
        %swap3A_85 = arith.constant 0 : index
        %swap3A_86 = vector.load %arg17[%swap3A_84, %swap3A_85] : memref<64x128xf32, #tpu.memory_space<vmem>>, vector<64x128xf32>
        tpu.vector_store %arg17[%swap3A_84, %swap3A_85], %broadcast_in_dim3A_83 {strides = array<i32>} : memref<64x128xf32, #tpu.memory_space<vmem>>, vector<64x128xf32>,
      } else {
      }
      %get3A_59 = arith.constant 0 : index
      %get3A_60 = arith.constant 0 : index
      %get3A_61 = vector.load %arg16[%get3A_59, %get3A_60] : memref<64x128xf32, #tpu.memory_space<vmem>>, vector<64x128xf32>
      %dot_general3A = arith.constant dense<0.000000e+00> : vector<64x128xf32>
      %dot_general3A_62 = tpu.matmul %select_n3A, %add3A_49, %dot_general3A {dimension_numbers = #tpu.dot_dimension_numbers<[1], [0], [0], [1], [0, 0, 1, 1], [], []>, precision = #tpu.contract_precision<fp32>, transpose_lhs_hint = false} : vector<64x1024xf32>, vector<1024x128xf32>, vector<64x128xf32> -> vector<64x128xf32>
      %add3A_63 = arith.addf %get3A_61, %dot_general3A_62 : vector<64x128xf32>
      %swap3A_64 = arith.constant 0 : index
      %swap3A_65 = arith.constant 0 : index
      %swap3A_66 = vector.load %arg16[%swap3A_64, %swap3A_65] : memref<64x128xf32, #tpu.memory_space<vmem>>, vector<64x128xf32>
      tpu.vector_store %arg16[%swap3A_64, %swap3A_65], %add3A_63 {strides = array<i32>} : memref<64x128xf32, #tpu.memory_space<vmem>>, vector<64x128xf32>,
      %get3A_67 = arith.constant 0 : index
      %get3A_68 = arith.constant 0 : index
      %get3A_69 = vector.load %arg17[%get3A_67, %get3A_68] : memref<64x128xf32, #tpu.memory_space<vmem>>, vector<64x128xf32>
      %mul3A_70 = arith.mulf %add3A_49, %add3A_49 : vector<1024x128xf32>
      %dot_general3A_71 = arith.constant dense<0.000000e+00> : vector<64x128xf32>
      %dot_general3A_72 = tpu.matmul %select_n3A, %mul3A_70, %dot_general3A_71 {dimension_numbers = #tpu.dot_dimension_numbers<[1], [0], [0], [1], [0, 0, 1, 1], [], []>, precision = #tpu.contract_precision<fp32>, transpose_lhs_hint = false} : vector<64x1024xf32>, vector<1024x128xf32>, vector<64x128xf32> -> vector<64x128xf32>
      %add3A_73 = arith.addf %get3A_69, %dot_general3A_72 : vector<64x128xf32>
      %swap3A_74 = arith.constant 0 : index
      %swap3A_75 = arith.constant 0 : index
      %swap3A_76 = vector.load %arg17[%swap3A_74, %swap3A_75] : memref<64x128xf32, #tpu.memory_space<vmem>>, vector<64x128xf32>
      tpu.vector_store %arg17[%swap3A_74, %swap3A_75], %add3A_73 {strides = array<i32>} : memref<64x128xf32, #tpu.memory_space<vmem>>, vector<64x128xf32>,
    } else {
    }
    %eq3A_13 = arith.constant 1 : i32
    %eq3A_14 = arith.cmpi eq, %arg0, %eq3A_13 : i32
    %convert_element_type3A_15 = arith.extui %eq3A_14 : i1 to i32
    %cond3A_16 = arith.constant 0 : i32
    %cond3A_17 = arith.cmpi ne, %convert_element_type3A_15, %cond3A_16 : i32
    scf.if %cond3A_17 {
      %get3A_18 = arith.constant 0 : index
      %get3A_19 = arith.constant 0 : index
      %get3A_20 = vector.load %arg7[%get3A_18, %get3A_19] : memref<64x128xf32, #tpu.memory_space<vmem>>, vector<64x128xf32>
      %max3A = arith.constant 1.000000e+00 : f32
      %max3A_21 = vector.broadcast %max3A : f32 to vector<64x128xf32>
      %max3A_22 = arith.maximumf %get3A_20, %max3A_21 : vector<64x128xf32>
      %get3A_23 = arith.constant 0 : index
      %get3A_24 = arith.constant 0 : index
      %get3A_25 = vector.load %arg16[%get3A_23, %get3A_24] : memref<64x128xf32, #tpu.memory_space<vmem>>, vector<64x128xf32>
      %div3A = arith.divf %get3A_25, %max3A_22 : vector<64x128xf32>
      %get3A_26 = arith.constant 0 : index
      %get3A_27 = arith.constant 0 : index
      %get3A_28 = vector.load %arg17[%get3A_26, %get3A_27] : memref<64x128xf32, #tpu.memory_space<vmem>>, vector<64x128xf32>
      %div3A_29 = arith.divf %get3A_28, %max3A_22 : vector<64x128xf32>
      %get3A_30 = arith.constant 0 : index
      %get3A_31 = arith.constant 0 : index
      %get3A_32 = vector.load %arg10[%get3A_30, %get3A_31] : memref<1x128xf32, #tpu.memory_space<vmem>>, vector<1x128xf32>
      %mul3A_33 = arith.mulf %div3A, %div3A : vector<64x128xf32>
      %mul3A_34 = vector.broadcast %get3A_32 : vector<1x128xf32> to vector<64x128xf32>
      %mul3A_35 = arith.mulf %mul3A_33, %mul3A_34 : vector<64x128xf32>
      %sub3A = arith.constant 2.000000e+00 : f32
      %sub3A_36 = vector.broadcast %sub3A : f32 to vector<1x128xf32>
      %sub3A_37 = arith.subf %sub3A_36, %get3A_32 : vector<1x128xf32>
      %mul3A_38 = vector.broadcast %sub3A_37 : vector<1x128xf32> to vector<64x128xf32>
      %mul3A_39 = arith.mulf %mul3A_35, %mul3A_38 : vector<64x128xf32>
      %sub3A_40 = arith.subf %div3A_29, %mul3A_39 : vector<64x128xf32>
      %add3A_41 = arith.constant 9.99999974E-6 : f32
      %add3A_42 = vector.broadcast %add3A_41 : f32 to vector<64x128xf32>
      %add3A_43 = arith.addf %sub3A_40, %add3A_42 : vector<64x128xf32>
      %rsqrt3A = math.rsqrt %add3A_43 : vector<64x128xf32>
      %mul3A_44 = vector.broadcast %get3A_32 : vector<1x128xf32> to vector<64x128xf32>
      %mul3A_45 = arith.mulf %div3A, %mul3A_44 : vector<64x128xf32>
      %dot_general3A = arith.constant dense<0.000000e+00> : vector<1024x128xf32>
      %dot_general3A_46 = tpu.matmul %select_n3A, %mul3A_45, %dot_general3A {dimension_numbers = #tpu.dot_dimension_numbers<[0], [0], [1], [1], [0, 1, 1, 1], [], []>, precision = #tpu.contract_precision<fp32>, transpose_lhs_hint = false} : vector<64x1024xf32>, vector<64x128xf32>, vector<1024x128xf32> -> vector<1024x128xf32>
      %dot_general3A_47 = arith.constant dense<0.000000e+00> : vector<1024x128xf32>
      %dot_general3A_48 = tpu.matmul %select_n3A, %rsqrt3A, %dot_general3A_47 {dimension_numbers = #tpu.dot_dimension_numbers<[0], [0], [1], [1], [0, 1, 1, 1], [], []>, precision = #tpu.contract_precision<fp32>, transpose_lhs_hint = false} : vector<64x1024xf32>, vector<64x128xf32>, vector<1024x128xf32> -> vector<1024x128xf32>
      %mul3A_49 = arith.constant 1024 : i32
      %mul3A_50 = arith.muli %arg1, %mul3A_49 : i32
      %get3A_51 = arith.index_cast %mul3A_50 : i32 to index
      %get3A_52 = arith.constant 0 : index
      %get3A_53 = vector.load %arg15[%get3A_51, %get3A_52] : memref<10240x128xf32, #tpu.memory_space<vmem>>, vector<1024x128xf32>
      %sub3A_54 = arith.subf %get3A_53, %dot_general3A_46 : vector<1024x128xf32>
      %mul3A_55 = arith.mulf %sub3A_54, %dot_general3A_48 : vector<1024x128xf32>
      %get3A_56 = arith.constant 0 : index
      %get3A_57 = arith.constant 0 : index
      %get3A_58 = vector.load %arg8[%get3A_56, %get3A_57] : memref<1x128xf32, #tpu.memory_space<vmem>>, vector<1x128xf32>
      %mul3A_59 = vector.broadcast %get3A_58 : vector<1x128xf32> to vector<1024x128xf32>
      %mul3A_60 = arith.mulf %mul3A_55, %mul3A_59 : vector<1024x128xf32>
      %get3A_61 = arith.constant 0 : index
      %get3A_62 = arith.constant 0 : index
      %get3A_63 = vector.load %arg9[%get3A_61, %get3A_62] : memref<1x128xf32, #tpu.memory_space<vmem>>, vector<1x128xf32>
      %add3A_64 = vector.broadcast %get3A_63 : vector<1x128xf32> to vector<1024x128xf32>
      %add3A_65 = arith.addf %mul3A_60, %add3A_64 : vector<1024x128xf32>
      %max3A_66 = arith.constant 0.000000e+00 : f32
      %max3A_67 = vector.broadcast %max3A_66 : f32 to vector<1024x128xf32>
      %max3A_68 = arith.maximumf %add3A_65, %max3A_67 : vector<1024x128xf32>
      %eq3A_69 = arith.constant 0 : i32
      %eq3A_70 = arith.cmpi eq, %arg1, %eq3A_69 : i32
      %convert_element_type3A_71 = arith.extui %eq3A_70 : i1 to i32
      %cond3A_72 = arith.constant 0 : i32
      %cond3A_73 = arith.cmpi ne, %convert_element_type3A_71, %cond3A_72 : i32
      scf.if %cond3A_73 {
        %broadcast_in_dim3A_111 = arith.constant 0.000000e+00 : f32
        %broadcast_in_dim3A_112 = vector.broadcast %broadcast_in_dim3A_111 : f32 to vector<64x128xf32>
        %swap3A_113 = arith.constant 0 : index
        %swap3A_114 = arith.constant 0 : index
        %swap3A_115 = vector.load %arg14[%swap3A_113, %swap3A_114] : memref<64x128xf32, #tpu.memory_space<vmem>>, vector<64x128xf32>
        tpu.vector_store %arg14[%swap3A_113, %swap3A_114], %broadcast_in_dim3A_112 {strides = array<i32>} : memref<64x128xf32, #tpu.memory_space<vmem>>, vector<64x128xf32>,
      } else {
      }
      %get3A_74 = arith.constant 0 : index
      %get3A_75 = arith.constant 0 : index
      %get3A_76 = vector.load %arg14[%get3A_74, %get3A_75] : memref<64x128xf32, #tpu.memory_space<vmem>>, vector<64x128xf32>
      %dot_general3A_77 = arith.constant dense<0.000000e+00> : vector<64x128xf32>
      %dot_general3A_78 = tpu.matmul %select_n3A, %max3A_68, %dot_general3A_77 {dimension_numbers = #tpu.dot_dimension_numbers<[1], [0], [0], [1], [0, 0, 1, 1], [], []>, precision = #tpu.contract_precision<fp32>, transpose_lhs_hint = false} : vector<64x1024xf32>, vector<1024x128xf32>, vector<64x128xf32> -> vector<64x128xf32>
      %add3A_79 = arith.addf %get3A_76, %dot_general3A_78 : vector<64x128xf32>
      %swap3A = arith.constant 0 : index
      %swap3A_80 = arith.constant 0 : index
      %swap3A_81 = vector.load %arg14[%swap3A, %swap3A_80] : memref<64x128xf32, #tpu.memory_space<vmem>>, vector<64x128xf32>
      tpu.vector_store %arg14[%swap3A, %swap3A_80], %add3A_79 {strides = array<i32>} : memref<64x128xf32, #tpu.memory_space<vmem>>, vector<64x128xf32>,
      %get3A_82 = arith.constant 0 : index
      %get3A_83 = arith.constant 0 : index
      %get3A_84 = vector.load %arg11[%get3A_82, %get3A_83] : memref<128x128xf32, #tpu.memory_space<vmem>>, vector<128x128xf32>
      %dot_general3A_85 = arith.constant dense<0.000000e+00> : vector<1024x128xf32>
      %dot_general3A_86 = tpu.matmul %max3A_68, %get3A_84, %dot_general3A_85 {dimension_numbers = #tpu.dot_dimension_numbers<[1], [0], [0], [1], [0, 0, 1, 1], [], []>, precision = #tpu.contract_precision<fp32>, transpose_lhs_hint = false} : vector<1024x128xf32>, vector<128x128xf32>, vector<1024x128xf32> -> vector<1024x128xf32>
      %swap3A_87 = arith.constant 0 : index
      %swap3A_88 = arith.constant 0 : index
      %swap3A_89 = vector.load %arg12[%swap3A_87, %swap3A_88] : memref<1024x128xf32, #tpu.memory_space<vmem>>, vector<1024x128xf32>
      tpu.vector_store %arg12[%swap3A_87, %swap3A_88], %dot_general3A_86 {strides = array<i32>} : memref<1024x128xf32, #tpu.memory_space<vmem>>, vector<1024x128xf32>,
      %get3A_90 = arith.constant 0 : index
      %get3A_91 = arith.constant 0 : index
      %get3A_92 = arith.constant 0 : index
      %get3A_93 = vector.load %arg4[%get3A_90, %get3A_91, %get3A_92] : memref<2x1024x16xf32, #tpu.memory_space<vmem>>, vector<2x1024x16xf32>
      %slice3A = vector.extract_strided_slice %get3A_93 {offsets = [0, 0, 0], sizes = [1, 1024, 1], strides = [1, 1, 1]} : vector<2x1024x16xf32> to vector<1x1024x1xf32>
      %squeeze3A = vector.shape_cast %slice3A : vector<1x1024x1xf32> to vector<1024x1xf32>
      %add3A_94 = arith.constant 1.000000e+00 : f32
      %add3A_95 = vector.broadcast %add3A_94 : f32 to vector<1024x1xf32>
      %add3A_96 = arith.addf %add3A_95, %squeeze3A : vector<1024x1xf32>
      %slice3A_97 = vector.extract_strided_slice %get3A_93 {offsets = [1, 0, 0], sizes = [1, 1024, 1], strides = [1, 1, 1]} : vector<2x1024x16xf32> to vector<1x1024x1xf32>
      %squeeze3A_98 = vector.shape_cast %slice3A_97 : vector<1x1024x1xf32> to vector<1024x1xf32>
      %add3A_99 = arith.addf %add3A_96, %squeeze3A_98 : vector<1024x1xf32>
      %rsqrt3A_100 = math.rsqrt %add3A_99 : vector<1024x1xf32>
      %mul3A_101 = vector.broadcast %rsqrt3A_100 : vector<1024x1xf32> to vector<1024x128xf32>
      %mul3A_102 = arith.mulf %dot_general3A_86, %mul3A_101 : vector<1024x128xf32>
      %slice3A_103 = vector.extract_strided_slice %mul3A_102 {offsets = [0, 0], sizes = [1024, 64], strides = [1, 1]} : vector<1024x128xf32> to vector<1024x64xf32>
      %slice3A_104 = vector.extract_strided_slice %mul3A_102 {offsets = [0, 64], sizes = [1024, 64], strides = [1, 1]} : vector<1024x128xf32> to vector<1024x64xf32>
      %stack3A = vector.shape_cast %slice3A_103 : vector<1024x64xf32> to vector<1x1024x64xf32>
      %stack3A_105 = vector.shape_cast %slice3A_104 : vector<1024x64xf32> to vector<1x1024x64xf32>
      %stack3A_106 = tpu.concatenate %stack3A, %stack3A_105 in 0 : vector<1x1024x64xf32>, vector<1x1024x64xf32> -> vector<2x1024x64xf32>
      %swap3A_107 = arith.constant 0 : index
      %swap3A_108 = arith.constant 0 : index
      %swap3A_109 = arith.constant 0 : index
      %swap3A_110 = vector.load %arg13[%swap3A_107, %swap3A_108, %swap3A_109] : memref<2x1024x64xf32, #tpu.memory_space<vmem>>, vector<2x1024x64xf32>
      tpu.vector_store %arg13[%swap3A_107, %swap3A_108, %swap3A_109], %stack3A_106 {strides = array<i32>} : memref<2x1024x64xf32, #tpu.memory_space<vmem>>, vector<2x1024x64xf32>,
    } else {
    }
    return
  }
  func.func @transform_0(%arg0: i32, %arg1: i32) -> (i32, i32, i32) {
    %sub3A = arith.constant 1 : i32
    %sub3A_0 = arith.subi %sub3A, %arg0 : i32
    %mul3A = arith.muli %arg1, %sub3A_0 : i32
    %c0_i32 = arith.constant 0 : i32
    %c0_i32_1 = arith.constant 0 : i32
    %c0_i32_2 = arith.constant 0 : i32
    return %c0_i32, %mul3A, %c0_i32_1 : i32, i32, i32
  }
  func.func @transform_1(%arg0: i32, %arg1: i32) -> (i32, i32) {
    %sub3A = arith.constant 1 : i32
    %sub3A_0 = arith.subi %sub3A, %arg0 : i32
    %mul3A = arith.muli %arg1, %sub3A_0 : i32
    %c0_i32 = arith.constant 0 : i32
    %c0_i32_1 = arith.constant 0 : i32
    return %mul3A, %c0_i32 : i32, i32
  }
  func.func @transform_2(%arg0: i32, %arg1: i32) -> (i32, i32, i32) {
    %c0_i32 = arith.constant 0 : i32
    %c0_i32_0 = arith.constant 0 : i32
    %c0_i32_1 = arith.constant 0 : i32
    return %c0_i32, %arg1, %c0_i32_0 : i32, i32, i32
  }
  func.func @transform_3(%arg0: i32, %arg1: i32) -> (i32, i32) {
    %c0_i32 = arith.constant 0 : i32
    %c0_i32_0 = arith.constant 0 : i32
    %c0_i32_1 = arith.constant 0 : i32
    return %c0_i32, %c0_i32_0 : i32, i32
  }
  func.func @transform_4(%arg0: i32, %arg1: i32) -> (i32, i32) {
    %c0_i32 = arith.constant 0 : i32
    %c0_i32_0 = arith.constant 0 : i32
    return %c0_i32, %arg1 : i32, i32
  }
  func.func @transform_5(%arg0: i32, %arg1: i32) -> (i32, i32) {
    %c0_i32 = arith.constant 0 : i32
    %c0_i32_0 = arith.constant 0 : i32
    %c0_i32_1 = arith.constant 0 : i32
    return %c0_i32, %c0_i32_0 : i32, i32
  }
  func.func @transform_6(%arg0: i32, %arg1: i32) -> (i32, i32) {
    %c0_i32 = arith.constant 0 : i32
    %c0_i32_0 = arith.constant 0 : i32
    %c0_i32_1 = arith.constant 0 : i32
    return %c0_i32, %c0_i32_0 : i32, i32
  }
  func.func @transform_7(%arg0: i32, %arg1: i32) -> (i32, i32) {
    %c0_i32 = arith.constant 0 : i32
    %c0_i32_0 = arith.constant 0 : i32
    %c0_i32_1 = arith.constant 0 : i32
    return %c0_i32, %c0_i32_0 : i32, i32
  }
  func.func @transform_8(%arg0: i32, %arg1: i32) -> (i32, i32) {
    %c0_i32 = arith.constant 0 : i32
    %c0_i32_0 = arith.constant 0 : i32
    %c0_i32_1 = arith.constant 0 : i32
    return %c0_i32, %c0_i32_0 : i32, i32
  }
  func.func @transform_9(%arg0: i32, %arg1: i32) -> (i32, i32) {
    %c0_i32 = arith.constant 0 : i32
    %c0_i32_0 = arith.constant 0 : i32
    %c0_i32_1 = arith.constant 0 : i32
    return %c0_i32, %c0_i32_0 : i32, i32
  }
  func.func @transform_10(%arg0: i32, %arg1: i32) -> (i32, i32) {
    %mul3A = arith.muli %arg1, %arg0 : i32
    %c0_i32 = arith.constant 0 : i32
    %c0_i32_0 = arith.constant 0 : i32
    return %mul3A, %c0_i32 : i32, i32
  }
  func.func @transform_11(%arg0: i32, %arg1: i32) -> (i32, i32, i32) {
    %mul3A = arith.muli %arg1, %arg0 : i32
    %c0_i32 = arith.constant 0 : i32
    %c0_i32_0 = arith.constant 0 : i32
    %c0_i32_1 = arith.constant 0 : i32
    return %c0_i32, %mul3A, %c0_i32_0 : i32, i32, i32
  }
  func.func @transform_12(%arg0: i32, %arg1: i32) -> (i32, i32) {
    %c0_i32 = arith.constant 0 : i32
    %c0_i32_0 = arith.constant 0 : i32
    %c0_i32_1 = arith.constant 0 : i32
    return %c0_i32, %c0_i32_0 : i32, i32
  }
}

module attributes {stable_mosaic.version = 14 : i64} {
  func.func @_cm_last_body(%arg0: i32, %arg1: i32, %arg2: memref<2x1024x64xf32, #tpu.memory_space<vmem>>, %arg3: memref<1024x128xf32, #tpu.memory_space<vmem>>, %arg4: memref<2x1024x16xf32, #tpu.memory_space<vmem>>, %arg5: memref<1x128xf32, #tpu.memory_space<vmem>>, %arg6: memref<1x1024xi32, #tpu.memory_space<vmem>>, %arg7: memref<64x128xf32, #tpu.memory_space<vmem>>, %arg8: memref<1x128xf32, #tpu.memory_space<vmem>>, %arg9: memref<1x128xf32, #tpu.memory_space<vmem>>, %arg10: memref<1x128xf32, #tpu.memory_space<vmem>>, %arg11: memref<64x128xf32, #tpu.memory_space<vmem>>, %arg12: memref<64x128xf32, #tpu.memory_space<vmem>>, %arg13: memref<384x384xf32, #tpu.memory_space<vmem>>, %arg14: memref<1x384xf32, #tpu.memory_space<vmem>>, %arg15: memref<384x128xf32, #tpu.memory_space<vmem>>, %arg16: memref<1x128xf32, #tpu.memory_space<vmem>>, %arg17: memref<1024x128xf32, #tpu.memory_space<vmem>>, %arg18: memref<64x128xf32, #tpu.memory_space<vmem>>, %arg19: memref<10240x128xf32, #tpu.memory_space<vmem>>, %arg20: memref<64x128xf32, #tpu.memory_space<vmem>>, %arg21: memref<64x128xf32, #tpu.memory_space<vmem>>, %arg22: memref<64x128xf32, #tpu.memory_space<vmem>>) attributes {dimension_semantics = [#tpu.dimension_semantics<arbitrary>, #tpu.dimension_semantics<arbitrary>], iteration_bounds = array<i64: 2, 10>, scalar_prefetch = 0 : i64, scratch_operands = 4 : i64, tpu.core_type = #tpu.core_type<tc>, window_params = [{transform_indices = @transform_0, window_bounds = array<i64: 2, 1024, 64>}, {transform_indices = @transform_1, window_bounds = array<i64: 1024, 128>}, {transform_indices = @transform_2, window_bounds = array<i64: 2, 1024, 16>}, {pipeline_mode = #tpu.pipeline_mode<synchronous>, transform_indices = @transform_3, window_bounds = array<i64: 1, 128>}, {transform_indices = @transform_4, window_bounds = array<i64: 1, 1024>}, {pipeline_mode = #tpu.pipeline_mode<synchronous>, transform_indices = @transform_5, window_bounds = array<i64: 64, 128>}, {pipeline_mode = #tpu.pipeline_mode<synchronous>, transform_indices = @transform_6, window_bounds = array<i64: 1, 128>}, {pipeline_mode = #tpu.pipeline_mode<synchronous>, transform_indices = @transform_7, window_bounds = array<i64: 1, 128>}, {pipeline_mode = #tpu.pipeline_mode<synchronous>, transform_indices = @transform_8, window_bounds = array<i64: 1, 128>}, {pipeline_mode = #tpu.pipeline_mode<synchronous>, transform_indices = @transform_9, window_bounds = array<i64: 64, 128>}, {pipeline_mode = #tpu.pipeline_mode<synchronous>, transform_indices = @transform_10, window_bounds = array<i64: 64, 128>}, {pipeline_mode = #tpu.pipeline_mode<synchronous>, transform_indices = @transform_11, window_bounds = array<i64: 384, 384>}, {pipeline_mode = #tpu.pipeline_mode<synchronous>, transform_indices = @transform_12, window_bounds = array<i64: 1, 384>}, {pipeline_mode = #tpu.pipeline_mode<synchronous>, transform_indices = @transform_13, window_bounds = array<i64: 384, 128>}, {pipeline_mode = #tpu.pipeline_mode<synchronous>, transform_indices = @transform_14, window_bounds = array<i64: 1, 128>}, {transform_indices = @transform_15, window_bounds = array<i64: 1024, 128>}, {pipeline_mode = #tpu.pipeline_mode<synchronous>, transform_indices = @transform_16, window_bounds = array<i64: 64, 128>}]} {
    %iota3A = tpu.iota {dimensions = array<i32: 0>} : vector<64x1024xi32>
    %iota3A_0 = tpu.iota {dimensions = array<i32: 1>} : vector<64x1024xi32>
    %mul3A = arith.constant 1024 : i32
    %mul3A_1 = arith.muli %arg1, %mul3A : i32
    %add3A = vector.broadcast %mul3A_1 : i32 to vector<64x1024xi32>
    %add3A_2 = arith.addi %iota3A_0, %add3A : vector<64x1024xi32>
    %get3A = arith.constant 0 : index
    %get3A_3 = arith.constant 0 : index
    %get3A_4 = vector.load %arg6[%get3A, %get3A_3] : memref<1x1024xi32, #tpu.memory_space<vmem>>, vector<1x1024xi32>
    %eq3A = vector.broadcast %get3A_4 : vector<1x1024xi32> to vector<64x1024xi32>
    %eq3A_5 = arith.cmpi eq, %eq3A, %iota3A : vector<64x1024xi32>
    %lt3A = arith.constant 10000 : i32
    %lt3A_6 = vector.broadcast %lt3A : i32 to vector<64x1024xi32>
    %lt3A_7 = arith.cmpi slt, %add3A_2, %lt3A_6 : vector<64x1024xi32>
    %and3A = arith.andi %eq3A_5, %lt3A_7 : vector<64x1024xi1>
    %jit3A = arith.constant 1.000000e+00 : f32
    %jit3A_8 = arith.constant 0.000000e+00 : f32
    %broadcast_in_dim3A = vector.broadcast %jit3A : f32 to vector<64x1024xf32>
    %broadcast_in_dim3A_9 = vector.broadcast %jit3A_8 : f32 to vector<64x1024xf32>
    %select_n3A = arith.select %and3A, %broadcast_in_dim3A, %broadcast_in_dim3A_9 : vector<64x1024xi1>, vector<64x1024xf32>
    %eq3A_10 = arith.constant 0 : i32
    %eq3A_11 = arith.cmpi eq, %arg0, %eq3A_10 : i32
    %convert_element_type3A = arith.extui %eq3A_11 : i1 to i32
    %cond3A = arith.constant 0 : i32
    %cond3A_12 = arith.cmpi ne, %convert_element_type3A, %cond3A : i32
    scf.if %cond3A_12 {
      %get3A_18 = arith.constant 0 : index
      %get3A_19 = arith.constant 0 : index
      %get3A_20 = arith.constant 0 : index
      %get3A_21 = vector.load %arg4[%get3A_18, %get3A_19, %get3A_20] : memref<2x1024x16xf32, #tpu.memory_space<vmem>>, vector<2x1024x16xf32>
      %slice3A = vector.extract_strided_slice %get3A_21 {offsets = [0, 0, 0], sizes = [1, 1024, 1], strides = [1, 1, 1]} : vector<2x1024x16xf32> to vector<1x1024x1xf32>
      %squeeze3A = vector.shape_cast %slice3A : vector<1x1024x1xf32> to vector<1024x1xf32>
      %add3A_22 = arith.constant 1.000000e+00 : f32
      %add3A_23 = vector.broadcast %add3A_22 : f32 to vector<1024x1xf32>
      %add3A_24 = arith.addf %add3A_23, %squeeze3A : vector<1024x1xf32>
      %slice3A_25 = vector.extract_strided_slice %get3A_21 {offsets = [1, 0, 0], sizes = [1, 1024, 1], strides = [1, 1, 1]} : vector<2x1024x16xf32> to vector<1x1024x1xf32>
      %squeeze3A_26 = vector.shape_cast %slice3A_25 : vector<1x1024x1xf32> to vector<1024x1xf32>
      %add3A_27 = arith.addf %add3A_24, %squeeze3A_26 : vector<1024x1xf32>
      %rsqrt3A = math.rsqrt %add3A_27 : vector<1024x1xf32>
      %get3A_28 = arith.constant 0 : index
      %get3A_29 = arith.constant 0 : index
      %get3A_30 = arith.constant 0 : index
      %get3A_31 = vector.load %arg2[%get3A_28, %get3A_29, %get3A_30] : memref<2x1024x64xf32, #tpu.memory_space<vmem>>, vector<2x1024x64xf32>
      %slice3A_32 = vector.extract_strided_slice %get3A_31 {offsets = [0, 0, 0], sizes = [1, 1024, 64], strides = [1, 1, 1]} : vector<2x1024x64xf32> to vector<1x1024x64xf32>
      %squeeze3A_33 = vector.shape_cast %slice3A_32 : vector<1x1024x64xf32> to vector<1024x64xf32>
      %slice3A_34 = vector.extract_strided_slice %get3A_31 {offsets = [1, 0, 0], sizes = [1, 1024, 64], strides = [1, 1, 1]} : vector<2x1024x64xf32> to vector<1x1024x64xf32>
      %squeeze3A_35 = vector.shape_cast %slice3A_34 : vector<1x1024x64xf32> to vector<1024x64xf32>
      %concatenate3A = tpu.concatenate %squeeze3A_33, %squeeze3A_35 in 1 : vector<1024x64xf32>, vector<1024x64xf32> -> vector<1024x128xf32>
      %mul3A_36 = vector.broadcast %rsqrt3A : vector<1024x1xf32> to vector<1024x128xf32>
      %mul3A_37 = arith.mulf %mul3A_36, %concatenate3A : vector<1024x128xf32>
      %mul3A_38 = arith.mulf %rsqrt3A, %rsqrt3A : vector<1024x1xf32>
      %get3A_39 = arith.constant 0 : index
      %get3A_40 = arith.constant 0 : index
      %get3A_41 = vector.load %arg3[%get3A_39, %get3A_40] : memref<1024x128xf32, #tpu.memory_space<vmem>>, vector<1024x128xf32>
      %mul3A_42 = vector.broadcast %mul3A_38 : vector<1024x1xf32> to vector<1024x128xf32>
      %mul3A_43 = arith.mulf %mul3A_42, %get3A_41 : vector<1024x128xf32>
      %add3A_44 = arith.addf %mul3A_37, %mul3A_43 : vector<1024x128xf32>
      %get3A_45 = arith.constant 0 : index
      %get3A_46 = arith.constant 0 : index
      %get3A_47 = vector.load %arg5[%get3A_45, %get3A_46] : memref<1x128xf32, #tpu.memory_space<vmem>>, vector<1x128xf32>
      %add3A_48 = vector.broadcast %get3A_47 : vector<1x128xf32> to vector<1024x128xf32>
      %add3A_49 = arith.addf %add3A_44, %add3A_48 : vector<1024x128xf32>
      %mul3A_50 = arith.constant 1024 : i32
      %mul3A_51 = arith.muli %arg1, %mul3A_50 : i32
      %swap3A = arith.index_cast %mul3A_51 : i32 to index
      %swap3A_52 = arith.constant 0 : index
      %swap3A_53 = vector.load %arg19[%swap3A, %swap3A_52] : memref<10240x128xf32, #tpu.memory_space<vmem>>, vector<1024x128xf32>
      tpu.vector_store %arg19[%swap3A, %swap3A_52], %add3A_49 {strides = array<i32>} : memref<10240x128xf32, #tpu.memory_space<vmem>>, vector<1024x128xf32>,
      %eq3A_54 = arith.constant 0 : i32
      %eq3A_55 = arith.cmpi eq, %arg1, %eq3A_54 : i32
      %convert_element_type3A_56 = arith.extui %eq3A_55 : i1 to i32
      %cond3A_57 = arith.constant 0 : i32
      %cond3A_58 = arith.cmpi ne, %convert_element_type3A_56, %cond3A_57 : i32
      scf.if %cond3A_58 {
        %broadcast_in_dim3A_77 = arith.constant 0.000000e+00 : f32
        %broadcast_in_dim3A_78 = vector.broadcast %broadcast_in_dim3A_77 : f32 to vector<64x128xf32>
        %swap3A_79 = arith.constant 0 : index
        %swap3A_80 = arith.constant 0 : index
        %swap3A_81 = vector.load %arg20[%swap3A_79, %swap3A_80] : memref<64x128xf32, #tpu.memory_space<vmem>>, vector<64x128xf32>
        tpu.vector_store %arg20[%swap3A_79, %swap3A_80], %broadcast_in_dim3A_78 {strides = array<i32>} : memref<64x128xf32, #tpu.memory_space<vmem>>, vector<64x128xf32>,
        %broadcast_in_dim3A_82 = arith.constant 0.000000e+00 : f32
        %broadcast_in_dim3A_83 = vector.broadcast %broadcast_in_dim3A_82 : f32 to vector<64x128xf32>
        %swap3A_84 = arith.constant 0 : index
        %swap3A_85 = arith.constant 0 : index
        %swap3A_86 = vector.load %arg21[%swap3A_84, %swap3A_85] : memref<64x128xf32, #tpu.memory_space<vmem>>, vector<64x128xf32>
        tpu.vector_store %arg21[%swap3A_84, %swap3A_85], %broadcast_in_dim3A_83 {strides = array<i32>} : memref<64x128xf32, #tpu.memory_space<vmem>>, vector<64x128xf32>,
      } else {
      }
      %get3A_59 = arith.constant 0 : index
      %get3A_60 = arith.constant 0 : index
      %get3A_61 = vector.load %arg20[%get3A_59, %get3A_60] : memref<64x128xf32, #tpu.memory_space<vmem>>, vector<64x128xf32>
      %dot_general3A = arith.constant dense<0.000000e+00> : vector<64x128xf32>
      %dot_general3A_62 = tpu.matmul %select_n3A, %add3A_49, %dot_general3A {dimension_numbers = #tpu.dot_dimension_numbers<[1], [0], [0], [1], [0, 0, 1, 1], [], []>, precision = #tpu.contract_precision<fp32>, transpose_lhs_hint = false} : vector<64x1024xf32>, vector<1024x128xf32>, vector<64x128xf32> -> vector<64x128xf32>
      %add3A_63 = arith.addf %get3A_61, %dot_general3A_62 : vector<64x128xf32>
      %swap3A_64 = arith.constant 0 : index
      %swap3A_65 = arith.constant 0 : index
      %swap3A_66 = vector.load %arg20[%swap3A_64, %swap3A_65] : memref<64x128xf32, #tpu.memory_space<vmem>>, vector<64x128xf32>
      tpu.vector_store %arg20[%swap3A_64, %swap3A_65], %add3A_63 {strides = array<i32>} : memref<64x128xf32, #tpu.memory_space<vmem>>, vector<64x128xf32>,
      %get3A_67 = arith.constant 0 : index
      %get3A_68 = arith.constant 0 : index
      %get3A_69 = vector.load %arg21[%get3A_67, %get3A_68] : memref<64x128xf32, #tpu.memory_space<vmem>>, vector<64x128xf32>
      %mul3A_70 = arith.mulf %add3A_49, %add3A_49 : vector<1024x128xf32>
      %dot_general3A_71 = arith.constant dense<0.000000e+00> : vector<64x128xf32>
      %dot_general3A_72 = tpu.matmul %select_n3A, %mul3A_70, %dot_general3A_71 {dimension_numbers = #tpu.dot_dimension_numbers<[1], [0], [0], [1], [0, 0, 1, 1], [], []>, precision = #tpu.contract_precision<fp32>, transpose_lhs_hint = false} : vector<64x1024xf32>, vector<1024x128xf32>, vector<64x128xf32> -> vector<64x128xf32>
      %add3A_73 = arith.addf %get3A_69, %dot_general3A_72 : vector<64x128xf32>
      %swap3A_74 = arith.constant 0 : index
      %swap3A_75 = arith.constant 0 : index
      %swap3A_76 = vector.load %arg21[%swap3A_74, %swap3A_75] : memref<64x128xf32, #tpu.memory_space<vmem>>, vector<64x128xf32>
      tpu.vector_store %arg21[%swap3A_74, %swap3A_75], %add3A_73 {strides = array<i32>} : memref<64x128xf32, #tpu.memory_space<vmem>>, vector<64x128xf32>,
    } else {
    }
    %eq3A_13 = arith.constant 1 : i32
    %eq3A_14 = arith.cmpi eq, %arg0, %eq3A_13 : i32
    %convert_element_type3A_15 = arith.extui %eq3A_14 : i1 to i32
    %cond3A_16 = arith.constant 0 : i32
    %cond3A_17 = arith.cmpi ne, %convert_element_type3A_15, %cond3A_16 : i32
    scf.if %cond3A_17 {
      %get3A_18 = arith.constant 0 : index
      %get3A_19 = arith.constant 0 : index
      %get3A_20 = vector.load %arg7[%get3A_18, %get3A_19] : memref<64x128xf32, #tpu.memory_space<vmem>>, vector<64x128xf32>
      %max3A = arith.constant 1.000000e+00 : f32
      %max3A_21 = vector.broadcast %max3A : f32 to vector<64x128xf32>
      %max3A_22 = arith.maximumf %get3A_20, %max3A_21 : vector<64x128xf32>
      %get3A_23 = arith.constant 0 : index
      %get3A_24 = arith.constant 0 : index
      %get3A_25 = vector.load %arg20[%get3A_23, %get3A_24] : memref<64x128xf32, #tpu.memory_space<vmem>>, vector<64x128xf32>
      %div3A = arith.divf %get3A_25, %max3A_22 : vector<64x128xf32>
      %get3A_26 = arith.constant 0 : index
      %get3A_27 = arith.constant 0 : index
      %get3A_28 = vector.load %arg21[%get3A_26, %get3A_27] : memref<64x128xf32, #tpu.memory_space<vmem>>, vector<64x128xf32>
      %div3A_29 = arith.divf %get3A_28, %max3A_22 : vector<64x128xf32>
      %get3A_30 = arith.constant 0 : index
      %get3A_31 = arith.constant 0 : index
      %get3A_32 = vector.load %arg10[%get3A_30, %get3A_31] : memref<1x128xf32, #tpu.memory_space<vmem>>, vector<1x128xf32>
      %mul3A_33 = arith.mulf %div3A, %div3A : vector<64x128xf32>
      %mul3A_34 = vector.broadcast %get3A_32 : vector<1x128xf32> to vector<64x128xf32>
      %mul3A_35 = arith.mulf %mul3A_33, %mul3A_34 : vector<64x128xf32>
      %sub3A = arith.constant 2.000000e+00 : f32
      %sub3A_36 = vector.broadcast %sub3A : f32 to vector<1x128xf32>
      %sub3A_37 = arith.subf %sub3A_36, %get3A_32 : vector<1x128xf32>
      %mul3A_38 = vector.broadcast %sub3A_37 : vector<1x128xf32> to vector<64x128xf32>
      %mul3A_39 = arith.mulf %mul3A_35, %mul3A_38 : vector<64x128xf32>
      %sub3A_40 = arith.subf %div3A_29, %mul3A_39 : vector<64x128xf32>
      %add3A_41 = arith.constant 9.99999974E-6 : f32
      %add3A_42 = vector.broadcast %add3A_41 : f32 to vector<64x128xf32>
      %add3A_43 = arith.addf %sub3A_40, %add3A_42 : vector<64x128xf32>
      %rsqrt3A = math.rsqrt %add3A_43 : vector<64x128xf32>
      %mul3A_44 = vector.broadcast %get3A_32 : vector<1x128xf32> to vector<64x128xf32>
      %mul3A_45 = arith.mulf %div3A, %mul3A_44 : vector<64x128xf32>
      %dot_general3A = arith.constant dense<0.000000e+00> : vector<1024x128xf32>
      %dot_general3A_46 = tpu.matmul %select_n3A, %mul3A_45, %dot_general3A {dimension_numbers = #tpu.dot_dimension_numbers<[0], [0], [1], [1], [0, 1, 1, 1], [], []>, precision = #tpu.contract_precision<fp32>, transpose_lhs_hint = false} : vector<64x1024xf32>, vector<64x128xf32>, vector<1024x128xf32> -> vector<1024x128xf32>
      %dot_general3A_47 = arith.constant dense<0.000000e+00> : vector<1024x128xf32>
      %dot_general3A_48 = tpu.matmul %select_n3A, %rsqrt3A, %dot_general3A_47 {dimension_numbers = #tpu.dot_dimension_numbers<[0], [0], [1], [1], [0, 1, 1, 1], [], []>, precision = #tpu.contract_precision<fp32>, transpose_lhs_hint = false} : vector<64x1024xf32>, vector<64x128xf32>, vector<1024x128xf32> -> vector<1024x128xf32>
      %mul3A_49 = arith.constant 1024 : i32
      %mul3A_50 = arith.muli %arg1, %mul3A_49 : i32
      %get3A_51 = arith.index_cast %mul3A_50 : i32 to index
      %get3A_52 = arith.constant 0 : index
      %get3A_53 = vector.load %arg19[%get3A_51, %get3A_52] : memref<10240x128xf32, #tpu.memory_space<vmem>>, vector<1024x128xf32>
      %sub3A_54 = arith.subf %get3A_53, %dot_general3A_46 : vector<1024x128xf32>
      %mul3A_55 = arith.mulf %sub3A_54, %dot_general3A_48 : vector<1024x128xf32>
      %get3A_56 = arith.constant 0 : index
      %get3A_57 = arith.constant 0 : index
      %get3A_58 = vector.load %arg8[%get3A_56, %get3A_57] : memref<1x128xf32, #tpu.memory_space<vmem>>, vector<1x128xf32>
      %mul3A_59 = vector.broadcast %get3A_58 : vector<1x128xf32> to vector<1024x128xf32>
      %mul3A_60 = arith.mulf %mul3A_55, %mul3A_59 : vector<1024x128xf32>
      %get3A_61 = arith.constant 0 : index
      %get3A_62 = arith.constant 0 : index
      %get3A_63 = vector.load %arg9[%get3A_61, %get3A_62] : memref<1x128xf32, #tpu.memory_space<vmem>>, vector<1x128xf32>
      %add3A_64 = vector.broadcast %get3A_63 : vector<1x128xf32> to vector<1024x128xf32>
      %add3A_65 = arith.addf %mul3A_60, %add3A_64 : vector<1024x128xf32>
      %max3A_66 = arith.constant 0.000000e+00 : f32
      %max3A_67 = vector.broadcast %max3A_66 : f32 to vector<1024x128xf32>
      %max3A_68 = arith.maximumf %add3A_65, %max3A_67 : vector<1024x128xf32>
      %swap3A = arith.constant 0 : index
      %swap3A_69 = arith.constant 0 : index
      %swap3A_70 = vector.load %arg17[%swap3A, %swap3A_69] : memref<1024x128xf32, #tpu.memory_space<vmem>>, vector<1024x128xf32>
      tpu.vector_store %arg17[%swap3A, %swap3A_69], %max3A_68 {strides = array<i32>} : memref<1024x128xf32, #tpu.memory_space<vmem>>, vector<1024x128xf32>,
      %eq3A_71 = arith.constant 0 : i32
      %eq3A_72 = arith.cmpi eq, %arg1, %eq3A_71 : i32
      %convert_element_type3A_73 = arith.extui %eq3A_72 : i1 to i32
      %cond3A_74 = arith.constant 0 : i32
      %cond3A_75 = arith.cmpi ne, %convert_element_type3A_73, %cond3A_74 : i32
      scf.if %cond3A_75 {
        %broadcast_in_dim3A_90 = arith.constant 0.000000e+00 : f32
        %broadcast_in_dim3A_91 = vector.broadcast %broadcast_in_dim3A_90 : f32 to vector<64x128xf32>
        %swap3A_92 = arith.constant 0 : index
        %swap3A_93 = arith.constant 0 : index
        %swap3A_94 = vector.load %arg22[%swap3A_92, %swap3A_93] : memref<64x128xf32, #tpu.memory_space<vmem>>, vector<64x128xf32>
        tpu.vector_store %arg22[%swap3A_92, %swap3A_93], %broadcast_in_dim3A_91 {strides = array<i32>} : memref<64x128xf32, #tpu.memory_space<vmem>>, vector<64x128xf32>,
      } else {
      }
      %get3A_76 = arith.constant 0 : index
      %get3A_77 = arith.constant 0 : index
      %get3A_78 = vector.load %arg22[%get3A_76, %get3A_77] : memref<64x128xf32, #tpu.memory_space<vmem>>, vector<64x128xf32>
      %dot_general3A_79 = arith.constant dense<0.000000e+00> : vector<64x128xf32>
      %dot_general3A_80 = tpu.matmul %select_n3A, %max3A_68, %dot_general3A_79 {dimension_numbers = #tpu.dot_dimension_numbers<[1], [0], [0], [1], [0, 0, 1, 1], [], []>, precision = #tpu.contract_precision<fp32>, transpose_lhs_hint = false} : vector<64x1024xf32>, vector<1024x128xf32>, vector<64x128xf32> -> vector<64x128xf32>
      %add3A_81 = arith.addf %get3A_78, %dot_general3A_80 : vector<64x128xf32>
      %swap3A_82 = arith.constant 0 : index
      %swap3A_83 = arith.constant 0 : index
      %swap3A_84 = vector.load %arg22[%swap3A_82, %swap3A_83] : memref<64x128xf32, #tpu.memory_space<vmem>>, vector<64x128xf32>
      tpu.vector_store %arg22[%swap3A_82, %swap3A_83], %add3A_81 {strides = array<i32>} : memref<64x128xf32, #tpu.memory_space<vmem>>, vector<64x128xf32>,
      %eq3A_85 = arith.constant 9 : i32
      %eq3A_86 = arith.cmpi eq, %arg1, %eq3A_85 : i32
      %convert_element_type3A_87 = arith.extui %eq3A_86 : i1 to i32
      %cond3A_88 = arith.constant 0 : i32
      %cond3A_89 = arith.cmpi ne, %convert_element_type3A_87, %cond3A_88 : i32
      scf.if %cond3A_89 {
        %get3A_90 = arith.constant 0 : index
        %get3A_91 = arith.constant 0 : index
        %get3A_92 = vector.load %arg7[%get3A_90, %get3A_91] : memref<64x128xf32, #tpu.memory_space<vmem>>, vector<64x128xf32>
        %max3A_93 = arith.constant 1.000000e+00 : f32
        %max3A_94 = vector.broadcast %max3A_93 : f32 to vector<64x128xf32>
        %max3A_95 = arith.maximumf %get3A_92, %max3A_94 : vector<64x128xf32>
        %get3A_96 = arith.constant 0 : index
        %get3A_97 = arith.constant 0 : index
        %get3A_98 = vector.load %arg11[%get3A_96, %get3A_97] : memref<64x128xf32, #tpu.memory_space<vmem>>, vector<64x128xf32>
        %div3A_99 = arith.divf %get3A_98, %max3A_95 : vector<64x128xf32>
        %get3A_100 = arith.constant 0 : index
        %get3A_101 = arith.constant 0 : index
        %get3A_102 = vector.load %arg12[%get3A_100, %get3A_101] : memref<64x128xf32, #tpu.memory_space<vmem>>, vector<64x128xf32>
        %div3A_103 = arith.divf %get3A_102, %max3A_95 : vector<64x128xf32>
        %get3A_104 = arith.constant 0 : index
        %get3A_105 = arith.constant 0 : index
        %get3A_106 = vector.load %arg22[%get3A_104, %get3A_105] : memref<64x128xf32, #tpu.memory_space<vmem>>, vector<64x128xf32>
        %div3A_107 = arith.divf %get3A_106, %max3A_95 : vector<64x128xf32>
        %concatenate3A = tpu.concatenate %div3A_99, %div3A_103, %div3A_107 in 1 : vector<64x128xf32>, vector<64x128xf32>, vector<64x128xf32> -> vector<64x384xf32>
        %get3A_108 = arith.constant 0 : index
        %get3A_109 = arith.constant 0 : index
        %get3A_110 = vector.load %arg13[%get3A_108, %get3A_109] : memref<384x384xf32, #tpu.memory_space<vmem>>, vector<384x384xf32>
        %dot_general3A_111 = arith.constant dense<0.000000e+00> : vector<64x384xf32>
        %dot_general3A_112 = tpu.matmul %concatenate3A, %get3A_110, %dot_general3A_111 {dimension_numbers = #tpu.dot_dimension_numbers<[1], [0], [0], [1], [0, 0, 1, 1], [], []>, precision = #tpu.contract_precision<fp32>, transpose_lhs_hint = false} : vector<64x384xf32>, vector<384x384xf32>, vector<64x384xf32> -> vector<64x384xf32>
        %get3A_113 = arith.constant 0 : index
        %get3A_114 = arith.constant 0 : index
        %get3A_115 = vector.load %arg14[%get3A_113, %get3A_114] : memref<1x384xf32, #tpu.memory_space<vmem>>, vector<1x384xf32>
        %add3A_116 = vector.broadcast %get3A_115 : vector<1x384xf32> to vector<64x384xf32>
        %add3A_117 = arith.addf %dot_general3A_112, %add3A_116 : vector<64x384xf32>
        %max3A_118 = arith.constant 0.000000e+00 : f32
        %max3A_119 = vector.broadcast %max3A_118 : f32 to vector<64x384xf32>
        %max3A_120 = arith.maximumf %add3A_117, %max3A_119 : vector<64x384xf32>
        %get3A_121 = arith.constant 0 : index
        %get3A_122 = arith.constant 0 : index
        %get3A_123 = vector.load %arg15[%get3A_121, %get3A_122] : memref<384x128xf32, #tpu.memory_space<vmem>>, vector<384x128xf32>
        %dot_general3A_124 = arith.constant dense<0.000000e+00> : vector<64x128xf32>
        %dot_general3A_125 = tpu.matmul %max3A_120, %get3A_123, %dot_general3A_124 {dimension_numbers = #tpu.dot_dimension_numbers<[1], [0], [0], [1], [0, 0, 1, 1], [], []>, precision = #tpu.contract_precision<fp32>, transpose_lhs_hint = false} : vector<64x384xf32>, vector<384x128xf32>, vector<64x128xf32> -> vector<64x128xf32>
        %get3A_126 = arith.constant 0 : index
        %get3A_127 = arith.constant 0 : index
        %get3A_128 = vector.load %arg16[%get3A_126, %get3A_127] : memref<1x128xf32, #tpu.memory_space<vmem>>, vector<1x128xf32>
        %add3A_129 = vector.broadcast %get3A_128 : vector<1x128xf32> to vector<64x128xf32>
        %add3A_130 = arith.addf %dot_general3A_125, %add3A_129 : vector<64x128xf32>
        %iota3A_131 = tpu.iota {dimensions = array<i32: 1>} : vector<64x128xi32>
        %lt3A_132 = arith.constant 32 : i32
        %lt3A_133 = vector.broadcast %lt3A_132 : i32 to vector<64x128xi32>
        %lt3A_134 = arith.cmpi slt, %iota3A_131, %lt3A_133 : vector<64x128xi32>
        %jit3A_135 = arith.constant 0xFF800000 : f32
        %broadcast_in_dim3A_136 = vector.broadcast %jit3A_135 : f32 to vector<64x128xf32>
        %select_n3A_137 = arith.select %lt3A_134, %add3A_130, %broadcast_in_dim3A_136 : vector<64x128xi1>, vector<64x128xf32>
        %reduce_max3A = arith.constant dense<0xFF800000> : vector<64xf32>
        %reduce_max3A_138 = vector.multi_reduction <maximumf>, %select_n3A_137, %reduce_max3A [1] : vector<64x128xf32> to vector<64xf32>
        %broadcast_in_dim3A_139 = vector.shape_cast %reduce_max3A_138 : vector<64xf32> to vector<64x1xf32>
        %sub3A_140 = vector.broadcast %broadcast_in_dim3A_139 : vector<64x1xf32> to vector<64x128xf32>
        %sub3A_141 = arith.subf %select_n3A_137, %sub3A_140 : vector<64x128xf32>
        %exp3A = math.exp %sub3A_141 : vector<64x128xf32>
        %jit3A_142 = arith.constant 0.000000e+00 : f32
        %broadcast_in_dim3A_143 = vector.broadcast %jit3A_142 : f32 to vector<64x128xf32>
        %select_n3A_144 = arith.select %lt3A_134, %exp3A, %broadcast_in_dim3A_143 : vector<64x128xi1>, vector<64x128xf32>
        %reduce_sum3A = arith.constant dense<0.000000e+00> : vector<64xf32>
        %reduce_sum3A_145 = vector.multi_reduction <add>, %select_n3A_144, %reduce_sum3A [1] : vector<64x128xf32> to vector<64xf32>
        %broadcast_in_dim3A_146 = vector.shape_cast %reduce_sum3A_145 : vector<64xf32> to vector<64x1xf32>
        %log3A = math.log %broadcast_in_dim3A_146 : vector<64x1xf32>
        %add3A_147 = arith.addf %log3A, %broadcast_in_dim3A_139 : vector<64x1xf32>
        %sub3A_148 = vector.broadcast %add3A_147 : vector<64x1xf32> to vector<64x128xf32>
        %sub3A_149 = arith.subf %select_n3A_137, %sub3A_148 : vector<64x128xf32>
        %jit3A_150 = arith.constant 0.000000e+00 : f32
        %broadcast_in_dim3A_151 = vector.broadcast %jit3A_150 : f32 to vector<64x128xf32>
        %select_n3A_152 = arith.select %lt3A_134, %sub3A_149, %broadcast_in_dim3A_151 : vector<64x128xi1>, vector<64x128xf32>
        %swap3A_153 = arith.constant 0 : index
        %swap3A_154 = arith.constant 0 : index
        %swap3A_155 = vector.load %arg18[%swap3A_153, %swap3A_154] : memref<64x128xf32, #tpu.memory_space<vmem>>, vector<64x128xf32>
        tpu.vector_store %arg18[%swap3A_153, %swap3A_154], %select_n3A_152 {strides = array<i32>} : memref<64x128xf32, #tpu.memory_space<vmem>>, vector<64x128xf32>,
      } else {
      }
    } else {
    }
    return
  }
  func.func @transform_0(%arg0: i32, %arg1: i32) -> (i32, i32, i32) {
    %sub3A = arith.constant 1 : i32
    %sub3A_0 = arith.subi %sub3A, %arg0 : i32
    %mul3A = arith.muli %arg1, %sub3A_0 : i32
    %c0_i32 = arith.constant 0 : i32
    %c0_i32_1 = arith.constant 0 : i32
    %c0_i32_2 = arith.constant 0 : i32
    return %c0_i32, %mul3A, %c0_i32_1 : i32, i32, i32
  }
  func.func @transform_1(%arg0: i32, %arg1: i32) -> (i32, i32) {
    %sub3A = arith.constant 1 : i32
    %sub3A_0 = arith.subi %sub3A, %arg0 : i32
    %mul3A = arith.muli %arg1, %sub3A_0 : i32
    %c0_i32 = arith.constant 0 : i32
    %c0_i32_1 = arith.constant 0 : i32
    return %mul3A, %c0_i32 : i32, i32
  }
  func.func @transform_2(%arg0: i32, %arg1: i32) -> (i32, i32, i32) {
    %c0_i32 = arith.constant 0 : i32
    %c0_i32_0 = arith.constant 0 : i32
    %c0_i32_1 = arith.constant 0 : i32
    return %c0_i32, %arg1, %c0_i32_0 : i32, i32, i32
  }
  func.func @transform_3(%arg0: i32, %arg1: i32) -> (i32, i32) {
    %c0_i32 = arith.constant 0 : i32
    %c0_i32_0 = arith.constant 0 : i32
    %c0_i32_1 = arith.constant 0 : i32
    return %c0_i32, %c0_i32_0 : i32, i32
  }
  func.func @transform_4(%arg0: i32, %arg1: i32) -> (i32, i32) {
    %c0_i32 = arith.constant 0 : i32
    %c0_i32_0 = arith.constant 0 : i32
    return %c0_i32, %arg1 : i32, i32
  }
  func.func @transform_5(%arg0: i32, %arg1: i32) -> (i32, i32) {
    %c0_i32 = arith.constant 0 : i32
    %c0_i32_0 = arith.constant 0 : i32
    %c0_i32_1 = arith.constant 0 : i32
    return %c0_i32, %c0_i32_0 : i32, i32
  }
  func.func @transform_6(%arg0: i32, %arg1: i32) -> (i32, i32) {
    %c0_i32 = arith.constant 0 : i32
    %c0_i32_0 = arith.constant 0 : i32
    %c0_i32_1 = arith.constant 0 : i32
    return %c0_i32, %c0_i32_0 : i32, i32
  }
  func.func @transform_7(%arg0: i32, %arg1: i32) -> (i32, i32) {
    %c0_i32 = arith.constant 0 : i32
    %c0_i32_0 = arith.constant 0 : i32
    %c0_i32_1 = arith.constant 0 : i32
    return %c0_i32, %c0_i32_0 : i32, i32
  }
  func.func @transform_8(%arg0: i32, %arg1: i32) -> (i32, i32) {
    %c0_i32 = arith.constant 0 : i32
    %c0_i32_0 = arith.constant 0 : i32
    %c0_i32_1 = arith.constant 0 : i32
    return %c0_i32, %c0_i32_0 : i32, i32
  }
  func.func @transform_9(%arg0: i32, %arg1: i32) -> (i32, i32) {
    %c0_i32 = arith.constant 0 : i32
    %c0_i32_0 = arith.constant 0 : i32
    %c0_i32_1 = arith.constant 0 : i32
    return %c0_i32, %c0_i32_0 : i32, i32
  }
  func.func @transform_10(%arg0: i32, %arg1: i32) -> (i32, i32) {
    %c0_i32 = arith.constant 0 : i32
    %c0_i32_0 = arith.constant 0 : i32
    %c0_i32_1 = arith.constant 0 : i32
    return %c0_i32, %c0_i32_0 : i32, i32
  }
  func.func @transform_11(%arg0: i32, %arg1: i32) -> (i32, i32) {
    %c0_i32 = arith.constant 0 : i32
    %c0_i32_0 = arith.constant 0 : i32
    %c0_i32_1 = arith.constant 0 : i32
    return %c0_i32, %c0_i32_0 : i32, i32
  }
  func.func @transform_12(%arg0: i32, %arg1: i32) -> (i32, i32) {
    %c0_i32 = arith.constant 0 : i32
    %c0_i32_0 = arith.constant 0 : i32
    %c0_i32_1 = arith.constant 0 : i32
    return %c0_i32, %c0_i32_0 : i32, i32
  }
  func.func @transform_13(%arg0: i32, %arg1: i32) -> (i32, i32) {
    %c0_i32 = arith.constant 0 : i32
    %c0_i32_0 = arith.constant 0 : i32
    %c0_i32_1 = arith.constant 0 : i32
    return %c0_i32, %c0_i32_0 : i32, i32
  }
  func.func @transform_14(%arg0: i32, %arg1: i32) -> (i32, i32) {
    %c0_i32 = arith.constant 0 : i32
    %c0_i32_0 = arith.constant 0 : i32
    %c0_i32_1 = arith.constant 0 : i32
    return %c0_i32, %c0_i32_0 : i32, i32
  }
  func.func @transform_15(%arg0: i32, %arg1: i32) -> (i32, i32) {
    %mul3A = arith.muli %arg1, %arg0 : i32
    %c0_i32 = arith.constant 0 : i32
    %c0_i32_0 = arith.constant 0 : i32
    return %mul3A, %c0_i32 : i32, i32
  }
  func.func @transform_16(%arg0: i32, %arg1: i32) -> (i32, i32) {
    %c0_i32 = arith.constant 0 : i32
    %c0_i32_0 = arith.constant 0 : i32
    %c0_i32_1 = arith.constant 0 : i32
    return %c0_i32, %c0_i32_0 : i32, i32
  }
}

</mosaic_0001>

<sc_bundles>
// kernel: kernel.10.cloned.1.call-start
scs
__scs_entry_jumppad:
0x0: {  	(pc) =	sbr.rel $0x88, $3  }
0x1: {  	(tag) =	ssettag $0x0;
	lr =	simm.s32 $0x1  }
0x2: {  	[smem:$0x3F8B] =	sst lr;
	_ =	strace $0xD0000000  }
0x3: {  	_ = 	snop  }
0x4: {  	_ = 	snop  }
0x5: {  	_ = 	snop  }
0x6: {  	_ = 	snop  }
0x7: {  	_ = 	snop  }
__scs_overlays_trampoline_lowered:
0x8: {  	[smem:$0x3F9A] =	sst s0  }
0x9: {  	[smem:$0x3F9B] =	sst s1  }
0xa: {  	[smem:$0x3F9C] =	sst s2  }
0xb: {  	[smem:$0x3F9D] =	sst s3  }
0xc: {  	[smem:$0x3F9E] =	sst s4  }
0xd: {  	[smem:$0x3F9F] =	sst s5  }
0xe: {  	[smem:$0x3FA0] =	sst s6  }
0xf: {  	[smem:$0x3FA1] =	sst s7  }
0x10: {  	[smem:$0x3FA2] =	sst s8  }
0x11: {  	[smem:$0x3FA3] =	sst s9;
	s0 =	simm.s32 @!p0 $0x0  }
0x12: {  	s1 =	sld [smem:$0x3F89];
	s0 =	simm.s32 @p0 $0x1  }
0x13: {  	[smem:$0x3FA4] =	sst s0;
	s0 =	simm.s32 @!p1 $0x0  }
0x14: {  	s2 =	sld [smem:$0x3F88];
	s0 =	simm.s32 @p1 $0x1  }
0x15: {  	[smem:$0x3FA5] =	sst s0;
	s0 =	simm.s32 @!p2 $0x0  }
0x16: {  	s3 =	sld [smem:$0x3FDB];
	s0 =	simm.s32 @p2 $0x1  }
0x17: {  	s4 =	simm.s32 $0x1BF5;
	[smem:$0x3FA7] =	sst s0  }
0x18: {  	s0 =	sld [smem:$0x3F8A];
	_ =	swait.ge [sflag:s4], $0x0  }
0x19: {  	s7 =	sld [smem:$0x3F8B]  }
0x1a: {  	s8 =	sadd.s32 $0xFFFFE003, lr  }
0x1b: {  	s9 =	sadd.s32 $0xFFFFFEF7, lr;
	s5 =	simm.s32 $0xFFFFFFFF;
	p2 =	slt.u32 s8, $0xFFFFF086  }
0x1c: {  	p1 =	slt.u32 s9, $0xF7A;
	s5 =	simm.s32 @!p2 $0x0  }
0x1d: {  	s5 =	simm.s32 @p1 $0x1;
	p0 =	seq.s32 s7, s2  }
0x1e: {  	s7 =	smul.u32 @!p0 $0xF7A, s2;
	p2 =	seq.s32 @!p0 s5, $0x0  }
0x1f: {  	s9 =	smul.u32 $0xF7A, s1;
	s8 =	simm.s32 @!p0 $0x1BF5;
	p2 =	por !p2, p0  }
0x20: {  	[sflag:s8] =	ssyncset.s32 @!p0 $0xFFFFF086;
	s6 =	sadd.s32 @!p0 s3, s7;
	s7 =	simm.s32 @!p0 $0x108  }
0x21: {  	s3 =	sadd.s32 s3, s9;
	s6 =	sadd.s32 @!p0 $0x88, s6;
	s7 =	simm.s32 @p2 $0x1082  }
0x22: {  	[simem:s7], [sflag:s8] =	dma.local @!p0 [hbm:s6], $0xF7A  }
0x23: {  	s9 =	sor.u32 $0xD0000000, s2;
	s6 =	simm.s32 $0x108;
	_ =	swait.ge @!p0 [sflag:s8], $0x0  }
0x24: {  	s3 =	sadd.s32 $0x88, s3;
	s6 =	simm.s32 @!p1 $0x1082;
	[sflag:s4] =	ssyncset.s32 $0xFFFFF086  }
0x25: {  	[simem:s6], [sflag:s4] =	dma.local [hbm:s3], $0xF7A  }
0x26: {  	[smem:$0x3F8B] =	sst s1;
	(tag) =	ssettag s2;
	_ =	strace s9  }
0x27: {  	s1 =	sld [smem:$0x3F9B]  }
0x28: {  	s2 =	sld [smem:$0x3F9C]  }
0x29: {  	s4 =	sld [smem:$0x3F9E]  }
0x2a: {  	p0 =	seq.s32 s5, $0x0;
	s5 =	sld [smem:$0x3F9F]  }
0x2b: {  	s6 =	sld [smem:$0x3FA0]  }
0x2c: {  	s7 =	sld [smem:$0x3FA1]  }
0x2d: {  	s3 =	simm.s32 $0x108;
	s8 =	sld [smem:$0x3FA2]  }
0x2e: {  	s3 =	simm.s32 @!p0 $0x1082;
	s9 =	sld [smem:$0x3FA3]  }
0x2f: {  	lr =	sadd.s32 s0, s3;
	s0 =	sld [smem:$0x3F9A]  }
0x30: {  	s3 =	sld [smem:$0x3F9D]  }
0x31: {  	[smem:$0x3FA6] =	sst s10  }
0x32: {  	s10 =	sld [smem:$0x3FA4];
	_ =	sdelay $0x3  }
0x33: {  	p0 =	seq.s32 s10, $0x1;
	s10 =	sld [smem:$0x3FA6];
	_ =	sdelay $0x3  }
0x34: {  	[smem:$0x3FA6] =	sst s10  }
0x35: {  	s10 =	sld [smem:$0x3FA5];
	_ =	sdelay $0x3  }
0x36: {  	p1 =	seq.s32 s10, $0x1;
	s10 =	sld [smem:$0x3FA6];
	_ =	sdelay $0x3  }
0x37: {  	[smem:$0x3FA6] =	sst s10  }
0x38: {  	s10 =	sld [smem:$0x3FA7]  }
0x39: {  	_ = 	snop;
	(pc) =	sbr.ind lr, $3  }
0x3a: {  	_ = 	snop  }
0x3b: {  	_ = 	snop  }
0x3c: {  	p2 =	seq.s32 s10, $0x1;
	s10 =	sld [smem:$0x3FA6]  }
0x3d: {  	_ =	shalt  }
0x3e: {  	_ =	shalt  }
0x3f: {  	_ =	shalt  }
0x40: {  	_ =	shalt  }
0x41: {  	_ =	shalt  }
0x42: {  	_ =	shalt  }
0x43: {  	_ =	shalt  }
0x44: {  	_ =	shalt  }
0x45: {  	_ =	shalt  }
0x46: {  	_ =	shalt  }
0x47: {  	_ =	shalt  }
0x48: {  	_ =	shalt  }
0x49: {  	_ =	shalt  }
0x4a: {  	_ =	shalt  }
0x4b: {  	_ =	shalt  }
0x4c: {  	_ =	shalt  }
0x4d: {  	_ =	shalt  }
0x4e: {  	_ =	shalt  }
0x4f: {  	_ =	shalt  }
0x50: {  	_ =	shalt  }
0x51: {  	_ =	shalt  }
0x52: {  	_ =	shalt  }
0x53: {  	_ =	shalt  }
0x54: {  	_ =	shalt  }
0x55: {  	_ =	shalt  }
0x56: {  	_ =	shalt  }
0x57: {  	_ =	shalt  }
0x58: {  	_ =	shalt  }
0x59: {  	_ =	shalt  }
0x5a: {  	_ =	shalt  }
0x5b: {  	_ =	shalt  }
0x5c: {  	_ =	shalt  }
0x5d: {  	_ =	shalt  }
0x5e: {  	_ =	shalt  }
0x5f: {  	_ =	shalt  }
0x60: {  	_ =	shalt  }
0x61: {  	_ =	shalt  }
0x62: {  	_ =	shalt  }
0x63: {  	_ =	shalt  }
0x64: {  	_ =	shalt  }
0x65: {  	_ =	shalt  }
0x66: {  	_ =	shalt  }
0x67: {  	_ =	shalt  }
0x68: {  	_ =	shalt  }
0x69: {  	_ =	shalt  }
0x6a: {  	_ =	shalt  }
0x6b: {  	_ =	shalt  }
0x6c: {  	_ =	shalt  }
0x6d: {  	_ =	shalt  }
0x6e: {  	_ =	shalt  }
0x6f: {  	_ =	shalt  }
0x70: {  	_ =	shalt  }
0x71: {  	_ =	shalt  }
0x72: {  	_ =	shalt  }
0x73: {  	_ =	shalt  }
0x74: {  	_ =	shalt  }
0x75: {  	_ =	shalt  }
0x76: {  	_ =	shalt  }
0x77: {  	_ =	shalt  }
0x78: {  	_ =	shalt  }
0x79: {  	_ =	shalt  }
0x7a: {  	_ =	shalt  }
0x7b: {  	_ =	shalt  }
0x7c: {  	_ =	shalt  }
0x7d: {  	_ =	shalt  }
0x7e: {  	_ =	shalt  }
0x7f: {  	_ =	shalt  }
0x80: {  	_ =	shalt  }
0x81: {  	_ =	shalt  }
0x82: {  	_ =	shalt  }
0x83: {  	_ =	shalt  }
0x84: {  	_ =	shalt  }
0x85: {  	_ =	shalt  }
0x86: {  	_ =	shalt  }
0x87: {  	_ =	shalt  }
.Lfunc_end0:
.L_simem_size_0:
called_computation_lowered:
.L_overlay_start_0:
0x88: {  	s2 =	sld [smem:$0x3FD9]  }
0x89: {  	s3 =	sld [smem:$0x3FFE];
	_ =	sdelay $0x1  }
0x8a: {  	s1 =	srdreg.scid  }
0x8b: {  	s0 =	sand.u32 $0x1, s1  }
0x8c: {  	s14 =	sshll.u32 s0, $0xA;
	s2 =	sadd.s32 s3, s2  }
0x8d: {  	s2 =	sadd.s32 s2, s14  }
0x8e: {  	[smem:$0x3FB2] =	sst s2  }
0x8f: {  	_ = 	snop  }
0x90: {  	s2 =	sld [smem:$0x3FD0];
	_ =	sdelay $0x2  }
0x91: {  	s15 =	simm.s32 $0xA;
	s4 =	simm.s32 $0x10  }
0x92: {  	[smem:s4], [sflag:s15] =	dma.local [hbm:s2], $0x1  }
0x93: {  	_ =	swait.eq [sflag:s15], $0x1  }
0x94: {  	[sflag:s15] =	ssyncset.done $0x0  }
0x95: {  	s16 =	sld [smem:$0x10];
	[sflag:s15] =	ssyncadd.s32 $0xFFFFFFFF  }
0x96: {  	s17 =	sld [smem:$0x11];
	(tm) =	ssettm $0x1  }
0x97: {  	s18 =	sld [smem:$0x3FFB];
	_ =	sdelay $0x3  }
0x98: {  	_ =	strace s18  }
0x99: {  	s4 =	sld [smem:$0x3FFC];
	_ =	sdelay $0x3  }
0x9a: {  	_ =	strace s4  }
0x9b: {  	s4 =	sld [smem:$0x3FFD];
	_ =	sdelay $0x3  }
0x9c: {  	_ =	strace s4  }
0x9d: {  	_ =	strace $0x8FFFFFFF  }
0x9e: {  	s19 =	sld [smem:$0x3FDB];
	_ =	sdelay $0x1  }
0x9f: {  	s5 =	simm.s32 $_scs_section_size  }
0xa0: {  	s6 =	simm.s32 $_size__tile_overlayer_lowered;
	s7 =	simm.s32 $_tile_overlayer_lowered  }
0xa1: {  	s22 =	simm.s32 $0x1BFF;
	s21 =	sshll.u32 s7, $0x1;
	s4 =	sadd.s32 s5, s19  }
0xa2: {  	s8 =	simm.s32 $0x0;
	s20 =	sshll.u32 s6, $0x1;
	s6 =	sadd.s32 s21, s4  }
0xa3: {  	[timem:s8], [sflag:s22] =	dma.local [hbm:s6], s20  }
0xa4: {  	_ =	swait.ge [sflag:s22], s20  }
0xa5: {  	s5 =	ssub.s32 $0x0, s20;
	[sflag:s22] =	ssyncset.done $0x0  }
0xa6: {  	[sflag:s22] =	ssyncadd.s32 s5;
	_ =	sdelay $0x1  }
0xa7: {  	s23 =	simm.s32 $0x1B8B  }
0xa8: {  	_ =	swait.ge [sflag:s23], $0x1  }
0xa9: {  	[sflag:s23] =	ssyncset.done $0x0  }
0xaa: {  	s25 =	simm.s32 $0x1B8E;
	s24 =	sld [smem:$0x3FFE];
	[sflag:s23] =	ssyncadd.s32 $0xFFFFFFFF  }
0xab: {  	s26 =	simm.s32 $execute0_lowered;
	[smem:$0x3FD2] =	sst s25  }
0xac: {  	s6 =	sshll.u32 s26, $0x1;
	_ =	strace $0x80000046;
	[dreg:$0x1] =	wrdreg $0xFFFFFFFF  }
0xad: {  	s28 =	simm.s32 $_size_execute0_lowered;
	s4 =	sadd.s32 s4, s6;
	[dreg:$0x0] =	wrdreg $0x0  }
0xae: {  	s6 =	sshll.u32 s28, $0x1;
	[dreg:$0x2] =	wrdreg s4  }
0xaf: {  	[dreg:$0x3] =	wrdreg s6  }
0xb0: {  	[dreg:$0x4] =	wrdreg $0xC0  }
0xb1: {  	_ =	task [dreg:s8], $0x5FFFF  }
0xb2: {  	[dreg:$0x1] =	wrdreg $0xFFFFFFFF  }
0xb3: {  	[dreg:$0x0] =	wrdreg $0x60  }
0xb4: {  	[dreg:$0x2] =	wrdreg s24  }
0xb5: {  	[dreg:$0x3] =	wrdreg s17  }
0xb6: {  	[dreg:$0x4] =	wrdreg s16  }
0xb7: {  	[dreg:$0x5] =	wrdreg $0x58000  }
0xb8: {  	[dreg:$0x6] =	wrdreg $0x9  }
0xb9: {  	_ =	task.clear_ibuf [dreg:s8], $0x7FFFF;
	_ =	strace $0x90000046  }
0xba: {  	s29 =	simm.s32 $0x9;
	_ =	strace $0x80000048  }
0xbb: {  	_ =	swait.ge [sflag:s29], $0x1  }
0xbc: {  	[sflag:s29] =	ssyncadd.s32 $0xFFFFFFFF  }
0xbd: {  	_ =	strace $0x90000048  }
0xbe: {  	_ =	sfence  }
0xbf: {  	s30 =	sld [smem:$0x0];
	_ =	sdelay $0x2  }
0xc0: {  	s31 =	sshll.u32 s1, $0xD;
	s1 =	sshrl.u32 s1, $0x2  }
0xc1: {  	s3 =	sand.u32 $0x4000, s31;
	s1 =	sadd.s32 s1, s30  }
0xc2: {  	s0 =	sor.u32 s3, s0;
	s1 =	sshll.u32 s1, $0x11  }
0xc3: {  	s0 =	sor.u32 s1, s0  }
0xc4: {  	s0 =	sadd.s32 $0x8F2B, s0  }
0xc5: {  	[sflag:s0] =	ssyncadd.remote.s32 $0x1  }
0xc6: {  	_ =	sfence.sel $0xFFFF  }
0xc7: {  	[dreg:$0x0] =	wrdreg $0xFFFFFFFF;
	(pc) =	sbr.abs _section_cstart, $3  }
0xc8: {  	[dreg:$0x1] =	wrdreg $0xFFFFFFFF  }
0xc9: {  	_ =	task.clear_ibuf [dreg:s8], $0x2FFFF;
	_ =	strace $0x9FFFFFFF  }
0xca: {  	(tm) =	ssettm $0x7FFFFFFF  }
0xcb: {  	_ =	shalt  }
tec
execute0_lowered:
.L_overlay_start_1:
0x0: {  	(tag) =	ssettag $0x1  }
0x1: {  	s4 =	rddreg [dreg:$0x0]  }
0x2: {  	s1 =	rddreg [dreg:$0x1]  }
0x3: {  	s6 =	rddreg [dreg:$0x2]  }
0x4: {  	s2 =	rddreg [dreg:$0x3]  }
0x5: {  	s0 =	rddreg [dreg:$0x4];
	s13 =	stileid.u32  }
0x6: {  	s3 =	simm.s32 $0x0;
	s7 =	srdreg.scid;
	s5 =	smul.u32 $0xA00, s13  }
0x7: {  	[smem:$0x7FF] =	sst s3;
	s7 =	sand.u32 $0x1, s7;
	s11 =	smul.u32 $0x2800, s13  }
0x8: {  	p0 =	sne.s32 s13, $0x0;
	s13 =	sshll.u32 s13, $0x6;
	s9 =	smul.u32 $0x5000, s7  }
0x9: {  	_ =	strace $0x80000047;
	s8 =	ssub.s32 $0x2, s7;
	s7 =	smul.u32 $0xA000, s7  }
0xa: {  	s13 =	sor.u32 $0x1C01, s13;
	s5 =	sadd.s32 s5, s4;
	s4 =	sadd.s32 $0x18200, s4  }
0xb: {  	s10 =	sshrl.u32 s8, $0x1;
	s14 =	sshrl.u32 s11, $0x3;
	s15 =	sadd.s32 s11, s2  }
0xc: {  	s11 =	simm.s32 $0x80;
	s8 =	ssub.s32 s8, s10;
	s5 =	sadd.s32 $0xE200, s5  }
0xd: {  	s12 =	sadd.s32 s6, s9;
	s7 =	sshrl.u32 s7, $0x2;
	s9 =	simm.s32 $0x1  }
0xe: {  	s10 =	simm.s32 $0x5000;
	s6 =	smax.u32 s8, $0x1;
	s8 =	sshrl.u32 @!p0 s2, $0x3  }
0xf: {  	s12 =	sadd.s32 s14, s12;
	s14 =	sshrl.u32 s15, $0x3;
	s15 =	simm.s32 $0x0  }
.LBB2_1:
0x10: {  	s16 =	simm.s32 @!p0 $0x1C01  }
0x11: {  	[spmem:s8], [sflag:s16] =	dma.local @!p0 [hbm:s4], $0x5000  }
0x12: {  	s16 =	simm.s32 @!p0 $0x1  }
0x13: {  	_ =	swait.ge @!p0 [sflag:s16], $0x5000  }
0x14: {  	[sflag:s16] =	ssyncset.done @!p0 $0x0  }
0x15: {  	[sflag:s16] =	ssyncadd.s32 @!p0 $0xFFFFB000  }
0x16: {  	[bflag:$0x0] =	sbarrier.arrive $0xFFFF  }
0x17: {  	[tilespmem:s3], [sflag:$0x1] =	stream.linear.gather [hbm4b:s5+s3], $0x5000, $0x38;
	[tilespmem:$0x8000] =	vst v63  }
0x18: {  	_ =	swait.ge [sflag:s9], $0x5000  }
0x19: {  	[sflag:s9] =	ssyncset.done $0x0  }
0x1a: {  	[sflag:s9] =	ssyncadd.s32 $0xFFFFB000  }
0x1b: {  	[tilespmem:s10], [sflag:$0x1] =	stream.linear.gather [hbm4b:s1+s3], $0x800, $0x38;
	[tilespmem:$0x8000] =	vst v63  }
0x1c: {  	_ =	swait.ge [sflag:s9], $0x800  }
0x1d: {  	[sflag:s9] =	ssyncset.done $0x0  }
0x1e: {  	s31 =	sadd.s32 $0x0, s7;
	[sflag:s9] =	ssyncadd.s32 $0xFFFFF800  }
0x1f: {  	[spmem:s2] =	stream.indirect.scatter.add.f32 [tilespmem:s10], [sflag:$0x1], $0x10, s31, s11, $0xb8;
	[tilespmem:$0x8000] =	vst v63  }
0x20: {  	s16 =	simm.s32 $0x200;
	_ =	swait.ge [sflag:s9], $0x800  }
.LBB2_2:
0x21: {  	s17 =	sshra.s32 s16, $0x2;
	[sflag:s9] =	ssyncset.done $0x0;
	p1 =	sne.s32 s16, $0x9E00  }
.Ltmp0:
0x22: {  	s17 =	sadd.s32 s17, s7;
	[sflag:s9] =	ssyncadd.s32 $0xFFFFF800;
	(pc) =	sbr.rel @p1 .LBB2_2-.Ltmp0, $3  }
0x23: {  	[spmem:s2] =	stream.indirect.scatter.add.f32 [tilespmem:s10], [sflag:$0x1], $0x10, s17, s11, $0xb8;
	[tilespmem:$0x8000] =	vst v63  }
0x24: {  	s16 =	sadd.s32 $0x200, s16;
	_ =	sdelay $0x1  }
0x25: {  	_ =	swait.ge [sflag:s9], $0x800  }
0x26: {  	[sflag:s9] =	ssyncset.done $0x0;
	s15 =	sadd.s32 $0x1, s15  }
0x27: {  	[sflag:s9] =	ssyncadd.s32 $0xFFFFF800;
	p1 =	sne.s32 s15, s6  }
.Ltmp1:
0x28: {  	[bflag:$0x0] =	sbarrier.arrive $0xFFFF;
	(pc) =	sbr.rel @p1 .LBB2_1-.Ltmp1, $4  }
0x29: {  	[hbm:s12], [sflag:s13] =	dma.local [spmem:s14], $0x500  }
0x2a: {  	_ =	swait.ge [sflag:s9], $0x500  }
0x2b: {  	[sflag:s9] =	ssyncset.done $0x0  }
0x2c: {  	[sflag:s9] =	ssyncadd.s32 $0xFFFFFB00  }
0x2d: {  	_ =	sfence.sel $0x180000  }
0x2e: {  	[bflag:$0x0] =	sbarrier.arrive $0xFFFF  }
0x2f: {  	_ =	strace $0x90000047  }
0x30: {  	s0 =	sadd.s32 @!p0 $0x100000, s0;
	[bflag:$0x2] =	sbarrier.arrive $0xFFFF  }
0x31: {  	[sflag:s0] =	ssyncadd.tile.s32 @!p0 $0x1;
	_ =	shalt  }
.Lfunc_end2:
_tile_overlayer_lowered:
.L_overlay_start_2:
0x32: {  	(tag) =	ssettag $0x2  }
0x33: {  	s0 =	rddreg [dreg:$0x0];
	s2 =	stileid.u32  }
0x34: {  	s1 =	rddreg [dreg:$0x1];
	p0 =	sne.s32 s2, $0x0  }
0x35: {  	s3 =	rddreg [dreg:$0x2];
	[bflag:$0x3] =	sbarrier.arrive $0xFFFF;
	s2 =	simm.s32 @!p0 $0x1C01  }
0x36: {  	[timem:s3], [sflag:s2] =	dma.local @!p0 [hbm:s0], s1  }
0x37: {  	s0 =	simm.s32 @!p0 $0x1  }
0x38: {  	_ =	swait.ge @!p0 [sflag:s0], s1  }
0x39: {  	s1 =	ssub.s32 @!p0 $0x0, s1;
	[sflag:s0] =	ssyncset.done @!p0 $0x0  }
0x3a: {  	[sflag:s0] =	ssyncadd.s32 @!p0 s1  }
0x3b: {  	[bflag:$0x3] =	sbarrier.arrive $0xFFFF  }
0x3c: {  	_ =	shalt  }

// kernel: kernel.13.cloned.1.call-start
scs
__scs_entry_jumppad:
0x0: {  	(pc) =	sbr.rel $0x88, $3  }
0x1: {  	(tag) =	ssettag $0x0;
	lr =	simm.s32 $0x1  }
0x2: {  	[smem:$0x3F8B] =	sst lr;
	_ =	strace $0xD0000000  }
0x3: {  	_ = 	snop  }
0x4: {  	_ = 	snop  }
0x5: {  	_ = 	snop  }
0x6: {  	_ = 	snop  }
0x7: {  	_ = 	snop  }
__scs_overlays_trampoline_lowered:
0x8: {  	[smem:$0x3F9A] =	sst s0  }
0x9: {  	[smem:$0x3F9B] =	sst s1  }
0xa: {  	[smem:$0x3F9C] =	sst s2  }
0xb: {  	[smem:$0x3F9D] =	sst s3  }
0xc: {  	[smem:$0x3F9E] =	sst s4  }
0xd: {  	[smem:$0x3F9F] =	sst s5  }
0xe: {  	[smem:$0x3FA0] =	sst s6  }
0xf: {  	[smem:$0x3FA1] =	sst s7  }
0x10: {  	[smem:$0x3FA2] =	sst s8  }
0x11: {  	[smem:$0x3FA3] =	sst s9;
	s0 =	simm.s32 @!p0 $0x0  }
0x12: {  	s1 =	sld [smem:$0x3F89];
	s0 =	simm.s32 @p0 $0x1  }
0x13: {  	[smem:$0x3FA4] =	sst s0;
	s0 =	simm.s32 @!p1 $0x0  }
0x14: {  	s2 =	sld [smem:$0x3F88];
	s0 =	simm.s32 @p1 $0x1  }
0x15: {  	[smem:$0x3FA5] =	sst s0;
	s0 =	simm.s32 @!p2 $0x0  }
0x16: {  	s3 =	sld [smem:$0x3FDB];
	s0 =	simm.s32 @p2 $0x1  }
0x17: {  	s4 =	simm.s32 $0x1BF5;
	[smem:$0x3FA7] =	sst s0  }
0x18: {  	s0 =	sld [smem:$0x3F8A];
	_ =	swait.ge [sflag:s4], $0x0  }
0x19: {  	s7 =	sld [smem:$0x3F8B]  }
0x1a: {  	s8 =	sadd.s32 $0xFFFFE003, lr  }
0x1b: {  	s9 =	sadd.s32 $0xFFFFFEF7, lr;
	s5 =	simm.s32 $0xFFFFFFFF;
	p2 =	slt.u32 s8, $0xFFFFF086  }
0x1c: {  	p1 =	slt.u32 s9, $0xF7A;
	s5 =	simm.s32 @!p2 $0x0  }
0x1d: {  	s5 =	simm.s32 @p1 $0x1;
	p0 =	seq.s32 s7, s2  }
0x1e: {  	s7 =	smul.u32 @!p0 $0xF7A, s2;
	p2 =	seq.s32 @!p0 s5, $0x0  }
0x1f: {  	s9 =	smul.u32 $0xF7A, s1;
	s8 =	simm.s32 @!p0 $0x1BF5;
	p2 =	por !p2, p0  }
0x20: {  	[sflag:s8] =	ssyncset.s32 @!p0 $0xFFFFF086;
	s6 =	sadd.s32 @!p0 s3, s7;
	s7 =	simm.s32 @!p0 $0x108  }
0x21: {  	s3 =	sadd.s32 s3, s9;
	s6 =	sadd.s32 @!p0 $0x88, s6;
	s7 =	simm.s32 @p2 $0x1082  }
0x22: {  	[simem:s7], [sflag:s8] =	dma.local @!p0 [hbm:s6], $0xF7A  }
0x23: {  	s9 =	sor.u32 $0xD0000000, s2;
	s6 =	simm.s32 $0x108;
	_ =	swait.ge @!p0 [sflag:s8], $0x0  }
0x24: {  	s3 =	sadd.s32 $0x88, s3;
	s6 =	simm.s32 @!p1 $0x1082;
	[sflag:s4] =	ssyncset.s32 $0xFFFFF086  }
0x25: {  	[simem:s6], [sflag:s4] =	dma.local [hbm:s3], $0xF7A  }
0x26: {  	[smem:$0x3F8B] =	sst s1;
	(tag) =	ssettag s2;
	_ =	strace s9  }
0x27: {  	s1 =	sld [smem:$0x3F9B]  }
0x28: {  	s2 =	sld [smem:$0x3F9C]  }
0x29: {  	s4 =	sld [smem:$0x3F9E]  }
0x2a: {  	p0 =	seq.s32 s5, $0x0;
	s5 =	sld [smem:$0x3F9F]  }
0x2b: {  	s6 =	sld [smem:$0x3FA0]  }
0x2c: {  	s7 =	sld [smem:$0x3FA1]  }
0x2d: {  	s3 =	simm.s32 $0x108;
	s8 =	sld [smem:$0x3FA2]  }
0x2e: {  	s3 =	simm.s32 @!p0 $0x1082;
	s9 =	sld [smem:$0x3FA3]  }
0x2f: {  	lr =	sadd.s32 s0, s3;
	s0 =	sld [smem:$0x3F9A]  }
0x30: {  	s3 =	sld [smem:$0x3F9D]  }
0x31: {  	[smem:$0x3FA6] =	sst s10  }
0x32: {  	s10 =	sld [smem:$0x3FA4];
	_ =	sdelay $0x3  }
0x33: {  	p0 =	seq.s32 s10, $0x1;
	s10 =	sld [smem:$0x3FA6];
	_ =	sdelay $0x3  }
0x34: {  	[smem:$0x3FA6] =	sst s10  }
0x35: {  	s10 =	sld [smem:$0x3FA5];
	_ =	sdelay $0x3  }
0x36: {  	p1 =	seq.s32 s10, $0x1;
	s10 =	sld [smem:$0x3FA6];
	_ =	sdelay $0x3  }
0x37: {  	[smem:$0x3FA6] =	sst s10  }
0x38: {  	s10 =	sld [smem:$0x3FA7]  }
0x39: {  	_ = 	snop;
	(pc) =	sbr.ind lr, $3  }
0x3a: {  	_ = 	snop  }
0x3b: {  	_ = 	snop  }
0x3c: {  	p2 =	seq.s32 s10, $0x1;
	s10 =	sld [smem:$0x3FA6]  }
0x3d: {  	_ =	shalt  }
0x3e: {  	_ =	shalt  }
0x3f: {  	_ =	shalt  }
0x40: {  	_ =	shalt  }
0x41: {  	_ =	shalt  }
0x42: {  	_ =	shalt  }
0x43: {  	_ =	shalt  }
0x44: {  	_ =	shalt  }
0x45: {  	_ =	shalt  }
0x46: {  	_ =	shalt  }
0x47: {  	_ =	shalt  }
0x48: {  	_ =	shalt  }
0x49: {  	_ =	shalt  }
0x4a: {  	_ =	shalt  }
0x4b: {  	_ =	shalt  }
0x4c: {  	_ =	shalt  }
0x4d: {  	_ =	shalt  }
0x4e: {  	_ =	shalt  }
0x4f: {  	_ =	shalt  }
0x50: {  	_ =	shalt  }
0x51: {  	_ =	shalt  }
0x52: {  	_ =	shalt  }
0x53: {  	_ =	shalt  }
0x54: {  	_ =	shalt  }
0x55: {  	_ =	shalt  }
0x56: {  	_ =	shalt  }
0x57: {  	_ =	shalt  }
0x58: {  	_ =	shalt  }
0x59: {  	_ =	shalt  }
0x5a: {  	_ =	shalt  }
0x5b: {  	_ =	shalt  }
0x5c: {  	_ =	shalt  }
0x5d: {  	_ =	shalt  }
0x5e: {  	_ =	shalt  }
0x5f: {  	_ =	shalt  }
0x60: {  	_ =	shalt  }
0x61: {  	_ =	shalt  }
0x62: {  	_ =	shalt  }
0x63: {  	_ =	shalt  }
0x64: {  	_ =	shalt  }
0x65: {  	_ =	shalt  }
0x66: {  	_ =	shalt  }
0x67: {  	_ =	shalt  }
0x68: {  	_ =	shalt  }
0x69: {  	_ =	shalt  }
0x6a: {  	_ =	shalt  }
0x6b: {  	_ =	shalt  }
0x6c: {  	_ =	shalt  }
0x6d: {  	_ =	shalt  }
0x6e: {  	_ =	shalt  }
0x6f: {  	_ =	shalt  }
0x70: {  	_ =	shalt  }
0x71: {  	_ =	shalt  }
0x72: {  	_ =	shalt  }
0x73: {  	_ =	shalt  }
0x74: {  	_ =	shalt  }
0x75: {  	_ =	shalt  }
0x76: {  	_ =	shalt  }
0x77: {  	_ =	shalt  }
0x78: {  	_ =	shalt  }
0x79: {  	_ =	shalt  }
0x7a: {  	_ =	shalt  }
0x7b: {  	_ =	shalt  }
0x7c: {  	_ =	shalt  }
0x7d: {  	_ =	shalt  }
0x7e: {  	_ =	shalt  }
0x7f: {  	_ =	shalt  }
0x80: {  	_ =	shalt  }
0x81: {  	_ =	shalt  }
0x82: {  	_ =	shalt  }
0x83: {  	_ =	shalt  }
0x84: {  	_ =	shalt  }
0x85: {  	_ =	shalt  }
0x86: {  	_ =	shalt  }
0x87: {  	_ =	shalt  }
.Lfunc_end0:
.L_simem_size_0:
called_computation.1_lowered:
.L_overlay_start_0:
0x88: {  	s2 =	sld [smem:$0x3FD9]  }
0x89: {  	s3 =	sld [smem:$0x3FFE];
	_ =	sdelay $0x1  }
0x8a: {  	s1 =	srdreg.scid  }
0x8b: {  	s0 =	sand.u32 $0x1, s1  }
0x8c: {  	s14 =	sshll.u32 s0, $0xA;
	s2 =	sadd.s32 s3, s2  }
0x8d: {  	s2 =	sadd.s32 s2, s14  }
0x8e: {  	[smem:$0x3FB2] =	sst s2  }
0x8f: {  	_ = 	snop  }
0x90: {  	s2 =	sld [smem:$0x3FD0];
	_ =	sdelay $0x2  }
0x91: {  	s15 =	simm.s32 $0xA;
	s4 =	simm.s32 $0x10  }
0x92: {  	[smem:s4], [sflag:s15] =	dma.local [hbm:s2], $0x1  }
0x93: {  	_ =	swait.eq [sflag:s15], $0x1  }
0x94: {  	[sflag:s15] =	ssyncset.done $0x0  }
0x95: {  	[sflag:s15] =	ssyncadd.s32 $0xFFFFFFFF  }
0x96: {  	s16 =	sld [smem:$0x10];
	(tm) =	ssettm $0x1  }
0x97: {  	s17 =	sld [smem:$0x3FFB];
	_ =	sdelay $0x3  }
0x98: {  	_ =	strace s17  }
0x99: {  	s3 =	sld [smem:$0x3FFC];
	_ =	sdelay $0x3  }
0x9a: {  	_ =	strace s3  }
0x9b: {  	s3 =	sld [smem:$0x3FFD];
	_ =	sdelay $0x3  }
0x9c: {  	_ =	strace s3  }
0x9d: {  	_ =	strace $0x8FFFFFFF  }
0x9e: {  	s18 =	sld [smem:$0x3FDB];
	_ =	sdelay $0x1  }
0x9f: {  	s19 =	simm.s32 $_scs_section_size  }
0xa0: {  	s5 =	simm.s32 $_size__tile_overlayer_lowered;
	s6 =	simm.s32 $_tile_overlayer_lowered  }
0xa1: {  	s22 =	simm.s32 $0x1BFF;
	s21 =	sshll.u32 s6, $0x1;
	s3 =	sadd.s32 s19, s18  }
0xa2: {  	s7 =	simm.s32 $0x0;
	s20 =	sshll.u32 s5, $0x1;
	s5 =	sadd.s32 s21, s3  }
0xa3: {  	[timem:s7], [sflag:s22] =	dma.local [hbm:s5], s20  }
0xa4: {  	_ =	swait.ge [sflag:s22], s20  }
0xa5: {  	s4 =	ssub.s32 $0x0, s20;
	[sflag:s22] =	ssyncset.done $0x0  }
0xa6: {  	[sflag:s22] =	ssyncadd.s32 s4;
	_ =	sdelay $0x1  }
0xa7: {  	s23 =	simm.s32 $0x1B8B  }
0xa8: {  	_ =	swait.ge [sflag:s23], $0x1  }
0xa9: {  	[sflag:s23] =	ssyncset.done $0x0  }
0xaa: {  	s25 =	simm.s32 $0x1B8E;
	s24 =	sld [smem:$0x3FFE];
	[sflag:s23] =	ssyncadd.s32 $0xFFFFFFFF  }
0xab: {  	s26 =	simm.s32 $execute0_lowered;
	[smem:$0x3FD2] =	sst s25  }
0xac: {  	s5 =	sshll.u32 s26, $0x1;
	_ =	strace $0x80000049;
	[dreg:$0x1] =	wrdreg $0xFFFFFFFF  }
0xad: {  	s28 =	simm.s32 $_size_execute0_lowered;
	s3 =	sadd.s32 s3, s5;
	[dreg:$0x0] =	wrdreg $0x0  }
0xae: {  	s5 =	sshll.u32 s28, $0x1;
	[dreg:$0x2] =	wrdreg s3  }
0xaf: {  	[dreg:$0x3] =	wrdreg s5  }
0xb0: {  	[dreg:$0x4] =	wrdreg $0xC0  }
0xb1: {  	_ =	task [dreg:s7], $0x5FFFF  }
0xb2: {  	[dreg:$0x1] =	wrdreg $0xFFFFFFFF  }
0xb3: {  	[dreg:$0x0] =	wrdreg $0x60  }
0xb4: {  	[dreg:$0x2] =	wrdreg s24  }
0xb5: {  	[dreg:$0x3] =	wrdreg s16  }
0xb6: {  	[dreg:$0x4] =	wrdreg $0x140000  }
0xb7: {  	[dreg:$0x5] =	wrdreg $0x9  }
0xb8: {  	_ =	task.clear_ibuf [dreg:s7], $0x6FFFF;
	_ =	strace $0x90000049  }
0xb9: {  	s29 =	simm.s32 $0x9;
	_ =	strace $0x8000004B  }
0xba: {  	_ =	swait.ge [sflag:s29], $0x1  }
0xbb: {  	[sflag:s29] =	ssyncadd.s32 $0xFFFFFFFF  }
0xbc: {  	_ =	strace $0x9000004B  }
0xbd: {  	_ =	sfence  }
0xbe: {  	s30 =	sld [smem:$0x0];
	_ =	sdelay $0x2  }
0xbf: {  	s31 =	sshll.u32 s1, $0xD;
	s1 =	sshrl.u32 s1, $0x2  }
0xc0: {  	s3 =	sand.u32 $0x4000, s31;
	s1 =	sadd.s32 s1, s30  }
0xc1: {  	s0 =	sor.u32 s3, s0;
	s1 =	sshll.u32 s1, $0x11  }
0xc2: {  	s0 =	sor.u32 s1, s0  }
0xc3: {  	s0 =	sadd.s32 $0x8F2B, s0  }
0xc4: {  	[sflag:s0] =	ssyncadd.remote.s32 $0x1  }
0xc5: {  	_ =	sfence.sel $0xFFFF  }
0xc6: {  	[dreg:$0x0] =	wrdreg $0xFFFFFFFF;
	(pc) =	sbr.abs _section_cstart, $3  }
0xc7: {  	[dreg:$0x1] =	wrdreg $0xFFFFFFFF  }
0xc8: {  	_ =	task.clear_ibuf [dreg:s7], $0x2FFFF;
	_ =	strace $0x9FFFFFFF  }
0xc9: {  	(tm) =	ssettm $0x7FFFFFFF  }
tec
execute0_lowered:
.L_overlay_start_1:
0x0: {  	(tag) =	ssettag $0x1  }
0x1: {  	s0 =	rddreg [dreg:$0x0]  }
0x2: {  	s2 =	rddreg [dreg:$0x2]  }
0x3: {  	s9 =	stileid.u32;
	s1 =	srdreg.scid  }
0x4: {  	s4 =	simm.s32 $0x0;
	s10 =	simm.s32 $0xB;
	s12 =	simm.s32 $0x80  }
0x5: {  	s13 =	simm.s32 $0xA000;
	s14 =	simm.s32 $0xC000;
	s16 =	simm.s32 $0xE000  }
0x6: {  	s18 =	simm.s32 $0x10000;
	s20 =	simm.s32 $0x12000;
	s21 =	simm.s32 $0x1  }
0x7: {  	s22 =	simm.s32 $0x2;
	s24 =	simm.s32 $0x3;
	s28 =	simm.s32 $0x5  }
0x8: {  	s29 =	simm.s32 $0x6;
	s30 =	simm.s32 $0x7;
	s31 =	simm.s32 $0x8  }
0x9: {  	s19 =	simm.s32 $0x9F80;
	s3 =	smul.u32 $0xA00, s9;
	s1 =	sand.u32 $0x1, s1  }
0xa: {  	[smem:$0x7FF] =	sst s4;
	s8 =	smul.u32 $0xA000, s9;
	p0 =	sne.s32 s9, $0x0  }
0xb: {  	s5 =	smul.u32 $0x14000, s1;
	_ =	strace $0x8000004A;
	s1 =	ssub.s32 $0x2, s1  }
0xc: {  	s9 =	sshrl.u32 @!p0 s2, $0x3;
	s3 =	sadd.s32 s3, s0;
	s25 =	sshrl.u32 s1, $0x1  }
0xd: {  	s26 =	sshrl.u32 s8, $0x3;
	s11 =	sadd.s32 s8, s2;
	s0 =	sadd.s32 s5, s0  }
0xe: {  	s1 =	ssub.s32 s1, s25;
	s5 =	sadd.s32 $0x4200, s3;
	s6 =	sadd.s32 $0xE200, s3  }
0xf: {  	s25 =	sshrl.u32 s11, $0x3;
	s11 =	simm.s32 $0x0;
	s7 =	sadd.s32 $0x68200, s0  }
0x10: {  	s0 =	sadd.s32 $0x90200, s0;
	s8 =	smax.u32 s1, $0x1;
	s1 =	simm.s32 $0xA  }
0x11: {  	s23 =	sadd.s32 s26, s0;
	s26 =	simm.s32 $0x4;
	s0 =	simm.s32 $0x9  }
.LBB2_1:
0x12: {  	s3 =	simm.s32 @!p0 $0x1C0B;
	s15 =	rddreg [dreg:$0x1]  }
0x13: {  	[spmem:s9], [sflag:s3] =	dma.local @!p0 [hbm:s15], $0x14000  }
0x14: {  	s3 =	simm.s32 @!p0 $0xB  }
0x15: {  	_ =	swait.ge @!p0 [sflag:s3], $0x14000  }
0x16: {  	[sflag:s3] =	ssyncset.done @!p0 $0x0  }
0x17: {  	[sflag:s3] =	ssyncadd.s32 @!p0 $0xFFFEC000  }
0x18: {  	[bflag:$0x0] =	sbarrier.arrive $0xFFFF  }
0x19: {  	[tilespmem:s4], [sflag:$0xB] =	stream.linear.gather [hbm4b:s5+s4], $0x5000, $0x38;
	[tilespmem:$0x1E000] =	vst v63  }
0x1a: {  	_ =	swait.ge [sflag:s10], $0x5000  }
0x1b: {  	[sflag:s10] =	ssyncset.done $0x0  }
0x1c: {  	s17 =	simm.s32 $0x5000;
	[sflag:s10] =	ssyncadd.s32 $0xFFFFB000  }
0x1d: {  	[tilespmem:s17], [sflag:$0xB] =	stream.linear.gather [hbm4b:s6+s4], $0x5000, $0x38;
	[tilespmem:$0x1E000] =	vst v63  }
0x1e: {  	_ =	swait.ge [sflag:s10], $0x5000  }
0x1f: {  	[sflag:s10] =	ssyncset.done $0x0  }
0x20: {  	[sflag:s10] =	ssyncadd.s32 $0xFFFFB000  }
0x21: {  	[tilespmem:s13], [sflag:$0x1] =	stream.indirect.gather [hbm4b:s7+s12], $0x40, s4, s12, $0xb8;
	[tilespmem:$0x1E000] =	vst v63  }
0x22: {  	_ = 	snop  }
0x23: {  	[tilespmem:s14], [sflag:$0x2] =	stream.indirect.gather [hbm4b:s7+s12], $0x40, s12, s12, $0xb8;
	[tilespmem:$0x1E000] =	vst v63  }
0x24: {  	s15 =	simm.s32 $0x100  }
0x25: {  	[tilespmem:s16], [sflag:$0x3] =	stream.indirect.gather [hbm4b:s7+s12], $0x40, s15, s12, $0xb8;
	[tilespmem:$0x1E000] =	vst v63  }
0x26: {  	s17 =	simm.s32 $0x180  }
0x27: {  	[tilespmem:s18], [sflag:$0x4] =	stream.indirect.gather [hbm4b:s7+s12], $0x40, s17, s12, $0xb8;
	[tilespmem:$0x1E000] =	vst v63  }
0x28: {  	s15 =	simm.s32 $0x200  }
0x29: {  	[tilespmem:s20], [sflag:$0x5] =	stream.indirect.gather [hbm4b:s7+s12], $0x40, s15, s12, $0xb8;
	[tilespmem:$0x1E000] =	vst v63  }
0x2a: {  	_ =	swait.ge [sflag:s21], $0x2000  }
0x2b: {  	[sflag:s21] =	ssyncset.done $0x0  }
0x2c: {  	s17 =	simm.s32 $0x5000;
	[sflag:s21] =	ssyncadd.s32 $0xFFFFE000  }
0x2d: {  	[spmem:s2] =	stream.indirect.scatter.add.f32 [tilespmem:s13], [sflag:$0x6], $0x40, s17, s12, $0xb8;
	[tilespmem:$0x1E000] =	vst v63  }
0x2e: {  	_ =	swait.ge [sflag:s22], $0x2000  }
0x2f: {  	[sflag:s22] =	ssyncset.done $0x0  }
0x30: {  	s15 =	simm.s32 $0x5080;
	[sflag:s22] =	ssyncadd.s32 $0xFFFFE000  }
0x31: {  	[spmem:s2] =	stream.indirect.scatter.add.f32 [tilespmem:s14], [sflag:$0x7], $0x40, s15, s12, $0xb8;
	[tilespmem:$0x1E000] =	vst v63  }
0x32: {  	_ =	swait.ge [sflag:s24], $0x2000  }
0x33: {  	[sflag:s24] =	ssyncset.done $0x0  }
0x34: {  	s17 =	simm.s32 $0x5100;
	[sflag:s24] =	ssyncadd.s32 $0xFFFFE000  }
0x35: {  	[spmem:s2] =	stream.indirect.scatter.add.f32 [tilespmem:s16], [sflag:$0x8], $0x40, s17, s12, $0xb8;
	[tilespmem:$0x1E000] =	vst v63  }
0x36: {  	_ =	swait.ge [sflag:s26], $0x2000  }
0x37: {  	[sflag:s26] =	ssyncset.done $0x0  }
0x38: {  	s15 =	simm.s32 $0x5180;
	[sflag:s26] =	ssyncadd.s32 $0xFFFFE000  }
0x39: {  	[spmem:s2] =	stream.indirect.scatter.add.f32 [tilespmem:s18], [sflag:$0x9], $0x40, s15, s12, $0xb8;
	[tilespmem:$0x1E000] =	vst v63  }
0x3a: {  	_ =	swait.ge [sflag:s28], $0x2000  }
0x3b: {  	[sflag:s28] =	ssyncset.done $0x0  }
0x3c: {  	s17 =	simm.s32 $0x5200;
	[sflag:s28] =	ssyncadd.s32 $0xFFFFE000  }
0x3d: {  	[spmem:s2] =	stream.indirect.scatter.add.f32 [tilespmem:s20], [sflag:$0xA], $0x40, s17, s12, $0xb8;
	[tilespmem:$0x1E000] =	vst v63  }
0x3e: {  	_ =	swait.ge [sflag:s29], $0x2000  }
0x3f: {  	[sflag:s29] =	ssyncset.done $0x0  }
0x40: {  	s15 =	simm.s32 $0x280;
	[sflag:s29] =	ssyncadd.s32 $0xFFFFE000  }
0x41: {  	[tilespmem:s13], [sflag:$0x1] =	stream.indirect.gather [hbm4b:s7+s12], $0x40, s15, s12, $0xb8;
	[tilespmem:$0x1E000] =	vst v63  }
0x42: {  	_ =	swait.ge [sflag:s30], $0x2000  }
0x43: {  	[sflag:s30] =	ssyncset.done $0x0  }
0x44: {  	s17 =	simm.s32 $0x300;
	[sflag:s30] =	ssyncadd.s32 $0xFFFFE000  }
0x45: {  	[tilespmem:s14], [sflag:$0x2] =	stream.indirect.gather [hbm4b:s7+s12], $0x40, s17, s12, $0xb8;
	[tilespmem:$0x1E000] =	vst v63  }
0x46: {  	_ =	swait.ge [sflag:s31], $0x2000  }
0x47: {  	[sflag:s31] =	ssyncset.done $0x0  }
0x48: {  	s15 =	simm.s32 $0x380;
	[sflag:s31] =	ssyncadd.s32 $0xFFFFE000  }
0x49: {  	[tilespmem:s16], [sflag:$0x3] =	stream.indirect.gather [hbm4b:s7+s12], $0x40, s15, s12, $0xb8;
	[tilespmem:$0x1E000] =	vst v63  }
0x4a: {  	_ =	swait.ge [sflag:s0], $0x2000  }
0x4b: {  	[sflag:s0] =	ssyncset.done $0x0  }
0x4c: {  	s17 =	simm.s32 $0x400;
	[sflag:s0] =	ssyncadd.s32 $0xFFFFE000  }
0x4d: {  	[tilespmem:s18], [sflag:$0x4] =	stream.indirect.gather [hbm4b:s7+s12], $0x40, s17, s12, $0xb8;
	[tilespmem:$0x1E000] =	vst v63  }
0x4e: {  	_ =	swait.ge [sflag:s1], $0x2000  }
0x4f: {  	[sflag:s1] =	ssyncset.done $0x0  }
0x50: {  	s3 =	simm.s32 $0xA00;
	s15 =	simm.s32 $0x480;
	[sflag:s1] =	ssyncadd.s32 $0xFFFFE000  }
.LBB2_2:
0x51: {  	[tilespmem:s20], [sflag:$0x5] =	stream.indirect.gather [hbm4b:s7+s12], $0x40, s15, s12, $0xb8;
	[tilespmem:$0x1E000] =	vst v63  }
0x52: {  	s15 =	smov.u32 s3  }
0x53: {  	p1 =	sne.s32 s3, $0x12C00;
	s3 =	sadd.s32 $0xA00, s3;
	_ =	swait.ge [sflag:s21], $0x2000  }
0x54: {  	s15 =	sshra.s32 s15, $0x2;
	[sflag:s21] =	ssyncset.done $0x0  }
0x55: {  	s17 =	sadd.s32 $0x5000, s15;
	[sflag:s21] =	ssyncadd.s32 $0xFFFFE000  }
0x56: {  	[spmem:s2] =	stream.indirect.scatter.add.f32 [tilespmem:s13], [sflag:$0x6], $0x40, s17, s12, $0xb8;
	[tilespmem:$0x1E000] =	vst v63  }
0x57: {  	_ =	swait.ge [sflag:s22], $0x2000  }
0x58: {  	[sflag:s22] =	ssyncset.done $0x0  }
0x59: {  	s17 =	sadd.s32 $0x5080, s15;
	[sflag:s22] =	ssyncadd.s32 $0xFFFFE000  }
0x5a: {  	[spmem:s2] =	stream.indirect.scatter.add.f32 [tilespmem:s14], [sflag:$0x7], $0x40, s17, s12, $0xb8;
	[tilespmem:$0x1E000] =	vst v63  }
0x5b: {  	_ =	swait.ge [sflag:s24], $0x2000  }
0x5c: {  	[sflag:s24] =	ssyncset.done $0x0  }
0x5d: {  	s17 =	sadd.s32 $0x5100, s15;
	[sflag:s24] =	ssyncadd.s32 $0xFFFFE000  }
0x5e: {  	[spmem:s2] =	stream.indirect.scatter.add.f32 [tilespmem:s16], [sflag:$0x8], $0x40, s17, s12, $0xb8;
	[tilespmem:$0x1E000] =	vst v63  }
0x5f: {  	_ =	swait.ge [sflag:s26], $0x2000  }
0x60: {  	[sflag:s26] =	ssyncset.done $0x0  }
0x61: {  	s17 =	sadd.s32 $0x5180, s15;
	[sflag:s26] =	ssyncadd.s32 $0xFFFFE000  }
0x62: {  	[spmem:s2] =	stream.indirect.scatter.add.f32 [tilespmem:s18], [sflag:$0x9], $0x40, s17, s12, $0xb8;
	[tilespmem:$0x1E000] =	vst v63  }
0x63: {  	_ =	swait.ge [sflag:s28], $0x2000  }
0x64: {  	[sflag:s28] =	ssyncset.done $0x0  }
0x65: {  	s17 =	sadd.s32 $0x5200, s15;
	[sflag:s28] =	ssyncadd.s32 $0xFFFFE000  }
0x66: {  	[spmem:s2] =	stream.indirect.scatter.add.f32 [tilespmem:s20], [sflag:$0xA], $0x40, s17, s12, $0xb8;
	[tilespmem:$0x1E000] =	vst v63  }
0x67: {  	_ =	swait.ge [sflag:s29], $0x2000  }
0x68: {  	[sflag:s29] =	ssyncset.done $0x0  }
0x69: {  	s17 =	sadd.s32 $0x280, s15;
	[sflag:s29] =	ssyncadd.s32 $0xFFFFE000  }
0x6a: {  	[tilespmem:s13], [sflag:$0x1] =	stream.indirect.gather [hbm4b:s7+s12], $0x40, s17, s12, $0xb8;
	[tilespmem:$0x1E000] =	vst v63  }
0x6b: {  	_ =	swait.ge [sflag:s30], $0x2000  }
0x6c: {  	[sflag:s30] =	ssyncset.done $0x0  }
0x6d: {  	s17 =	sadd.s32 $0x300, s15;
	[sflag:s30] =	ssyncadd.s32 $0xFFFFE000  }
0x6e: {  	[tilespmem:s14], [sflag:$0x2] =	stream.indirect.gather [hbm4b:s7+s12], $0x40, s17, s12, $0xb8;
	[tilespmem:$0x1E000] =	vst v63  }
0x6f: {  	_ =	swait.ge [sflag:s31], $0x2000  }
0x70: {  	[sflag:s31] =	ssyncset.done $0x0  }
0x71: {  	s17 =	sadd.s32 $0x380, s15;
	[sflag:s31] =	ssyncadd.s32 $0xFFFFE000  }
0x72: {  	[tilespmem:s16], [sflag:$0x3] =	stream.indirect.gather [hbm4b:s7+s12], $0x40, s17, s12, $0xb8;
	[tilespmem:$0x1E000] =	vst v63  }
0x73: {  	_ =	swait.ge [sflag:s0], $0x2000  }
0x74: {  	[sflag:s0] =	ssyncset.done $0x0  }
.Ltmp0:
0x75: {  	s17 =	sadd.s32 $0x400, s15;
	[sflag:s0] =	ssyncadd.s32 $0xFFFFE000;
	(pc) =	sbr.rel @p1 .LBB2_2-.Ltmp0, $4  }
0x76: {  	[tilespmem:s18], [sflag:$0x4] =	stream.indirect.gather [hbm4b:s7+s12], $0x40, s17, s12, $0xb8;
	[tilespmem:$0x1E000] =	vst v63  }
0x77: {  	_ =	swait.ge [sflag:s1], $0x2000  }
0x78: {  	[sflag:s1] =	ssyncset.done $0x0  }
0x79: {  	s15 =	sadd.s32 $0x480, s15;
	[sflag:s1] =	ssyncadd.s32 $0xFFFFE000  }
0x7a: {  	[tilespmem:s20], [sflag:$0x5] =	stream.indirect.gather [hbm4b:s7+s12], $0x40, s15, s12, $0xb8;
	[tilespmem:$0x1E000] =	vst v63  }
0x7b: {  	_ =	swait.ge [sflag:s21], $0x2000  }
0x7c: {  	[sflag:s21] =	ssyncset.done $0x0  }
0x7d: {  	s3 =	simm.s32 $0x9D80;
	[sflag:s21] =	ssyncadd.s32 $0xFFFFE000  }
0x7e: {  	[spmem:s2] =	stream.indirect.scatter.add.f32 [tilespmem:s13], [sflag:$0x6], $0x40, s3, s12, $0xb8;
	[tilespmem:$0x1E000] =	vst v63  }
0x7f: {  	_ =	swait.ge [sflag:s22], $0x2000  }
0x80: {  	[sflag:s22] =	ssyncset.done $0x0  }
0x81: {  	s15 =	simm.s32 $0x9E00;
	[sflag:s22] =	ssyncadd.s32 $0xFFFFE000  }
0x82: {  	[spmem:s2] =	stream.indirect.scatter.add.f32 [tilespmem:s14], [sflag:$0x7], $0x40, s15, s12, $0xb8;
	[tilespmem:$0x1E000] =	vst v63  }
0x83: {  	_ =	swait.ge [sflag:s24], $0x2000  }
0x84: {  	[sflag:s24] =	ssyncset.done $0x0  }
0x85: {  	s17 =	simm.s32 $0x9E80;
	[sflag:s24] =	ssyncadd.s32 $0xFFFFE000  }
0x86: {  	[spmem:s2] =	stream.indirect.scatter.add.f32 [tilespmem:s16], [sflag:$0x8], $0x40, s17, s12, $0xb8;
	[tilespmem:$0x1E000] =	vst v63  }
0x87: {  	_ =	swait.ge [sflag:s26], $0x2000  }
0x88: {  	[sflag:s26] =	ssyncset.done $0x0  }
0x89: {  	s15 =	simm.s32 $0x9F00;
	[sflag:s26] =	ssyncadd.s32 $0xFFFFE000  }
0x8a: {  	[spmem:s2] =	stream.indirect.scatter.add.f32 [tilespmem:s18], [sflag:$0x9], $0x40, s15, s12, $0xb8;
	[tilespmem:$0x1E000] =	vst v63  }
0x8b: {  	_ =	swait.ge [sflag:s28], $0x2000  }
0x8c: {  	[sflag:s28] =	ssyncset.done $0x0  }
0x8d: {  	[sflag:s28] =	ssyncadd.s32 $0xFFFFE000  }
0x8e: {  	[spmem:s2] =	stream.indirect.scatter.add.f32 [tilespmem:s20], [sflag:$0xA], $0x40, s19, s12, $0xb8;
	[tilespmem:$0x1E000] =	vst v63  }
0x8f: {  	_ =	swait.ge [sflag:s29], $0x2000  }
0x90: {  	[sflag:s29] =	ssyncset.done $0x0  }
0x91: {  	[sflag:s29] =	ssyncadd.s32 $0xFFFFE000  }
0x92: {  	_ =	swait.ge [sflag:s30], $0x2000  }
0x93: {  	[sflag:s30] =	ssyncset.done $0x0  }
0x94: {  	[sflag:s30] =	ssyncadd.s32 $0xFFFFE000  }
0x95: {  	_ =	swait.ge [sflag:s31], $0x2000  }
0x96: {  	[sflag:s31] =	ssyncset.done $0x0  }
0x97: {  	[sflag:s31] =	ssyncadd.s32 $0xFFFFE000  }
0x98: {  	_ =	swait.ge [sflag:s0], $0x2000  }
0x99: {  	[sflag:s0] =	ssyncset.done $0x0  }
0x9a: {  	[sflag:s0] =	ssyncadd.s32 $0xFFFFE000  }
0x9b: {  	_ =	swait.ge [sflag:s1], $0x2000  }
0x9c: {  	s11 =	sadd.s32 $0x1, s11;
	s17 =	stileid.u32;
	[sflag:s1] =	ssyncset.done $0x0  }
0x9d: {  	p1 =	sne.s32 s11, s8;
	s3 =	sshll.u32 s17, $0x6;
	[sflag:s1] =	ssyncadd.s32 $0xFFFFE000  }
.Ltmp1:
0x9e: {  	s3 =	sor.u32 $0x1C0B, s3;
	[bflag:$0x0] =	sbarrier.arrive $0xFFFF;
	(pc) =	sbr.rel @p1 .LBB2_1-.Ltmp1, $4  }
0x9f: {  	[hbm:s23], [sflag:s3] =	dma.local [spmem:s25], $0x1400  }
0xa0: {  	_ =	swait.ge [sflag:s10], $0x1400  }
0xa1: {  	[sflag:s10] =	ssyncset.done $0x0  }
0xa2: {  	[sflag:s10] =	ssyncadd.s32 $0xFFFFEC00  }
0xa3: {  	_ =	sfence.sel $0x180000  }
0xa4: {  	[bflag:$0x0] =	sbarrier.arrive $0xFFFF  }
0xa5: {  	_ =	strace $0x9000004A  }
0xa6: {  	[bflag:$0x2] =	sbarrier.arrive $0xFFFF  }
0xa7: {  	s0 =	rddreg [dreg:$0x3]  }
0xa8: {  	s0 =	sadd.s32 @!p0 $0x100000, s0  }
0xa9: {  	[sflag:s0] =	ssyncadd.tile.s32 @!p0 $0x1;
	_ =	shalt  }
.Lfunc_end2:
_tile_overlayer_lowered:
.L_overlay_start_2:
0xaa: {  	(tag) =	ssettag $0x2  }
0xab: {  	s0 =	rddreg [dreg:$0x0];
	s2 =	stileid.u32  }
0xac: {  	s1 =	rddreg [dreg:$0x1];
	p0 =	sne.s32 s2, $0x0  }
0xad: {  	s3 =	rddreg [dreg:$0x2];
	[bflag:$0x3] =	sbarrier.arrive $0xFFFF;
	s2 =	simm.s32 @!p0 $0x1C0B  }
0xae: {  	[timem:s3], [sflag:s2] =	dma.local @!p0 [hbm:s0], s1  }
0xaf: {  	s0 =	simm.s32 @!p0 $0xB  }
0xb0: {  	_ =	swait.ge @!p0 [sflag:s0], s1  }
0xb1: {  	s1 =	ssub.s32 @!p0 $0x0, s1;
	[sflag:s0] =	ssyncset.done @!p0 $0x0  }
0xb2: {  	[sflag:s0] =	ssyncadd.s32 @!p0 s1  }
0xb3: {  	[bflag:$0x3] =	sbarrier.arrive $0xFFFF  }
0xb4: {  	_ =	shalt  }

// kernel: kernel.16.cloned.1.call-start
scs
__scs_entry_jumppad:
0x0: {  	(pc) =	sbr.rel $0x88, $3  }
0x1: {  	(tag) =	ssettag $0x0;
	lr =	simm.s32 $0x1  }
0x2: {  	[smem:$0x3F8B] =	sst lr;
	_ =	strace $0xD0000000  }
0x3: {  	_ = 	snop  }
0x4: {  	_ = 	snop  }
0x5: {  	_ = 	snop  }
0x6: {  	_ = 	snop  }
0x7: {  	_ = 	snop  }
__scs_overlays_trampoline_lowered:
0x8: {  	[smem:$0x3F9A] =	sst s0  }
0x9: {  	[smem:$0x3F9B] =	sst s1  }
0xa: {  	[smem:$0x3F9C] =	sst s2  }
0xb: {  	[smem:$0x3F9D] =	sst s3  }
0xc: {  	[smem:$0x3F9E] =	sst s4  }
0xd: {  	[smem:$0x3F9F] =	sst s5  }
0xe: {  	[smem:$0x3FA0] =	sst s6  }
0xf: {  	[smem:$0x3FA1] =	sst s7  }
0x10: {  	[smem:$0x3FA2] =	sst s8  }
0x11: {  	[smem:$0x3FA3] =	sst s9;
	s0 =	simm.s32 @!p0 $0x0  }
0x12: {  	s1 =	sld [smem:$0x3F89];
	s0 =	simm.s32 @p0 $0x1  }
0x13: {  	[smem:$0x3FA4] =	sst s0;
	s0 =	simm.s32 @!p1 $0x0  }
0x14: {  	s2 =	sld [smem:$0x3F88];
	s0 =	simm.s32 @p1 $0x1  }
0x15: {  	[smem:$0x3FA5] =	sst s0;
	s0 =	simm.s32 @!p2 $0x0  }
0x16: {  	s3 =	sld [smem:$0x3FDB];
	s0 =	simm.s32 @p2 $0x1  }
0x17: {  	s4 =	simm.s32 $0x1BF5;
	[smem:$0x3FA7] =	sst s0  }
0x18: {  	s0 =	sld [smem:$0x3F8A];
	_ =	swait.ge [sflag:s4], $0x0  }
0x19: {  	s7 =	sld [smem:$0x3F8B]  }
0x1a: {  	s8 =	sadd.s32 $0xFFFFE003, lr  }
0x1b: {  	s9 =	sadd.s32 $0xFFFFFEF7, lr;
	s5 =	simm.s32 $0xFFFFFFFF;
	p2 =	slt.u32 s8, $0xFFFFF086  }
0x1c: {  	p1 =	slt.u32 s9, $0xF7A;
	s5 =	simm.s32 @!p2 $0x0  }
0x1d: {  	s5 =	simm.s32 @p1 $0x1;
	p0 =	seq.s32 s7, s2  }
0x1e: {  	s7 =	smul.u32 @!p0 $0xF7A, s2;
	p2 =	seq.s32 @!p0 s5, $0x0  }
0x1f: {  	s9 =	smul.u32 $0xF7A, s1;
	s8 =	simm.s32 @!p0 $0x1BF5;
	p2 =	por !p2, p0  }
0x20: {  	[sflag:s8] =	ssyncset.s32 @!p0 $0xFFFFF086;
	s6 =	sadd.s32 @!p0 s3, s7;
	s7 =	simm.s32 @!p0 $0x108  }
0x21: {  	s3 =	sadd.s32 s3, s9;
	s6 =	sadd.s32 @!p0 $0x88, s6;
	s7 =	simm.s32 @p2 $0x1082  }
0x22: {  	[simem:s7], [sflag:s8] =	dma.local @!p0 [hbm:s6], $0xF7A  }
0x23: {  	s9 =	sor.u32 $0xD0000000, s2;
	s6 =	simm.s32 $0x108;
	_ =	swait.ge @!p0 [sflag:s8], $0x0  }
0x24: {  	s3 =	sadd.s32 $0x88, s3;
	s6 =	simm.s32 @!p1 $0x1082;
	[sflag:s4] =	ssyncset.s32 $0xFFFFF086  }
0x25: {  	[simem:s6], [sflag:s4] =	dma.local [hbm:s3], $0xF7A  }
0x26: {  	[smem:$0x3F8B] =	sst s1;
	(tag) =	ssettag s2;
	_ =	strace s9  }
0x27: {  	s1 =	sld [smem:$0x3F9B]  }
0x28: {  	s2 =	sld [smem:$0x3F9C]  }
0x29: {  	s4 =	sld [smem:$0x3F9E]  }
0x2a: {  	p0 =	seq.s32 s5, $0x0;
	s5 =	sld [smem:$0x3F9F]  }
0x2b: {  	s6 =	sld [smem:$0x3FA0]  }
0x2c: {  	s7 =	sld [smem:$0x3FA1]  }
0x2d: {  	s3 =	simm.s32 $0x108;
	s8 =	sld [smem:$0x3FA2]  }
0x2e: {  	s3 =	simm.s32 @!p0 $0x1082;
	s9 =	sld [smem:$0x3FA3]  }
0x2f: {  	lr =	sadd.s32 s0, s3;
	s0 =	sld [smem:$0x3F9A]  }
0x30: {  	s3 =	sld [smem:$0x3F9D]  }
0x31: {  	[smem:$0x3FA6] =	sst s10  }
0x32: {  	s10 =	sld [smem:$0x3FA4];
	_ =	sdelay $0x3  }
0x33: {  	p0 =	seq.s32 s10, $0x1;
	s10 =	sld [smem:$0x3FA6];
	_ =	sdelay $0x3  }
0x34: {  	[smem:$0x3FA6] =	sst s10  }
0x35: {  	s10 =	sld [smem:$0x3FA5];
	_ =	sdelay $0x3  }
0x36: {  	p1 =	seq.s32 s10, $0x1;
	s10 =	sld [smem:$0x3FA6];
	_ =	sdelay $0x3  }
0x37: {  	[smem:$0x3FA6] =	sst s10  }
0x38: {  	s10 =	sld [smem:$0x3FA7]  }
0x39: {  	_ = 	snop;
	(pc) =	sbr.ind lr, $3  }
0x3a: {  	_ = 	snop  }
0x3b: {  	_ = 	snop  }
0x3c: {  	p2 =	seq.s32 s10, $0x1;
	s10 =	sld [smem:$0x3FA6]  }
0x3d: {  	_ =	shalt  }
0x3e: {  	_ =	shalt  }
0x3f: {  	_ =	shalt  }
0x40: {  	_ =	shalt  }
0x41: {  	_ =	shalt  }
0x42: {  	_ =	shalt  }
0x43: {  	_ =	shalt  }
0x44: {  	_ =	shalt  }
0x45: {  	_ =	shalt  }
0x46: {  	_ =	shalt  }
0x47: {  	_ =	shalt  }
0x48: {  	_ =	shalt  }
0x49: {  	_ =	shalt  }
0x4a: {  	_ =	shalt  }
0x4b: {  	_ =	shalt  }
0x4c: {  	_ =	shalt  }
0x4d: {  	_ =	shalt  }
0x4e: {  	_ =	shalt  }
0x4f: {  	_ =	shalt  }
0x50: {  	_ =	shalt  }
0x51: {  	_ =	shalt  }
0x52: {  	_ =	shalt  }
0x53: {  	_ =	shalt  }
0x54: {  	_ =	shalt  }
0x55: {  	_ =	shalt  }
0x56: {  	_ =	shalt  }
0x57: {  	_ =	shalt  }
0x58: {  	_ =	shalt  }
0x59: {  	_ =	shalt  }
0x5a: {  	_ =	shalt  }
0x5b: {  	_ =	shalt  }
0x5c: {  	_ =	shalt  }
0x5d: {  	_ =	shalt  }
0x5e: {  	_ =	shalt  }
0x5f: {  	_ =	shalt  }
0x60: {  	_ =	shalt  }
0x61: {  	_ =	shalt  }
0x62: {  	_ =	shalt  }
0x63: {  	_ =	shalt  }
0x64: {  	_ =	shalt  }
0x65: {  	_ =	shalt  }
0x66: {  	_ =	shalt  }
0x67: {  	_ =	shalt  }
0x68: {  	_ =	shalt  }
0x69: {  	_ =	shalt  }
0x6a: {  	_ =	shalt  }
0x6b: {  	_ =	shalt  }
0x6c: {  	_ =	shalt  }
0x6d: {  	_ =	shalt  }
0x6e: {  	_ =	shalt  }
0x6f: {  	_ =	shalt  }
0x70: {  	_ =	shalt  }
0x71: {  	_ =	shalt  }
0x72: {  	_ =	shalt  }
0x73: {  	_ =	shalt  }
0x74: {  	_ =	shalt  }
0x75: {  	_ =	shalt  }
0x76: {  	_ =	shalt  }
0x77: {  	_ =	shalt  }
0x78: {  	_ =	shalt  }
0x79: {  	_ =	shalt  }
0x7a: {  	_ =	shalt  }
0x7b: {  	_ =	shalt  }
0x7c: {  	_ =	shalt  }
0x7d: {  	_ =	shalt  }
0x7e: {  	_ =	shalt  }
0x7f: {  	_ =	shalt  }
0x80: {  	_ =	shalt  }
0x81: {  	_ =	shalt  }
0x82: {  	_ =	shalt  }
0x83: {  	_ =	shalt  }
0x84: {  	_ =	shalt  }
0x85: {  	_ =	shalt  }
0x86: {  	_ =	shalt  }
0x87: {  	_ =	shalt  }
.Lfunc_end0:
.L_simem_size_0:
called_computation.2_lowered:
.L_overlay_start_0:
0x88: {  	s2 =	sld [smem:$0x3FD9]  }
0x89: {  	s3 =	sld [smem:$0x3FFE];
	_ =	sdelay $0x1  }
0x8a: {  	s1 =	srdreg.scid  }
0x8b: {  	s0 =	sand.u32 $0x1, s1  }
0x8c: {  	s14 =	sshll.u32 s0, $0xA;
	s2 =	sadd.s32 s3, s2  }
0x8d: {  	s2 =	sadd.s32 s2, s14  }
0x8e: {  	[smem:$0x3FB2] =	sst s2  }
0x8f: {  	_ = 	snop  }
0x90: {  	s2 =	sld [smem:$0x3FD0];
	_ =	sdelay $0x2  }
0x91: {  	s15 =	simm.s32 $0xA;
	s4 =	simm.s32 $0x10  }
0x92: {  	[smem:s4], [sflag:s15] =	dma.local [hbm:s2], $0x1  }
0x93: {  	_ =	swait.eq [sflag:s15], $0x1  }
0x94: {  	[sflag:s15] =	ssyncset.done $0x0  }
0x95: {  	[sflag:s15] =	ssyncadd.s32 $0xFFFFFFFF  }
0x96: {  	s16 =	sld [smem:$0x10];
	(tm) =	ssettm $0x1  }
0x97: {  	s17 =	sld [smem:$0x3FFB];
	_ =	sdelay $0x3  }
0x98: {  	_ =	strace s17  }
0x99: {  	s3 =	sld [smem:$0x3FFC];
	_ =	sdelay $0x3  }
0x9a: {  	_ =	strace s3  }
0x9b: {  	s3 =	sld [smem:$0x3FFD];
	_ =	sdelay $0x3  }
0x9c: {  	_ =	strace s3  }
0x9d: {  	_ =	strace $0x8FFFFFFF  }
0x9e: {  	s18 =	sld [smem:$0x3FDB];
	_ =	sdelay $0x1  }
0x9f: {  	s19 =	simm.s32 $_scs_section_size  }
0xa0: {  	s5 =	simm.s32 $_size__tile_overlayer_lowered;
	s6 =	simm.s32 $_tile_overlayer_lowered  }
0xa1: {  	s22 =	simm.s32 $0x1BFF;
	s21 =	sshll.u32 s6, $0x1;
	s3 =	sadd.s32 s19, s18  }
0xa2: {  	s7 =	simm.s32 $0x0;
	s20 =	sshll.u32 s5, $0x1;
	s5 =	sadd.s32 s21, s3  }
0xa3: {  	[timem:s7], [sflag:s22] =	dma.local [hbm:s5], s20  }
0xa4: {  	_ =	swait.ge [sflag:s22], s20  }
0xa5: {  	s4 =	ssub.s32 $0x0, s20;
	[sflag:s22] =	ssyncset.done $0x0  }
0xa6: {  	[sflag:s22] =	ssyncadd.s32 s4;
	_ =	sdelay $0x1  }
0xa7: {  	s23 =	simm.s32 $0x1B8B  }
0xa8: {  	_ =	swait.ge [sflag:s23], $0x1  }
0xa9: {  	[sflag:s23] =	ssyncset.done $0x0  }
0xaa: {  	s25 =	simm.s32 $0x1B8E;
	s24 =	sld [smem:$0x3FFE];
	[sflag:s23] =	ssyncadd.s32 $0xFFFFFFFF  }
0xab: {  	s26 =	simm.s32 $execute0_lowered;
	[smem:$0x3FD2] =	sst s25  }
0xac: {  	s5 =	sshll.u32 s26, $0x1;
	_ =	strace $0x8000004C;
	[dreg:$0x1] =	wrdreg $0xFFFFFFFF  }
0xad: {  	s28 =	simm.s32 $_size_execute0_lowered;
	s3 =	sadd.s32 s3, s5;
	[dreg:$0x0] =	wrdreg $0x0  }
0xae: {  	s5 =	sshll.u32 s28, $0x1;
	[dreg:$0x2] =	wrdreg s3  }
0xaf: {  	[dreg:$0x3] =	wrdreg s5  }
0xb0: {  	[dreg:$0x4] =	wrdreg $0xC0  }
0xb1: {  	_ =	task [dreg:s7], $0x5FFFF  }
0xb2: {  	[dreg:$0x1] =	wrdreg $0xFFFFFFFF  }
0xb3: {  	[dreg:$0x0] =	wrdreg $0x60  }
0xb4: {  	[dreg:$0x2] =	wrdreg s24  }
0xb5: {  	[dreg:$0x3] =	wrdreg s16  }
0xb6: {  	[dreg:$0x4] =	wrdreg $0x140000  }
0xb7: {  	[dreg:$0x5] =	wrdreg $0x9  }
0xb8: {  	_ =	task.clear_ibuf [dreg:s7], $0x6FFFF;
	_ =	strace $0x9000004C  }
0xb9: {  	s29 =	simm.s32 $0x9;
	_ =	strace $0x8000004E  }
0xba: {  	_ =	swait.ge [sflag:s29], $0x1  }
0xbb: {  	[sflag:s29] =	ssyncadd.s32 $0xFFFFFFFF  }
0xbc: {  	_ =	strace $0x9000004E  }
0xbd: {  	_ =	sfence  }
0xbe: {  	s30 =	sld [smem:$0x0];
	_ =	sdelay $0x2  }
0xbf: {  	s31 =	sshll.u32 s1, $0xD;
	s1 =	sshrl.u32 s1, $0x2  }
0xc0: {  	s3 =	sand.u32 $0x4000, s31;
	s1 =	sadd.s32 s1, s30  }
0xc1: {  	s0 =	sor.u32 s3, s0;
	s1 =	sshll.u32 s1, $0x11  }
0xc2: {  	s0 =	sor.u32 s1, s0  }
0xc3: {  	s0 =	sadd.s32 $0x8F2B, s0  }
0xc4: {  	[sflag:s0] =	ssyncadd.remote.s32 $0x1  }
0xc5: {  	_ =	sfence.sel $0xFFFF  }
0xc6: {  	[dreg:$0x0] =	wrdreg $0xFFFFFFFF;
	(pc) =	sbr.abs _section_cstart, $3  }
0xc7: {  	[dreg:$0x1] =	wrdreg $0xFFFFFFFF  }
0xc8: {  	_ =	task.clear_ibuf [dreg:s7], $0x2FFFF;
	_ =	strace $0x9FFFFFFF  }
0xc9: {  	(tm) =	ssettm $0x7FFFFFFF  }
tec
execute0_lowered:
.L_overlay_start_1:
0x0: {  	(tag) =	ssettag $0x1  }
0x1: {  	s0 =	rddreg [dreg:$0x0]  }
0x2: {  	s2 =	rddreg [dreg:$0x2]  }
0x3: {  	s9 =	stileid.u32;
	s1 =	srdreg.scid  }
0x4: {  	s4 =	simm.s32 $0x0;
	s10 =	simm.s32 $0xB;
	s12 =	simm.s32 $0x80  }
0x5: {  	s13 =	simm.s32 $0xA000;
	s14 =	simm.s32 $0xC000;
	s16 =	simm.s32 $0xE000  }
0x6: {  	s18 =	simm.s32 $0x10000;
	s20 =	simm.s32 $0x12000;
	s21 =	simm.s32 $0x1  }
0x7: {  	s22 =	simm.s32 $0x2;
	s24 =	simm.s32 $0x3;
	s28 =	simm.s32 $0x5  }
0x8: {  	s29 =	simm.s32 $0x6;
	s30 =	simm.s32 $0x7;
	s31 =	simm.s32 $0x8  }
0x9: {  	s19 =	simm.s32 $0x9F80;
	s3 =	smul.u32 $0xA00, s9;
	s1 =	sand.u32 $0x1, s1  }
0xa: {  	[smem:$0x7FF] =	sst s4;
	s8 =	smul.u32 $0xA000, s9;
	p0 =	sne.s32 s9, $0x0  }
0xb: {  	s5 =	smul.u32 $0x14000, s1;
	_ =	strace $0x8000004D;
	s1 =	ssub.s32 $0x2, s1  }
0xc: {  	s9 =	sshrl.u32 @!p0 s2, $0x3;
	s3 =	sadd.s32 s3, s0;
	s25 =	sshrl.u32 s1, $0x1  }
0xd: {  	s26 =	sshrl.u32 s8, $0x3;
	s11 =	sadd.s32 s8, s2;
	s0 =	sadd.s32 s5, s0  }
0xe: {  	s1 =	ssub.s32 s1, s25;
	s5 =	sadd.s32 $0x4200, s3;
	s6 =	sadd.s32 $0xE200, s3  }
0xf: {  	s25 =	sshrl.u32 s11, $0x3;
	s11 =	simm.s32 $0x0;
	s7 =	sadd.s32 $0x68200, s0  }
0x10: {  	s0 =	sadd.s32 $0x90200, s0;
	s8 =	smax.u32 s1, $0x1;
	s1 =	simm.s32 $0xA  }
0x11: {  	s23 =	sadd.s32 s26, s0;
	s26 =	simm.s32 $0x4;
	s0 =	simm.s32 $0x9  }
.LBB2_1:
0x12: {  	s3 =	simm.s32 @!p0 $0x1C0B;
	s15 =	rddreg [dreg:$0x1]  }
0x13: {  	[spmem:s9], [sflag:s3] =	dma.local @!p0 [hbm:s15], $0x14000  }
0x14: {  	s3 =	simm.s32 @!p0 $0xB  }
0x15: {  	_ =	swait.ge @!p0 [sflag:s3], $0x14000  }
0x16: {  	[sflag:s3] =	ssyncset.done @!p0 $0x0  }
0x17: {  	[sflag:s3] =	ssyncadd.s32 @!p0 $0xFFFEC000  }
0x18: {  	[bflag:$0x0] =	sbarrier.arrive $0xFFFF  }
0x19: {  	[tilespmem:s4], [sflag:$0xB] =	stream.linear.gather [hbm4b:s5+s4], $0x5000, $0x38;
	[tilespmem:$0x1E000] =	vst v63  }
0x1a: {  	_ =	swait.ge [sflag:s10], $0x5000  }
0x1b: {  	[sflag:s10] =	ssyncset.done $0x0  }
0x1c: {  	s17 =	simm.s32 $0x5000;
	[sflag:s10] =	ssyncadd.s32 $0xFFFFB000  }
0x1d: {  	[tilespmem:s17], [sflag:$0xB] =	stream.linear.gather [hbm4b:s6+s4], $0x5000, $0x38;
	[tilespmem:$0x1E000] =	vst v63  }
0x1e: {  	_ =	swait.ge [sflag:s10], $0x5000  }
0x1f: {  	[sflag:s10] =	ssyncset.done $0x0  }
0x20: {  	[sflag:s10] =	ssyncadd.s32 $0xFFFFB000  }
0x21: {  	[tilespmem:s13], [sflag:$0x1] =	stream.indirect.gather [hbm4b:s7+s12], $0x40, s4, s12, $0xb8;
	[tilespmem:$0x1E000] =	vst v63  }
0x22: {  	_ = 	snop  }
0x23: {  	[tilespmem:s14], [sflag:$0x2] =	stream.indirect.gather [hbm4b:s7+s12], $0x40, s12, s12, $0xb8;
	[tilespmem:$0x1E000] =	vst v63  }
0x24: {  	s15 =	simm.s32 $0x100  }
0x25: {  	[tilespmem:s16], [sflag:$0x3] =	stream.indirect.gather [hbm4b:s7+s12], $0x40, s15, s12, $0xb8;
	[tilespmem:$0x1E000] =	vst v63  }
0x26: {  	s17 =	simm.s32 $0x180  }
0x27: {  	[tilespmem:s18], [sflag:$0x4] =	stream.indirect.gather [hbm4b:s7+s12], $0x40, s17, s12, $0xb8;
	[tilespmem:$0x1E000] =	vst v63  }
0x28: {  	s15 =	simm.s32 $0x200  }
0x29: {  	[tilespmem:s20], [sflag:$0x5] =	stream.indirect.gather [hbm4b:s7+s12], $0x40, s15, s12, $0xb8;
	[tilespmem:$0x1E000] =	vst v63  }
0x2a: {  	_ =	swait.ge [sflag:s21], $0x2000  }
0x2b: {  	[sflag:s21] =	ssyncset.done $0x0  }
0x2c: {  	s17 =	simm.s32 $0x5000;
	[sflag:s21] =	ssyncadd.s32 $0xFFFFE000  }
0x2d: {  	[spmem:s2] =	stream.indirect.scatter.add.f32 [tilespmem:s13], [sflag:$0x6], $0x40, s17, s12, $0xb8;
	[tilespmem:$0x1E000] =	vst v63  }
0x2e: {  	_ =	swait.ge [sflag:s22], $0x2000  }
0x2f: {  	[sflag:s22] =	ssyncset.done $0x0  }
0x30: {  	s15 =	simm.s32 $0x5080;
	[sflag:s22] =	ssyncadd.s32 $0xFFFFE000  }
0x31: {  	[spmem:s2] =	stream.indirect.scatter.add.f32 [tilespmem:s14], [sflag:$0x7], $0x40, s15, s12, $0xb8;
	[tilespmem:$0x1E000] =	vst v63  }
0x32: {  	_ =	swait.ge [sflag:s24], $0x2000  }
0x33: {  	[sflag:s24] =	ssyncset.done $0x0  }
0x34: {  	s17 =	simm.s32 $0x5100;
	[sflag:s24] =	ssyncadd.s32 $0xFFFFE000  }
0x35: {  	[spmem:s2] =	stream.indirect.scatter.add.f32 [tilespmem:s16], [sflag:$0x8], $0x40, s17, s12, $0xb8;
	[tilespmem:$0x1E000] =	vst v63  }
0x36: {  	_ =	swait.ge [sflag:s26], $0x2000  }
0x37: {  	[sflag:s26] =	ssyncset.done $0x0  }
0x38: {  	s15 =	simm.s32 $0x5180;
	[sflag:s26] =	ssyncadd.s32 $0xFFFFE000  }
0x39: {  	[spmem:s2] =	stream.indirect.scatter.add.f32 [tilespmem:s18], [sflag:$0x9], $0x40, s15, s12, $0xb8;
	[tilespmem:$0x1E000] =	vst v63  }
0x3a: {  	_ =	swait.ge [sflag:s28], $0x2000  }
0x3b: {  	[sflag:s28] =	ssyncset.done $0x0  }
0x3c: {  	s17 =	simm.s32 $0x5200;
	[sflag:s28] =	ssyncadd.s32 $0xFFFFE000  }
0x3d: {  	[spmem:s2] =	stream.indirect.scatter.add.f32 [tilespmem:s20], [sflag:$0xA], $0x40, s17, s12, $0xb8;
	[tilespmem:$0x1E000] =	vst v63  }
0x3e: {  	_ =	swait.ge [sflag:s29], $0x2000  }
0x3f: {  	[sflag:s29] =	ssyncset.done $0x0  }
0x40: {  	s15 =	simm.s32 $0x280;
	[sflag:s29] =	ssyncadd.s32 $0xFFFFE000  }
0x41: {  	[tilespmem:s13], [sflag:$0x1] =	stream.indirect.gather [hbm4b:s7+s12], $0x40, s15, s12, $0xb8;
	[tilespmem:$0x1E000] =	vst v63  }
0x42: {  	_ =	swait.ge [sflag:s30], $0x2000  }
0x43: {  	[sflag:s30] =	ssyncset.done $0x0  }
0x44: {  	s17 =	simm.s32 $0x300;
	[sflag:s30] =	ssyncadd.s32 $0xFFFFE000  }
0x45: {  	[tilespmem:s14], [sflag:$0x2] =	stream.indirect.gather [hbm4b:s7+s12], $0x40, s17, s12, $0xb8;
	[tilespmem:$0x1E000] =	vst v63  }
0x46: {  	_ =	swait.ge [sflag:s31], $0x2000  }
0x47: {  	[sflag:s31] =	ssyncset.done $0x0  }
0x48: {  	s15 =	simm.s32 $0x380;
	[sflag:s31] =	ssyncadd.s32 $0xFFFFE000  }
0x49: {  	[tilespmem:s16], [sflag:$0x3] =	stream.indirect.gather [hbm4b:s7+s12], $0x40, s15, s12, $0xb8;
	[tilespmem:$0x1E000] =	vst v63  }
0x4a: {  	_ =	swait.ge [sflag:s0], $0x2000  }
0x4b: {  	[sflag:s0] =	ssyncset.done $0x0  }
0x4c: {  	s17 =	simm.s32 $0x400;
	[sflag:s0] =	ssyncadd.s32 $0xFFFFE000  }
0x4d: {  	[tilespmem:s18], [sflag:$0x4] =	stream.indirect.gather [hbm4b:s7+s12], $0x40, s17, s12, $0xb8;
	[tilespmem:$0x1E000] =	vst v63  }
0x4e: {  	_ =	swait.ge [sflag:s1], $0x2000  }
0x4f: {  	[sflag:s1] =	ssyncset.done $0x0  }
0x50: {  	s3 =	simm.s32 $0xA00;
	s15 =	simm.s32 $0x480;
	[sflag:s1] =	ssyncadd.s32 $0xFFFFE000  }
.LBB2_2:
0x51: {  	[tilespmem:s20], [sflag:$0x5] =	stream.indirect.gather [hbm4b:s7+s12], $0x40, s15, s12, $0xb8;
	[tilespmem:$0x1E000] =	vst v63  }
0x52: {  	s15 =	smov.u32 s3  }
0x53: {  	p1 =	sne.s32 s3, $0x12C00;
	s3 =	sadd.s32 $0xA00, s3;
	_ =	swait.ge [sflag:s21], $0x2000  }
0x54: {  	s15 =	sshra.s32 s15, $0x2;
	[sflag:s21] =	ssyncset.done $0x0  }
0x55: {  	s17 =	sadd.s32 $0x5000, s15;
	[sflag:s21] =	ssyncadd.s32 $0xFFFFE000  }
0x56: {  	[spmem:s2] =	stream.indirect.scatter.add.f32 [tilespmem:s13], [sflag:$0x6], $0x40, s17, s12, $0xb8;
	[tilespmem:$0x1E000] =	vst v63  }
0x57: {  	_ =	swait.ge [sflag:s22], $0x2000  }
0x58: {  	[sflag:s22] =	ssyncset.done $0x0  }
0x59: {  	s17 =	sadd.s32 $0x5080, s15;
	[sflag:s22] =	ssyncadd.s32 $0xFFFFE000  }
0x5a: {  	[spmem:s2] =	stream.indirect.scatter.add.f32 [tilespmem:s14], [sflag:$0x7], $0x40, s17, s12, $0xb8;
	[tilespmem:$0x1E000] =	vst v63  }
0x5b: {  	_ =	swait.ge [sflag:s24], $0x2000  }
0x5c: {  	[sflag:s24] =	ssyncset.done $0x0  }
0x5d: {  	s17 =	sadd.s32 $0x5100, s15;
	[sflag:s24] =	ssyncadd.s32 $0xFFFFE000  }
0x5e: {  	[spmem:s2] =	stream.indirect.scatter.add.f32 [tilespmem:s16], [sflag:$0x8], $0x40, s17, s12, $0xb8;
	[tilespmem:$0x1E000] =	vst v63  }
0x5f: {  	_ =	swait.ge [sflag:s26], $0x2000  }
0x60: {  	[sflag:s26] =	ssyncset.done $0x0  }
0x61: {  	s17 =	sadd.s32 $0x5180, s15;
	[sflag:s26] =	ssyncadd.s32 $0xFFFFE000  }
0x62: {  	[spmem:s2] =	stream.indirect.scatter.add.f32 [tilespmem:s18], [sflag:$0x9], $0x40, s17, s12, $0xb8;
	[tilespmem:$0x1E000] =	vst v63  }
0x63: {  	_ =	swait.ge [sflag:s28], $0x2000  }
0x64: {  	[sflag:s28] =	ssyncset.done $0x0  }
0x65: {  	s17 =	sadd.s32 $0x5200, s15;
	[sflag:s28] =	ssyncadd.s32 $0xFFFFE000  }
0x66: {  	[spmem:s2] =	stream.indirect.scatter.add.f32 [tilespmem:s20], [sflag:$0xA], $0x40, s17, s12, $0xb8;
	[tilespmem:$0x1E000] =	vst v63  }
0x67: {  	_ =	swait.ge [sflag:s29], $0x2000  }
0x68: {  	[sflag:s29] =	ssyncset.done $0x0  }
0x69: {  	s17 =	sadd.s32 $0x280, s15;
	[sflag:s29] =	ssyncadd.s32 $0xFFFFE000  }
0x6a: {  	[tilespmem:s13], [sflag:$0x1] =	stream.indirect.gather [hbm4b:s7+s12], $0x40, s17, s12, $0xb8;
	[tilespmem:$0x1E000] =	vst v63  }
0x6b: {  	_ =	swait.ge [sflag:s30], $0x2000  }
0x6c: {  	[sflag:s30] =	ssyncset.done $0x0  }
0x6d: {  	s17 =	sadd.s32 $0x300, s15;
	[sflag:s30] =	ssyncadd.s32 $0xFFFFE000  }
0x6e: {  	[tilespmem:s14], [sflag:$0x2] =	stream.indirect.gather [hbm4b:s7+s12], $0x40, s17, s12, $0xb8;
	[tilespmem:$0x1E000] =	vst v63  }
0x6f: {  	_ =	swait.ge [sflag:s31], $0x2000  }
0x70: {  	[sflag:s31] =	ssyncset.done $0x0  }
0x71: {  	s17 =	sadd.s32 $0x380, s15;
	[sflag:s31] =	ssyncadd.s32 $0xFFFFE000  }
0x72: {  	[tilespmem:s16], [sflag:$0x3] =	stream.indirect.gather [hbm4b:s7+s12], $0x40, s17, s12, $0xb8;
	[tilespmem:$0x1E000] =	vst v63  }
0x73: {  	_ =	swait.ge [sflag:s0], $0x2000  }
0x74: {  	[sflag:s0] =	ssyncset.done $0x0  }
.Ltmp0:
0x75: {  	s17 =	sadd.s32 $0x400, s15;
	[sflag:s0] =	ssyncadd.s32 $0xFFFFE000;
	(pc) =	sbr.rel @p1 .LBB2_2-.Ltmp0, $4  }
0x76: {  	[tilespmem:s18], [sflag:$0x4] =	stream.indirect.gather [hbm4b:s7+s12], $0x40, s17, s12, $0xb8;
	[tilespmem:$0x1E000] =	vst v63  }
0x77: {  	_ =	swait.ge [sflag:s1], $0x2000  }
0x78: {  	[sflag:s1] =	ssyncset.done $0x0  }
0x79: {  	s15 =	sadd.s32 $0x480, s15;
	[sflag:s1] =	ssyncadd.s32 $0xFFFFE000  }
0x7a: {  	[tilespmem:s20], [sflag:$0x5] =	stream.indirect.gather [hbm4b:s7+s12], $0x40, s15, s12, $0xb8;
	[tilespmem:$0x1E000] =	vst v63  }
0x7b: {  	_ =	swait.ge [sflag:s21], $0x2000  }
0x7c: {  	[sflag:s21] =	ssyncset.done $0x0  }
0x7d: {  	s3 =	simm.s32 $0x9D80;
	[sflag:s21] =	ssyncadd.s32 $0xFFFFE000  }
0x7e: {  	[spmem:s2] =	stream.indirect.scatter.add.f32 [tilespmem:s13], [sflag:$0x6], $0x40, s3, s12, $0xb8;
	[tilespmem:$0x1E000] =	vst v63  }
0x7f: {  	_ =	swait.ge [sflag:s22], $0x2000  }
0x80: {  	[sflag:s22] =	ssyncset.done $0x0  }
0x81: {  	s15 =	simm.s32 $0x9E00;
	[sflag:s22] =	ssyncadd.s32 $0xFFFFE000  }
0x82: {  	[spmem:s2] =	stream.indirect.scatter.add.f32 [tilespmem:s14], [sflag:$0x7], $0x40, s15, s12, $0xb8;
	[tilespmem:$0x1E000] =	vst v63  }
0x83: {  	_ =	swait.ge [sflag:s24], $0x2000  }
0x84: {  	[sflag:s24] =	ssyncset.done $0x0  }
0x85: {  	s17 =	simm.s32 $0x9E80;
	[sflag:s24] =	ssyncadd.s32 $0xFFFFE000  }
0x86: {  	[spmem:s2] =	stream.indirect.scatter.add.f32 [tilespmem:s16], [sflag:$0x8], $0x40, s17, s12, $0xb8;
	[tilespmem:$0x1E000] =	vst v63  }
0x87: {  	_ =	swait.ge [sflag:s26], $0x2000  }
0x88: {  	[sflag:s26] =	ssyncset.done $0x0  }
0x89: {  	s15 =	simm.s32 $0x9F00;
	[sflag:s26] =	ssyncadd.s32 $0xFFFFE000  }
0x8a: {  	[spmem:s2] =	stream.indirect.scatter.add.f32 [tilespmem:s18], [sflag:$0x9], $0x40, s15, s12, $0xb8;
	[tilespmem:$0x1E000] =	vst v63  }
0x8b: {  	_ =	swait.ge [sflag:s28], $0x2000  }
0x8c: {  	[sflag:s28] =	ssyncset.done $0x0  }
0x8d: {  	[sflag:s28] =	ssyncadd.s32 $0xFFFFE000  }
0x8e: {  	[spmem:s2] =	stream.indirect.scatter.add.f32 [tilespmem:s20], [sflag:$0xA], $0x40, s19, s12, $0xb8;
	[tilespmem:$0x1E000] =	vst v63  }
0x8f: {  	_ =	swait.ge [sflag:s29], $0x2000  }
0x90: {  	[sflag:s29] =	ssyncset.done $0x0  }
0x91: {  	[sflag:s29] =	ssyncadd.s32 $0xFFFFE000  }
0x92: {  	_ =	swait.ge [sflag:s30], $0x2000  }
0x93: {  	[sflag:s30] =	ssyncset.done $0x0  }
0x94: {  	[sflag:s30] =	ssyncadd.s32 $0xFFFFE000  }
0x95: {  	_ =	swait.ge [sflag:s31], $0x2000  }
0x96: {  	[sflag:s31] =	ssyncset.done $0x0  }
0x97: {  	[sflag:s31] =	ssyncadd.s32 $0xFFFFE000  }
0x98: {  	_ =	swait.ge [sflag:s0], $0x2000  }
0x99: {  	[sflag:s0] =	ssyncset.done $0x0  }
0x9a: {  	[sflag:s0] =	ssyncadd.s32 $0xFFFFE000  }
0x9b: {  	_ =	swait.ge [sflag:s1], $0x2000  }
0x9c: {  	s11 =	sadd.s32 $0x1, s11;
	s17 =	stileid.u32;
	[sflag:s1] =	ssyncset.done $0x0  }
0x9d: {  	p1 =	sne.s32 s11, s8;
	s3 =	sshll.u32 s17, $0x6;
	[sflag:s1] =	ssyncadd.s32 $0xFFFFE000  }
.Ltmp1:
0x9e: {  	s3 =	sor.u32 $0x1C0B, s3;
	[bflag:$0x0] =	sbarrier.arrive $0xFFFF;
	(pc) =	sbr.rel @p1 .LBB2_1-.Ltmp1, $4  }
0x9f: {  	[hbm:s23], [sflag:s3] =	dma.local [spmem:s25], $0x1400  }
0xa0: {  	_ =	swait.ge [sflag:s10], $0x1400  }
0xa1: {  	[sflag:s10] =	ssyncset.done $0x0  }
0xa2: {  	[sflag:s10] =	ssyncadd.s32 $0xFFFFEC00  }
0xa3: {  	_ =	sfence.sel $0x180000  }
0xa4: {  	[bflag:$0x0] =	sbarrier.arrive $0xFFFF  }
0xa5: {  	_ =	strace $0x9000004D  }
0xa6: {  	[bflag:$0x2] =	sbarrier.arrive $0xFFFF  }
0xa7: {  	s0 =	rddreg [dreg:$0x3]  }
0xa8: {  	s0 =	sadd.s32 @!p0 $0x100000, s0  }
0xa9: {  	[sflag:s0] =	ssyncadd.tile.s32 @!p0 $0x1;
	_ =	shalt  }
.Lfunc_end2:
_tile_overlayer_lowered:
.L_overlay_start_2:
0xaa: {  	(tag) =	ssettag $0x2  }
0xab: {  	s0 =	rddreg [dreg:$0x0];
	s2 =	stileid.u32  }
0xac: {  	s1 =	rddreg [dreg:$0x1];
	p0 =	sne.s32 s2, $0x0  }
0xad: {  	s3 =	rddreg [dreg:$0x2];
	[bflag:$0x3] =	sbarrier.arrive $0xFFFF;
	s2 =	simm.s32 @!p0 $0x1C0B  }
0xae: {  	[timem:s3], [sflag:s2] =	dma.local @!p0 [hbm:s0], s1  }
0xaf: {  	s0 =	simm.s32 @!p0 $0xB  }
0xb0: {  	_ =	swait.ge @!p0 [sflag:s0], s1  }
0xb1: {  	s1 =	ssub.s32 @!p0 $0x0, s1;
	[sflag:s0] =	ssyncset.done @!p0 $0x0  }
0xb2: {  	[sflag:s0] =	ssyncadd.s32 @!p0 s1  }
0xb3: {  	[bflag:$0x3] =	sbarrier.arrive $0xFFFF  }
0xb4: {  	_ =	shalt  }

// kernel: kernel.19.cloned.1.call-start
scs
__scs_entry_jumppad:
0x0: {  	(pc) =	sbr.rel $0x88, $3  }
0x1: {  	(tag) =	ssettag $0x0;
	lr =	simm.s32 $0x1  }
0x2: {  	[smem:$0x3F8B] =	sst lr;
	_ =	strace $0xD0000000  }
0x3: {  	_ = 	snop  }
0x4: {  	_ = 	snop  }
0x5: {  	_ = 	snop  }
0x6: {  	_ = 	snop  }
0x7: {  	_ = 	snop  }
__scs_overlays_trampoline_lowered:
0x8: {  	[smem:$0x3F9A] =	sst s0  }
0x9: {  	[smem:$0x3F9B] =	sst s1  }
0xa: {  	[smem:$0x3F9C] =	sst s2  }
0xb: {  	[smem:$0x3F9D] =	sst s3  }
0xc: {  	[smem:$0x3F9E] =	sst s4  }
0xd: {  	[smem:$0x3F9F] =	sst s5  }
0xe: {  	[smem:$0x3FA0] =	sst s6  }
0xf: {  	[smem:$0x3FA1] =	sst s7  }
0x10: {  	[smem:$0x3FA2] =	sst s8  }
0x11: {  	[smem:$0x3FA3] =	sst s9;
	s0 =	simm.s32 @!p0 $0x0  }
0x12: {  	s1 =	sld [smem:$0x3F89];
	s0 =	simm.s32 @p0 $0x1  }
0x13: {  	[smem:$0x3FA4] =	sst s0;
	s0 =	simm.s32 @!p1 $0x0  }
0x14: {  	s2 =	sld [smem:$0x3F88];
	s0 =	simm.s32 @p1 $0x1  }
0x15: {  	[smem:$0x3FA5] =	sst s0;
	s0 =	simm.s32 @!p2 $0x0  }
0x16: {  	s3 =	sld [smem:$0x3FDB];
	s0 =	simm.s32 @p2 $0x1  }
0x17: {  	s4 =	simm.s32 $0x1BF5;
	[smem:$0x3FA7] =	sst s0  }
0x18: {  	s0 =	sld [smem:$0x3F8A];
	_ =	swait.ge [sflag:s4], $0x0  }
0x19: {  	s7 =	sld [smem:$0x3F8B]  }
0x1a: {  	s8 =	sadd.s32 $0xFFFFE003, lr  }
0x1b: {  	s9 =	sadd.s32 $0xFFFFFEF7, lr;
	s5 =	simm.s32 $0xFFFFFFFF;
	p2 =	slt.u32 s8, $0xFFFFF086  }
0x1c: {  	p1 =	slt.u32 s9, $0xF7A;
	s5 =	simm.s32 @!p2 $0x0  }
0x1d: {  	s5 =	simm.s32 @p1 $0x1;
	p0 =	seq.s32 s7, s2  }
0x1e: {  	s7 =	smul.u32 @!p0 $0xF7A, s2;
	p2 =	seq.s32 @!p0 s5, $0x0  }
0x1f: {  	s9 =	smul.u32 $0xF7A, s1;
	s8 =	simm.s32 @!p0 $0x1BF5;
	p2 =	por !p2, p0  }
0x20: {  	[sflag:s8] =	ssyncset.s32 @!p0 $0xFFFFF086;
	s6 =	sadd.s32 @!p0 s3, s7;
	s7 =	simm.s32 @!p0 $0x108  }
0x21: {  	s3 =	sadd.s32 s3, s9;
	s6 =	sadd.s32 @!p0 $0x88, s6;
	s7 =	simm.s32 @p2 $0x1082  }
0x22: {  	[simem:s7], [sflag:s8] =	dma.local @!p0 [hbm:s6], $0xF7A  }
0x23: {  	s9 =	sor.u32 $0xD0000000, s2;
	s6 =	simm.s32 $0x108;
	_ =	swait.ge @!p0 [sflag:s8], $0x0  }
0x24: {  	s3 =	sadd.s32 $0x88, s3;
	s6 =	simm.s32 @!p1 $0x1082;
	[sflag:s4] =	ssyncset.s32 $0xFFFFF086  }
0x25: {  	[simem:s6], [sflag:s4] =	dma.local [hbm:s3], $0xF7A  }
0x26: {  	[smem:$0x3F8B] =	sst s1;
	(tag) =	ssettag s2;
	_ =	strace s9  }
0x27: {  	s1 =	sld [smem:$0x3F9B]  }
0x28: {  	s2 =	sld [smem:$0x3F9C]  }
0x29: {  	s4 =	sld [smem:$0x3F9E]  }
0x2a: {  	p0 =	seq.s32 s5, $0x0;
	s5 =	sld [smem:$0x3F9F]  }
0x2b: {  	s6 =	sld [smem:$0x3FA0]  }
0x2c: {  	s7 =	sld [smem:$0x3FA1]  }
0x2d: {  	s3 =	simm.s32 $0x108;
	s8 =	sld [smem:$0x3FA2]  }
0x2e: {  	s3 =	simm.s32 @!p0 $0x1082;
	s9 =	sld [smem:$0x3FA3]  }
0x2f: {  	lr =	sadd.s32 s0, s3;
	s0 =	sld [smem:$0x3F9A]  }
0x30: {  	s3 =	sld [smem:$0x3F9D]  }
0x31: {  	[smem:$0x3FA6] =	sst s10  }
0x32: {  	s10 =	sld [smem:$0x3FA4];
	_ =	sdelay $0x3  }
0x33: {  	p0 =	seq.s32 s10, $0x1;
	s10 =	sld [smem:$0x3FA6];
	_ =	sdelay $0x3  }
0x34: {  	[smem:$0x3FA6] =	sst s10  }
0x35: {  	s10 =	sld [smem:$0x3FA5];
	_ =	sdelay $0x3  }
0x36: {  	p1 =	seq.s32 s10, $0x1;
	s10 =	sld [smem:$0x3FA6];
	_ =	sdelay $0x3  }
0x37: {  	[smem:$0x3FA6] =	sst s10  }
0x38: {  	s10 =	sld [smem:$0x3FA7]  }
0x39: {  	_ = 	snop;
	(pc) =	sbr.ind lr, $3  }
0x3a: {  	_ = 	snop  }
0x3b: {  	_ = 	snop  }
0x3c: {  	p2 =	seq.s32 s10, $0x1;
	s10 =	sld [smem:$0x3FA6]  }
0x3d: {  	_ =	shalt  }
0x3e: {  	_ =	shalt  }
0x3f: {  	_ =	shalt  }
0x40: {  	_ =	shalt  }
0x41: {  	_ =	shalt  }
0x42: {  	_ =	shalt  }
0x43: {  	_ =	shalt  }
0x44: {  	_ =	shalt  }
0x45: {  	_ =	shalt  }
0x46: {  	_ =	shalt  }
0x47: {  	_ =	shalt  }
0x48: {  	_ =	shalt  }
0x49: {  	_ =	shalt  }
0x4a: {  	_ =	shalt  }
0x4b: {  	_ =	shalt  }
0x4c: {  	_ =	shalt  }
0x4d: {  	_ =	shalt  }
0x4e: {  	_ =	shalt  }
0x4f: {  	_ =	shalt  }
0x50: {  	_ =	shalt  }
0x51: {  	_ =	shalt  }
0x52: {  	_ =	shalt  }
0x53: {  	_ =	shalt  }
0x54: {  	_ =	shalt  }
0x55: {  	_ =	shalt  }
0x56: {  	_ =	shalt  }
0x57: {  	_ =	shalt  }
0x58: {  	_ =	shalt  }
0x59: {  	_ =	shalt  }
0x5a: {  	_ =	shalt  }
0x5b: {  	_ =	shalt  }
0x5c: {  	_ =	shalt  }
0x5d: {  	_ =	shalt  }
0x5e: {  	_ =	shalt  }
0x5f: {  	_ =	shalt  }
0x60: {  	_ =	shalt  }
0x61: {  	_ =	shalt  }
0x62: {  	_ =	shalt  }
0x63: {  	_ =	shalt  }
0x64: {  	_ =	shalt  }
0x65: {  	_ =	shalt  }
0x66: {  	_ =	shalt  }
0x67: {  	_ =	shalt  }
0x68: {  	_ =	shalt  }
0x69: {  	_ =	shalt  }
0x6a: {  	_ =	shalt  }
0x6b: {  	_ =	shalt  }
0x6c: {  	_ =	shalt  }
0x6d: {  	_ =	shalt  }
0x6e: {  	_ =	shalt  }
0x6f: {  	_ =	shalt  }
0x70: {  	_ =	shalt  }
0x71: {  	_ =	shalt  }
0x72: {  	_ =	shalt  }
0x73: {  	_ =	shalt  }
0x74: {  	_ =	shalt  }
0x75: {  	_ =	shalt  }
0x76: {  	_ =	shalt  }
0x77: {  	_ =	shalt  }
0x78: {  	_ =	shalt  }
0x79: {  	_ =	shalt  }
0x7a: {  	_ =	shalt  }
0x7b: {  	_ =	shalt  }
0x7c: {  	_ =	shalt  }
0x7d: {  	_ =	shalt  }
0x7e: {  	_ =	shalt  }
0x7f: {  	_ =	shalt  }
0x80: {  	_ =	shalt  }
0x81: {  	_ =	shalt  }
0x82: {  	_ =	shalt  }
0x83: {  	_ =	shalt  }
0x84: {  	_ =	shalt  }
0x85: {  	_ =	shalt  }
0x86: {  	_ =	shalt  }
0x87: {  	_ =	shalt  }
.Lfunc_end0:
.L_simem_size_0:
called_computation.3_lowered:
.L_overlay_start_0:
0x88: {  	s2 =	sld [smem:$0x3FD9]  }
0x89: {  	s3 =	sld [smem:$0x3FFE];
	_ =	sdelay $0x1  }
0x8a: {  	s1 =	srdreg.scid  }
0x8b: {  	s0 =	sand.u32 $0x1, s1  }
0x8c: {  	s14 =	sshll.u32 s0, $0xA;
	s2 =	sadd.s32 s3, s2  }
0x8d: {  	s2 =	sadd.s32 s2, s14  }
0x8e: {  	[smem:$0x3FB2] =	sst s2  }
0x8f: {  	_ = 	snop  }
0x90: {  	s2 =	sld [smem:$0x3FD0];
	_ =	sdelay $0x2  }
0x91: {  	s15 =	simm.s32 $0xA;
	s4 =	simm.s32 $0x10  }
0x92: {  	[smem:s4], [sflag:s15] =	dma.local [hbm:s2], $0x1  }
0x93: {  	_ =	swait.eq [sflag:s15], $0x1  }
0x94: {  	[sflag:s15] =	ssyncset.done $0x0  }
0x95: {  	[sflag:s15] =	ssyncadd.s32 $0xFFFFFFFF  }
0x96: {  	s16 =	sld [smem:$0x10];
	(tm) =	ssettm $0x1  }
0x97: {  	s17 =	sld [smem:$0x3FFB];
	_ =	sdelay $0x3  }
0x98: {  	_ =	strace s17  }
0x99: {  	s3 =	sld [smem:$0x3FFC];
	_ =	sdelay $0x3  }
0x9a: {  	_ =	strace s3  }
0x9b: {  	s3 =	sld [smem:$0x3FFD];
	_ =	sdelay $0x3  }
0x9c: {  	_ =	strace s3  }
0x9d: {  	_ =	strace $0x8FFFFFFF  }
0x9e: {  	s18 =	sld [smem:$0x3FDB];
	_ =	sdelay $0x1  }
0x9f: {  	s19 =	simm.s32 $_scs_section_size  }
0xa0: {  	s5 =	simm.s32 $_size__tile_overlayer_lowered;
	s6 =	simm.s32 $_tile_overlayer_lowered  }
0xa1: {  	s22 =	simm.s32 $0x1BFF;
	s21 =	sshll.u32 s6, $0x1;
	s3 =	sadd.s32 s19, s18  }
0xa2: {  	s7 =	simm.s32 $0x0;
	s20 =	sshll.u32 s5, $0x1;
	s5 =	sadd.s32 s21, s3  }
0xa3: {  	[timem:s7], [sflag:s22] =	dma.local [hbm:s5], s20  }
0xa4: {  	_ =	swait.ge [sflag:s22], s20  }
0xa5: {  	s4 =	ssub.s32 $0x0, s20;
	[sflag:s22] =	ssyncset.done $0x0  }
0xa6: {  	[sflag:s22] =	ssyncadd.s32 s4;
	_ =	sdelay $0x1  }
0xa7: {  	s23 =	simm.s32 $0x1B8B  }
0xa8: {  	_ =	swait.ge [sflag:s23], $0x1  }
0xa9: {  	[sflag:s23] =	ssyncset.done $0x0  }
0xaa: {  	s25 =	simm.s32 $0x1B8E;
	s24 =	sld [smem:$0x3FFE];
	[sflag:s23] =	ssyncadd.s32 $0xFFFFFFFF  }
0xab: {  	s26 =	simm.s32 $execute0_lowered;
	[smem:$0x3FD2] =	sst s25  }
0xac: {  	s5 =	sshll.u32 s26, $0x1;
	_ =	strace $0x8000004F;
	[dreg:$0x1] =	wrdreg $0xFFFFFFFF  }
0xad: {  	s28 =	simm.s32 $_size_execute0_lowered;
	s3 =	sadd.s32 s3, s5;
	[dreg:$0x0] =	wrdreg $0x0  }
0xae: {  	s5 =	sshll.u32 s28, $0x1;
	[dreg:$0x2] =	wrdreg s3  }
0xaf: {  	[dreg:$0x3] =	wrdreg s5  }
0xb0: {  	[dreg:$0x4] =	wrdreg $0xC0  }
0xb1: {  	_ =	task [dreg:s7], $0x5FFFF  }
0xb2: {  	[dreg:$0x1] =	wrdreg $0xFFFFFFFF  }
0xb3: {  	[dreg:$0x0] =	wrdreg $0x60  }
0xb4: {  	[dreg:$0x2] =	wrdreg s24  }
0xb5: {  	[dreg:$0x3] =	wrdreg s16  }
0xb6: {  	[dreg:$0x4] =	wrdreg $0x140000  }
0xb7: {  	[dreg:$0x5] =	wrdreg $0x9  }
0xb8: {  	_ =	task.clear_ibuf [dreg:s7], $0x6FFFF;
	_ =	strace $0x9000004F  }
0xb9: {  	s29 =	simm.s32 $0x9;
	_ =	strace $0x80000051  }
0xba: {  	_ =	swait.ge [sflag:s29], $0x1  }
0xbb: {  	[sflag:s29] =	ssyncadd.s32 $0xFFFFFFFF  }
0xbc: {  	_ =	strace $0x90000051  }
0xbd: {  	_ =	sfence  }
0xbe: {  	s30 =	sld [smem:$0x0];
	_ =	sdelay $0x2  }
0xbf: {  	s31 =	sshll.u32 s1, $0xD;
	s1 =	sshrl.u32 s1, $0x2  }
0xc0: {  	s3 =	sand.u32 $0x4000, s31;
	s1 =	sadd.s32 s1, s30  }
0xc1: {  	s0 =	sor.u32 s3, s0;
	s1 =	sshll.u32 s1, $0x11  }
0xc2: {  	s0 =	sor.u32 s1, s0  }
0xc3: {  	s0 =	sadd.s32 $0x8F2B, s0  }
0xc4: {  	[sflag:s0] =	ssyncadd.remote.s32 $0x1  }
0xc5: {  	_ =	sfence.sel $0xFFFF  }
0xc6: {  	[dreg:$0x0] =	wrdreg $0xFFFFFFFF;
	(pc) =	sbr.abs _section_cstart, $3  }
0xc7: {  	[dreg:$0x1] =	wrdreg $0xFFFFFFFF  }
0xc8: {  	_ =	task.clear_ibuf [dreg:s7], $0x2FFFF;
	_ =	strace $0x9FFFFFFF  }
0xc9: {  	(tm) =	ssettm $0x7FFFFFFF  }
tec
execute0_lowered:
.L_overlay_start_1:
0x0: {  	(tag) =	ssettag $0x1  }
0x1: {  	s0 =	rddreg [dreg:$0x0]  }
0x2: {  	s2 =	rddreg [dreg:$0x2]  }
0x3: {  	s9 =	stileid.u32;
	s1 =	srdreg.scid  }
0x4: {  	s4 =	simm.s32 $0x0;
	s10 =	simm.s32 $0xB;
	s12 =	simm.s32 $0x80  }
0x5: {  	s13 =	simm.s32 $0xA000;
	s14 =	simm.s32 $0xC000;
	s16 =	simm.s32 $0xE000  }
0x6: {  	s18 =	simm.s32 $0x10000;
	s20 =	simm.s32 $0x12000;
	s21 =	simm.s32 $0x1  }
0x7: {  	s22 =	simm.s32 $0x2;
	s24 =	simm.s32 $0x3;
	s28 =	simm.s32 $0x5  }
0x8: {  	s29 =	simm.s32 $0x6;
	s30 =	simm.s32 $0x7;
	s31 =	simm.s32 $0x8  }
0x9: {  	s19 =	simm.s32 $0x9F80;
	s3 =	smul.u32 $0xA00, s9;
	s1 =	sand.u32 $0x1, s1  }
0xa: {  	[smem:$0x7FF] =	sst s4;
	s8 =	smul.u32 $0xA000, s9;
	p0 =	sne.s32 s9, $0x0  }
0xb: {  	s5 =	smul.u32 $0x14000, s1;
	_ =	strace $0x80000050;
	s1 =	ssub.s32 $0x2, s1  }
0xc: {  	s9 =	sshrl.u32 @!p0 s2, $0x3;
	s3 =	sadd.s32 s3, s0;
	s25 =	sshrl.u32 s1, $0x1  }
0xd: {  	s26 =	sshrl.u32 s8, $0x3;
	s11 =	sadd.s32 s8, s2;
	s0 =	sadd.s32 s5, s0  }
0xe: {  	s1 =	ssub.s32 s1, s25;
	s5 =	sadd.s32 $0x4200, s3;
	s6 =	sadd.s32 $0xE200, s3  }
0xf: {  	s25 =	sshrl.u32 s11, $0x3;
	s11 =	simm.s32 $0x0;
	s7 =	sadd.s32 $0x68200, s0  }
0x10: {  	s0 =	sadd.s32 $0x90200, s0;
	s8 =	smax.u32 s1, $0x1;
	s1 =	simm.s32 $0xA  }
0x11: {  	s23 =	sadd.s32 s26, s0;
	s26 =	simm.s32 $0x4;
	s0 =	simm.s32 $0x9  }
.LBB2_1:
0x12: {  	s3 =	simm.s32 @!p0 $0x1C0B;
	s15 =	rddreg [dreg:$0x1]  }
0x13: {  	[spmem:s9], [sflag:s3] =	dma.local @!p0 [hbm:s15], $0x14000  }
0x14: {  	s3 =	simm.s32 @!p0 $0xB  }
0x15: {  	_ =	swait.ge @!p0 [sflag:s3], $0x14000  }
0x16: {  	[sflag:s3] =	ssyncset.done @!p0 $0x0  }
0x17: {  	[sflag:s3] =	ssyncadd.s32 @!p0 $0xFFFEC000  }
0x18: {  	[bflag:$0x0] =	sbarrier.arrive $0xFFFF  }
0x19: {  	[tilespmem:s4], [sflag:$0xB] =	stream.linear.gather [hbm4b:s5+s4], $0x5000, $0x38;
	[tilespmem:$0x1E000] =	vst v63  }
0x1a: {  	_ =	swait.ge [sflag:s10], $0x5000  }
0x1b: {  	[sflag:s10] =	ssyncset.done $0x0  }
0x1c: {  	s17 =	simm.s32 $0x5000;
	[sflag:s10] =	ssyncadd.s32 $0xFFFFB000  }
0x1d: {  	[tilespmem:s17], [sflag:$0xB] =	stream.linear.gather [hbm4b:s6+s4], $0x5000, $0x38;
	[tilespmem:$0x1E000] =	vst v63  }
0x1e: {  	_ =	swait.ge [sflag:s10], $0x5000  }
0x1f: {  	[sflag:s10] =	ssyncset.done $0x0  }
0x20: {  	[sflag:s10] =	ssyncadd.s32 $0xFFFFB000  }
0x21: {  	[tilespmem:s13], [sflag:$0x1] =	stream.indirect.gather [hbm4b:s7+s12], $0x40, s4, s12, $0xb8;
	[tilespmem:$0x1E000] =	vst v63  }
0x22: {  	_ = 	snop  }
0x23: {  	[tilespmem:s14], [sflag:$0x2] =	stream.indirect.gather [hbm4b:s7+s12], $0x40, s12, s12, $0xb8;
	[tilespmem:$0x1E000] =	vst v63  }
0x24: {  	s15 =	simm.s32 $0x100  }
0x25: {  	[tilespmem:s16], [sflag:$0x3] =	stream.indirect.gather [hbm4b:s7+s12], $0x40, s15, s12, $0xb8;
	[tilespmem:$0x1E000] =	vst v63  }
0x26: {  	s17 =	simm.s32 $0x180  }
0x27: {  	[tilespmem:s18], [sflag:$0x4] =	stream.indirect.gather [hbm4b:s7+s12], $0x40, s17, s12, $0xb8;
	[tilespmem:$0x1E000] =	vst v63  }
0x28: {  	s15 =	simm.s32 $0x200  }
0x29: {  	[tilespmem:s20], [sflag:$0x5] =	stream.indirect.gather [hbm4b:s7+s12], $0x40, s15, s12, $0xb8;
	[tilespmem:$0x1E000] =	vst v63  }
0x2a: {  	_ =	swait.ge [sflag:s21], $0x2000  }
0x2b: {  	[sflag:s21] =	ssyncset.done $0x0  }
0x2c: {  	s17 =	simm.s32 $0x5000;
	[sflag:s21] =	ssyncadd.s32 $0xFFFFE000  }
0x2d: {  	[spmem:s2] =	stream.indirect.scatter.add.f32 [tilespmem:s13], [sflag:$0x6], $0x40, s17, s12, $0xb8;
	[tilespmem:$0x1E000] =	vst v63  }
0x2e: {  	_ =	swait.ge [sflag:s22], $0x2000  }
0x2f: {  	[sflag:s22] =	ssyncset.done $0x0  }
0x30: {  	s15 =	simm.s32 $0x5080;
	[sflag:s22] =	ssyncadd.s32 $0xFFFFE000  }
0x31: {  	[spmem:s2] =	stream.indirect.scatter.add.f32 [tilespmem:s14], [sflag:$0x7], $0x40, s15, s12, $0xb8;
	[tilespmem:$0x1E000] =	vst v63  }
0x32: {  	_ =	swait.ge [sflag:s24], $0x2000  }
0x33: {  	[sflag:s24] =	ssyncset.done $0x0  }
0x34: {  	s17 =	simm.s32 $0x5100;
	[sflag:s24] =	ssyncadd.s32 $0xFFFFE000  }
0x35: {  	[spmem:s2] =	stream.indirect.scatter.add.f32 [tilespmem:s16], [sflag:$0x8], $0x40, s17, s12, $0xb8;
	[tilespmem:$0x1E000] =	vst v63  }
0x36: {  	_ =	swait.ge [sflag:s26], $0x2000  }
0x37: {  	[sflag:s26] =	ssyncset.done $0x0  }
0x38: {  	s15 =	simm.s32 $0x5180;
	[sflag:s26] =	ssyncadd.s32 $0xFFFFE000  }
0x39: {  	[spmem:s2] =	stream.indirect.scatter.add.f32 [tilespmem:s18], [sflag:$0x9], $0x40, s15, s12, $0xb8;
	[tilespmem:$0x1E000] =	vst v63  }
0x3a: {  	_ =	swait.ge [sflag:s28], $0x2000  }
0x3b: {  	[sflag:s28] =	ssyncset.done $0x0  }
0x3c: {  	s17 =	simm.s32 $0x5200;
	[sflag:s28] =	ssyncadd.s32 $0xFFFFE000  }
0x3d: {  	[spmem:s2] =	stream.indirect.scatter.add.f32 [tilespmem:s20], [sflag:$0xA], $0x40, s17, s12, $0xb8;
	[tilespmem:$0x1E000] =	vst v63  }
0x3e: {  	_ =	swait.ge [sflag:s29], $0x2000  }
0x3f: {  	[sflag:s29] =	ssyncset.done $0x0  }
0x40: {  	s15 =	simm.s32 $0x280;
	[sflag:s29] =	ssyncadd.s32 $0xFFFFE000  }
0x41: {  	[tilespmem:s13], [sflag:$0x1] =	stream.indirect.gather [hbm4b:s7+s12], $0x40, s15, s12, $0xb8;
	[tilespmem:$0x1E000] =	vst v63  }
0x42: {  	_ =	swait.ge [sflag:s30], $0x2000  }
0x43: {  	[sflag:s30] =	ssyncset.done $0x0  }
0x44: {  	s17 =	simm.s32 $0x300;
	[sflag:s30] =	ssyncadd.s32 $0xFFFFE000  }
0x45: {  	[tilespmem:s14], [sflag:$0x2] =	stream.indirect.gather [hbm4b:s7+s12], $0x40, s17, s12, $0xb8;
	[tilespmem:$0x1E000] =	vst v63  }
0x46: {  	_ =	swait.ge [sflag:s31], $0x2000  }
0x47: {  	[sflag:s31] =	ssyncset.done $0x0  }
0x48: {  	s15 =	simm.s32 $0x380;
	[sflag:s31] =	ssyncadd.s32 $0xFFFFE000  }
0x49: {  	[tilespmem:s16], [sflag:$0x3] =	stream.indirect.gather [hbm4b:s7+s12], $0x40, s15, s12, $0xb8;
	[tilespmem:$0x1E000] =	vst v63  }
0x4a: {  	_ =	swait.ge [sflag:s0], $0x2000  }
0x4b: {  	[sflag:s0] =	ssyncset.done $0x0  }
0x4c: {  	s17 =	simm.s32 $0x400;
	[sflag:s0] =	ssyncadd.s32 $0xFFFFE000  }
0x4d: {  	[tilespmem:s18], [sflag:$0x4] =	stream.indirect.gather [hbm4b:s7+s12], $0x40, s17, s12, $0xb8;
	[tilespmem:$0x1E000] =	vst v63  }
0x4e: {  	_ =	swait.ge [sflag:s1], $0x2000  }
0x4f: {  	[sflag:s1] =	ssyncset.done $0x0  }
0x50: {  	s3 =	simm.s32 $0xA00;
	s15 =	simm.s32 $0x480;
	[sflag:s1] =	ssyncadd.s32 $0xFFFFE000  }
.LBB2_2:
0x51: {  	[tilespmem:s20], [sflag:$0x5] =	stream.indirect.gather [hbm4b:s7+s12], $0x40, s15, s12, $0xb8;
	[tilespmem:$0x1E000] =	vst v63  }
0x52: {  	s15 =	smov.u32 s3  }
0x53: {  	p1 =	sne.s32 s3, $0x12C00;
	s3 =	sadd.s32 $0xA00, s3;
	_ =	swait.ge [sflag:s21], $0x2000  }
0x54: {  	s15 =	sshra.s32 s15, $0x2;
	[sflag:s21] =	ssyncset.done $0x0  }
0x55: {  	s17 =	sadd.s32 $0x5000, s15;
	[sflag:s21] =	ssyncadd.s32 $0xFFFFE000  }
0x56: {  	[spmem:s2] =	stream.indirect.scatter.add.f32 [tilespmem:s13], [sflag:$0x6], $0x40, s17, s12, $0xb8;
	[tilespmem:$0x1E000] =	vst v63  }
0x57: {  	_ =	swait.ge [sflag:s22], $0x2000  }
0x58: {  	[sflag:s22] =	ssyncset.done $0x0  }
0x59: {  	s17 =	sadd.s32 $0x5080, s15;
	[sflag:s22] =	ssyncadd.s32 $0xFFFFE000  }
0x5a: {  	[spmem:s2] =	stream.indirect.scatter.add.f32 [tilespmem:s14], [sflag:$0x7], $0x40, s17, s12, $0xb8;
	[tilespmem:$0x1E000] =	vst v63  }
0x5b: {  	_ =	swait.ge [sflag:s24], $0x2000  }
0x5c: {  	[sflag:s24] =	ssyncset.done $0x0  }
0x5d: {  	s17 =	sadd.s32 $0x5100, s15;
	[sflag:s24] =	ssyncadd.s32 $0xFFFFE000  }
0x5e: {  	[spmem:s2] =	stream.indirect.scatter.add.f32 [tilespmem:s16], [sflag:$0x8], $0x40, s17, s12, $0xb8;
	[tilespmem:$0x1E000] =	vst v63  }
0x5f: {  	_ =	swait.ge [sflag:s26], $0x2000  }
0x60: {  	[sflag:s26] =	ssyncset.done $0x0  }
0x61: {  	s17 =	sadd.s32 $0x5180, s15;
	[sflag:s26] =	ssyncadd.s32 $0xFFFFE000  }
0x62: {  	[spmem:s2] =	stream.indirect.scatter.add.f32 [tilespmem:s18], [sflag:$0x9], $0x40, s17, s12, $0xb8;
	[tilespmem:$0x1E000] =	vst v63  }
0x63: {  	_ =	swait.ge [sflag:s28], $0x2000  }
0x64: {  	[sflag:s28] =	ssyncset.done $0x0  }
0x65: {  	s17 =	sadd.s32 $0x5200, s15;
	[sflag:s28] =	ssyncadd.s32 $0xFFFFE000  }
0x66: {  	[spmem:s2] =	stream.indirect.scatter.add.f32 [tilespmem:s20], [sflag:$0xA], $0x40, s17, s12, $0xb8;
	[tilespmem:$0x1E000] =	vst v63  }
0x67: {  	_ =	swait.ge [sflag:s29], $0x2000  }
0x68: {  	[sflag:s29] =	ssyncset.done $0x0  }
0x69: {  	s17 =	sadd.s32 $0x280, s15;
	[sflag:s29] =	ssyncadd.s32 $0xFFFFE000  }
0x6a: {  	[tilespmem:s13], [sflag:$0x1] =	stream.indirect.gather [hbm4b:s7+s12], $0x40, s17, s12, $0xb8;
	[tilespmem:$0x1E000] =	vst v63  }
0x6b: {  	_ =	swait.ge [sflag:s30], $0x2000  }
0x6c: {  	[sflag:s30] =	ssyncset.done $0x0  }
0x6d: {  	s17 =	sadd.s32 $0x300, s15;
	[sflag:s30] =	ssyncadd.s32 $0xFFFFE000  }
0x6e: {  	[tilespmem:s14], [sflag:$0x2] =	stream.indirect.gather [hbm4b:s7+s12], $0x40, s17, s12, $0xb8;
	[tilespmem:$0x1E000] =	vst v63  }
0x6f: {  	_ =	swait.ge [sflag:s31], $0x2000  }
0x70: {  	[sflag:s31] =	ssyncset.done $0x0  }
0x71: {  	s17 =	sadd.s32 $0x380, s15;
	[sflag:s31] =	ssyncadd.s32 $0xFFFFE000  }
0x72: {  	[tilespmem:s16], [sflag:$0x3] =	stream.indirect.gather [hbm4b:s7+s12], $0x40, s17, s12, $0xb8;
	[tilespmem:$0x1E000] =	vst v63  }
0x73: {  	_ =	swait.ge [sflag:s0], $0x2000  }
0x74: {  	[sflag:s0] =	ssyncset.done $0x0  }
.Ltmp0:
0x75: {  	s17 =	sadd.s32 $0x400, s15;
	[sflag:s0] =	ssyncadd.s32 $0xFFFFE000;
	(pc) =	sbr.rel @p1 .LBB2_2-.Ltmp0, $4  }
0x76: {  	[tilespmem:s18], [sflag:$0x4] =	stream.indirect.gather [hbm4b:s7+s12], $0x40, s17, s12, $0xb8;
	[tilespmem:$0x1E000] =	vst v63  }
0x77: {  	_ =	swait.ge [sflag:s1], $0x2000  }
0x78: {  	[sflag:s1] =	ssyncset.done $0x0  }
0x79: {  	s15 =	sadd.s32 $0x480, s15;
	[sflag:s1] =	ssyncadd.s32 $0xFFFFE000  }
0x7a: {  	[tilespmem:s20], [sflag:$0x5] =	stream.indirect.gather [hbm4b:s7+s12], $0x40, s15, s12, $0xb8;
	[tilespmem:$0x1E000] =	vst v63  }
0x7b: {  	_ =	swait.ge [sflag:s21], $0x2000  }
0x7c: {  	[sflag:s21] =	ssyncset.done $0x0  }
0x7d: {  	s3 =	simm.s32 $0x9D80;
	[sflag:s21] =	ssyncadd.s32 $0xFFFFE000  }
0x7e: {  	[spmem:s2] =	stream.indirect.scatter.add.f32 [tilespmem:s13], [sflag:$0x6], $0x40, s3, s12, $0xb8;
	[tilespmem:$0x1E000] =	vst v63  }
0x7f: {  	_ =	swait.ge [sflag:s22], $0x2000  }
0x80: {  	[sflag:s22] =	ssyncset.done $0x0  }
0x81: {  	s15 =	simm.s32 $0x9E00;
	[sflag:s22] =	ssyncadd.s32 $0xFFFFE000  }
0x82: {  	[spmem:s2] =	stream.indirect.scatter.add.f32 [tilespmem:s14], [sflag:$0x7], $0x40, s15, s12, $0xb8;
	[tilespmem:$0x1E000] =	vst v63  }
0x83: {  	_ =	swait.ge [sflag:s24], $0x2000  }
0x84: {  	[sflag:s24] =	ssyncset.done $0x0  }
0x85: {  	s17 =	simm.s32 $0x9E80;
	[sflag:s24] =	ssyncadd.s32 $0xFFFFE000  }
0x86: {  	[spmem:s2] =	stream.indirect.scatter.add.f32 [tilespmem:s16], [sflag:$0x8], $0x40, s17, s12, $0xb8;
	[tilespmem:$0x1E000] =	vst v63  }
0x87: {  	_ =	swait.ge [sflag:s26], $0x2000  }
0x88: {  	[sflag:s26] =	ssyncset.done $0x0  }
0x89: {  	s15 =	simm.s32 $0x9F00;
	[sflag:s26] =	ssyncadd.s32 $0xFFFFE000  }
0x8a: {  	[spmem:s2] =	stream.indirect.scatter.add.f32 [tilespmem:s18], [sflag:$0x9], $0x40, s15, s12, $0xb8;
	[tilespmem:$0x1E000] =	vst v63  }
0x8b: {  	_ =	swait.ge [sflag:s28], $0x2000  }
0x8c: {  	[sflag:s28] =	ssyncset.done $0x0  }
0x8d: {  	[sflag:s28] =	ssyncadd.s32 $0xFFFFE000  }
0x8e: {  	[spmem:s2] =	stream.indirect.scatter.add.f32 [tilespmem:s20], [sflag:$0xA], $0x40, s19, s12, $0xb8;
	[tilespmem:$0x1E000] =	vst v63  }
0x8f: {  	_ =	swait.ge [sflag:s29], $0x2000  }
0x90: {  	[sflag:s29] =	ssyncset.done $0x0  }
0x91: {  	[sflag:s29] =	ssyncadd.s32 $0xFFFFE000  }
0x92: {  	_ =	swait.ge [sflag:s30], $0x2000  }
0x93: {  	[sflag:s30] =	ssyncset.done $0x0  }
0x94: {  	[sflag:s30] =	ssyncadd.s32 $0xFFFFE000  }
0x95: {  	_ =	swait.ge [sflag:s31], $0x2000  }
0x96: {  	[sflag:s31] =	ssyncset.done $0x0  }
0x97: {  	[sflag:s31] =	ssyncadd.s32 $0xFFFFE000  }
0x98: {  	_ =	swait.ge [sflag:s0], $0x2000  }
0x99: {  	[sflag:s0] =	ssyncset.done $0x0  }
0x9a: {  	[sflag:s0] =	ssyncadd.s32 $0xFFFFE000  }
0x9b: {  	_ =	swait.ge [sflag:s1], $0x2000  }
0x9c: {  	s11 =	sadd.s32 $0x1, s11;
	s17 =	stileid.u32;
	[sflag:s1] =	ssyncset.done $0x0  }
0x9d: {  	p1 =	sne.s32 s11, s8;
	s3 =	sshll.u32 s17, $0x6;
	[sflag:s1] =	ssyncadd.s32 $0xFFFFE000  }
.Ltmp1:
0x9e: {  	s3 =	sor.u32 $0x1C0B, s3;
	[bflag:$0x0] =	sbarrier.arrive $0xFFFF;
	(pc) =	sbr.rel @p1 .LBB2_1-.Ltmp1, $4  }
0x9f: {  	[hbm:s23], [sflag:s3] =	dma.local [spmem:s25], $0x1400  }
0xa0: {  	_ =	swait.ge [sflag:s10], $0x1400  }
0xa1: {  	[sflag:s10] =	ssyncset.done $0x0  }
0xa2: {  	[sflag:s10] =	ssyncadd.s32 $0xFFFFEC00  }
0xa3: {  	_ =	sfence.sel $0x180000  }
0xa4: {  	[bflag:$0x0] =	sbarrier.arrive $0xFFFF  }
0xa5: {  	_ =	strace $0x90000050  }
0xa6: {  	[bflag:$0x2] =	sbarrier.arrive $0xFFFF  }
0xa7: {  	s0 =	rddreg [dreg:$0x3]  }
0xa8: {  	s0 =	sadd.s32 @!p0 $0x100000, s0  }
0xa9: {  	[sflag:s0] =	ssyncadd.tile.s32 @!p0 $0x1;
	_ =	shalt  }
.Lfunc_end2:
_tile_overlayer_lowered:
.L_overlay_start_2:
0xaa: {  	(tag) =	ssettag $0x2  }
0xab: {  	s0 =	rddreg [dreg:$0x0];
	s2 =	stileid.u32  }
0xac: {  	s1 =	rddreg [dreg:$0x1];
	p0 =	sne.s32 s2, $0x0  }
0xad: {  	s3 =	rddreg [dreg:$0x2];
	[bflag:$0x3] =	sbarrier.arrive $0xFFFF;
	s2 =	simm.s32 @!p0 $0x1C0B  }
0xae: {  	[timem:s3], [sflag:s2] =	dma.local @!p0 [hbm:s0], s1  }
0xaf: {  	s0 =	simm.s32 @!p0 $0xB  }
0xb0: {  	_ =	swait.ge @!p0 [sflag:s0], s1  }
0xb1: {  	s1 =	ssub.s32 @!p0 $0x0, s1;
	[sflag:s0] =	ssyncset.done @!p0 $0x0  }
0xb2: {  	[sflag:s0] =	ssyncadd.s32 @!p0 s1  }
0xb3: {  	[bflag:$0x3] =	sbarrier.arrive $0xFFFF  }
0xb4: {  	_ =	shalt  }

</sc_bundles>
